<compile_context>
chip_gen: v7x
topology: tpu7x:2x2x1
jax: 0.10.2.dev20260603
libtpu: 0.0.44.dev20260713+nightly
codegen_flags: <defaults>
</compile_context>

<pallas_src>
import functools

import jax
import jax.numpy as jnp
from jax import lax
from jax.experimental import pallas as pl
from jax.experimental.pallas import tpu as pltpu
from jax.experimental.pallas import tpu_sc as plsc

N_NODES = 10000
N_EDGES = 160000
N_PAD = 10240
CHUNK = 125
ROWS = N_EDGES // CHUNK
NC = 2
NS = 16

_MESH = plsc.VectorSubcoreMesh(core_axis_name="c", subcore_axis_name="s")
_SC_PARAMS = pltpu.CompilerParams(use_tc_tiling_on_sc=False)


@functools.partial(
    pl.kernel,
    mesh=_MESH,
    compiler_params=_SC_PARAMS,
    out_type=jax.ShapeDtypeStruct((N_PAD,), jnp.float32),
    scratch_types=[
        pltpu.VMEM_SHARED((N_PAD,), jnp.float32),
        pltpu.VMEM((80, CHUNK), jnp.int32),
        pltpu.VMEM((CHUNK,), jnp.float32),
        pltpu.VMEM((640,), jnp.float32),
    ],
)
def _k1_deg(dst_hbm, ones_hbm, z640_hbm, deg_out, deg_sh, dstv, onesv, zv):
    c = lax.axis_index("c")
    s = lax.axis_index("s")
    pltpu.sync_copy(z640_hbm, zv)
    pltpu.sync_copy(zv, deg_sh.at[pl.ds(640 * s, 640)])
    pltpu.sync_copy(ones_hbm, onesv)
    pltpu.sync_copy(dst_hbm.at[pl.ds(80 * s, 80)], dstv)
    plsc.subcore_barrier()

    def step(j, carry):
        pltpu.sync_copy(onesv, deg_sh.at[dstv.at[j]], add=True)
        return carry

    lax.fori_loop(0, 80, step, 0)
    plsc.subcore_barrier()

    base = 5120 * c + 320 * s
    pltpu.sync_copy(deg_sh.at[pl.ds(base, 320)], zv.at[pl.ds(0, 320)])
    pltpu.sync_copy(zv.at[pl.ds(0, 320)], deg_out.at[pl.ds(base, 320)])


def _make_agg(width, feat_split, NB):
    AHEAD = NB // 2
    LAG = NB - AHEAD
    R = 80 if feat_split else 40
    G = R // NB

    scratch = [
        pltpu.VMEM_SHARED((N_NODES, width), jnp.float32),
        pltpu.VMEM((R, CHUNK), jnp.int32),
        pltpu.VMEM((R, CHUNK), jnp.int32),
    ]
    scratch += [pltpu.VMEM((CHUNK, width), jnp.float32) for _ in range(NB)]
    scratch += [pltpu.SemaphoreType.DMA, pltpu.SemaphoreType.DMA]

    @functools.partial(
        pl.kernel,
        mesh=_MESH,
        compiler_params=_SC_PARAMS,
        out_type=jax.ShapeDtypeStruct((N_NODES, 128), jnp.float32),
        scratch_types=scratch,
    )
    def agg(u_hbm, src_hbm, dst_hbm, zrows_hbm, p_out, acc_sh, srcv, dstv,
            *bufs_and_sems):
        rows = list(bufs_and_sems[:NB])
        gsem, ssem = bufs_and_sems[NB], bufs_and_sems[NB + 1]
        r0 = rows[0]
        c = lax.axis_index("c")
        s = lax.axis_index("s")
        pltpu.sync_copy(zrows_hbm, r0)
        for k in range(5):
            pltpu.sync_copy(r0, acc_sh.at[pl.ds(625 * s + 125 * k, 125)])
        rowbase = R * s if feat_split else 640 * c + R * s
        pltpu.sync_copy(src_hbm.at[pl.ds(rowbase, R)], srcv)
        pltpu.sync_copy(dst_hbm.at[pl.ds(rowbase, R)], dstv)
        plsc.subcore_barrier()

        u_ref = u_hbm.at[c] if feat_split else u_hbm

        def g_start(j, b):
            pltpu.async_copy(u_ref.at[srcv.at[j]], rows[b], gsem)

        def g_wait(j, b):
            pltpu.make_async_copy(u_ref.at[srcv.at[j]], rows[b], gsem).wait()

        def s_start(j, b):
            pltpu.async_copy(rows[b], acc_sh.at[dstv.at[j]], ssem, add=True)

        def s_wait(j, b):
            pltpu.make_async_copy(rows[b], acc_sh.at[dstv.at[j]], ssem).wait()

        for b in range(AHEAD):
            g_start(b, b)

        def step(g, carry):
            for b in range(NB):
                j = NB * g + b
                g_wait(j, b)
                s_start(j, b)
                nb = (b + AHEAD) % NB
                if b < LAG:
                    @pl.when(g >= 1)
                    def _():
                        s_wait(j - LAG, nb)

                    g_start(j + AHEAD, nb)
                else:
                    s_wait(j - LAG, nb)

                    @pl.when(g <= G - 2)
                    def _():
                        g_start(j + AHEAD, nb)
            return carry

        lax.fori_loop(0, G, step, 0)
        for i in range(LAG):
            s_wait(R - LAG + i, (R - LAG + i) % NB)
        plsc.subcore_barrier()
        pcol = width * c
        pltpu.sync_copy(acc_sh.at[pl.ds(625 * s, 125)], r0)
        for k in range(5):
            buf = rows[k % 2]
            nxt = rows[(k + 1) % 2]
            out_cp = pltpu.async_copy(
                buf,
                p_out.at[pl.ds(625 * s + 125 * k, 125), pl.ds(pcol, width)],
                gsem)
            if k < 4:
                pltpu.async_copy(
                    acc_sh.at[pl.ds(625 * s + 125 * (k + 1), 125)], nxt,
                    ssem).wait()
            out_cp.wait()

    return agg


_agg64 = _make_agg(64, feat_split=True, NB=8)
_agg16 = _make_agg(16, feat_split=False, NB=10)


def _mm_scale_body(x_ref, w_ref, deg_ref, o_ref):
    dinv = lax.rsqrt(deg_ref[...] + 1.0)
    val = jnp.dot(x_ref[...], w_ref[...],
                  preferred_element_type=jnp.float32) * dinv
    o_ref[...] = jnp.stack([val[:, :64], val[:, 64:]], axis=0)


def _layer2_body(p_ref, u_ref, deg_ref, b1_ref, w2_ref, o_ref):
    dinv = lax.rsqrt(deg_ref[...] + 1.0)
    uu = u_ref[...]
    agg = p_ref[...] + jnp.concatenate([uu[0], uu[1]], axis=1)
    h = jnp.maximum(agg * dinv + b1_ref[...], 0.0)
    o_ref[...] = jnp.dot(h, w2_ref[...],
                         preferred_element_type=jnp.float32) * dinv


def _final_body(r_ref, u2_ref, deg_ref, b2_ref, o_ref):
    dinv = lax.rsqrt(deg_ref[...] + 1.0)
    rr = r_ref[...]
    val = (rr[:, :16] + rr[:, 16:32] + u2_ref[...]) * dinv + b2_ref[...]
    o_ref[...] = val[:, :3]


def kernel(x, edge_index, W1, b1, W2, b2):
    f32 = jnp.float32
    ei = edge_index.astype(jnp.int32)
    src2 = ei[0].reshape(ROWS, CHUNK)
    dst2 = ei[1].reshape(ROWS, CHUNK)

    ones125 = jnp.ones((CHUNK,), f32)
    z640 = jnp.zeros((640,), f32)
    z64 = jnp.zeros((CHUNK, 64), f32)
    z16 = jnp.zeros((CHUNK, 16), f32)

    deg = _k1_deg(dst2, ones125, z640)
    deg2d = deg[:, None]

    u = pl.pallas_call(
        _mm_scale_body,
        grid=(10,),
        in_specs=[
            pl.BlockSpec((1000, 500), lambda i: (i, 0)),
            pl.BlockSpec((500, 128), lambda i: (0, 0)),
            pl.BlockSpec((1000, 1), lambda i: (i, 0)),
        ],
        out_specs=pl.BlockSpec((2, 1000, 64), lambda i: (0, i, 0)),
        out_shape=jax.ShapeDtypeStruct((NC, N_NODES, 64), f32),
    )(x, W1, deg2d)

    p = _agg64(u, src2, dst2, z64)

    W2pad = jnp.zeros((128, 16), f32).at[:, :3].set(W2)
    u2 = pl.pallas_call(
        _layer2_body,
        grid=(10,),
        in_specs=[
            pl.BlockSpec((1000, 128), lambda i: (i, 0)),
            pl.BlockSpec((2, 1000, 64), lambda i: (0, i, 0)),
            pl.BlockSpec((1000, 1), lambda i: (i, 0)),
            pl.BlockSpec((1, 128), lambda i: (0, 0)),
            pl.BlockSpec((128, 16), lambda i: (0, 0)),
        ],
        out_specs=pl.BlockSpec((1000, 16), lambda i: (i, 0)),
        out_shape=jax.ShapeDtypeStruct((N_NODES, 16), f32),
    )(p, u, deg2d, b1[None, :], W2pad)

    r = _agg16(u2, src2, dst2, z16)

    b2pad = jnp.zeros((16,), f32).at[:3].set(b2)
    outp = pl.pallas_call(
        _final_body,
        grid=(5,),
        in_specs=[
            pl.BlockSpec((2000, 128), lambda i: (i, 0)),
            pl.BlockSpec((2000, 16), lambda i: (i, 0)),
            pl.BlockSpec((2000, 1), lambda i: (i, 0)),
            pl.BlockSpec((1, 16), lambda i: (0, 0)),
        ],
        out_specs=pl.BlockSpec((2000, 3), lambda i: (i, 0)),
        out_shape=jax.ShapeDtypeStruct((N_NODES, 3), f32),
    )(r, u2, deg2d, b2pad[None, :])

    return outp

# --- scband reference (transcript-rebuilt; emitter-appended) ---
"""Pipeline reference for scband-gcn-73323681677457 (READ-ONLY COPY).

The authoritative reference and input builder live on the scoring server;
editing this copy changes nothing except your own understanding.
"""

import jax, jax.numpy as jnp
import numpy as np

N_NODES = 10000
N_EDGES = 160000
IN_FEAT = 500
HIDDEN = 128
NUM_CLASSES = 3


def gcn_conv(x, edge_index, W, b, num_nodes):
    # GCNConv: add self-loops, symmetric normalization D^-1/2 (A+I) D^-1/2 X W + b
    src = edge_index[0]
    dst = edge_index[1]
    loop = jnp.arange(num_nodes, dtype=src.dtype)
    src = jnp.concatenate([src, loop])
    dst = jnp.concatenate([dst, loop])
    xw = x @ W
    ones = jnp.ones(src.shape[0], dtype=x.dtype)
    deg = jnp.zeros(num_nodes, dtype=x.dtype).at[dst].add(ones)
    dinv = jnp.where(deg > 0, deg ** -0.5, 0.0)
    norm = dinv[src] * dinv[dst]
    msgs = xw[src] * norm[:, None]
    out = jnp.zeros((num_nodes, W.shape[1]), dtype=x.dtype).at[dst].add(msgs)
    return out + b


def setup_inputs(seed: int = 0) -> dict:
    key = jax.random.key(seed)
    k1, k2, k3, k4 = jax.random.split(key, 4)
    x = jax.random.normal(k1, (N_NODES, IN_FEAT), dtype=jnp.float32)
    edge_index = jax.random.randint(k2, (2, N_EDGES), 0, N_NODES).astype(jnp.int64)
    # learned params sized per init_kwargs (in=500, hidden=128, out=3)
    W1 = jax.random.normal(k3, (IN_FEAT, HIDDEN), dtype=jnp.float32) * (1.0 / np.sqrt(IN_FEAT))
    b1 = jnp.zeros((HIDDEN,), dtype=jnp.float32)
    W2 = jax.random.normal(k4, (HIDDEN, NUM_CLASSES), dtype=jnp.float32) * (1.0 / np.sqrt(HIDDEN))
    b2 = jnp.zeros((NUM_CLASSES,), dtype=jnp.float32)
    return {"x": x, "edge_index": edge_index, "W1": W1, "b1": b1, "W2": W2, "b2": b2}


def reference(x, edge_index, W1, b1, W2, b2):
    n = x.shape[0]
    h = gcn_conv(x, edge_index, W1, b1, n)
    h = jax.nn.relu(h)
    # dropout is identity in eval mode (training=False)
    out = gcn_conv(h, edge_index, W2, b2, n)
    return out

if __name__ == "__main__":
    import jax
    _d = setup_inputs()
    print(jax.jit(kernel)(*tuple(_d.values())))

</pallas_src>

<mosaic_0001>
#map = affine_map<(d0, d1) -> (0, 0, 0)>
#map1 = affine_map<(d0, d1) -> (0, 0)>
module attributes {stable_mosaic.version = 14 : i64} {
  func.func @agg(%arg0: i32, %arg1: i32, %arg2: memref<2x10000x64xf32, #tpu.memory_space<hbm>>, %arg3: memref<1280x125xi32, #tpu.memory_space<hbm>>, %arg4: memref<1280x125xi32, #tpu.memory_space<hbm>>, %arg5: memref<125x64xf32, #tpu.memory_space<hbm>>, %arg6: memref<10000x128xf32, #tpu.memory_space<hbm>>, %arg7: memref<10000x64xf32, #tpu.memory_space<vmem_shared>>, %arg8: memref<80x125xi32, #tpu.memory_space<vmem>>, %arg9: memref<80x125xi32, #tpu.memory_space<vmem>>, %arg10: memref<125x64xf32, #tpu.memory_space<vmem>>, %arg11: memref<125x64xf32, #tpu.memory_space<vmem>>, %arg12: memref<125x64xf32, #tpu.memory_space<vmem>>, %arg13: memref<125x64xf32, #tpu.memory_space<vmem>>, %arg14: memref<125x64xf32, #tpu.memory_space<vmem>>, %arg15: memref<125x64xf32, #tpu.memory_space<vmem>>, %arg16: memref<125x64xf32, #tpu.memory_space<vmem>>, %arg17: memref<125x64xf32, #tpu.memory_space<vmem>>, %arg18: memref<!tpu.dma_semaphore, #tpu.memory_space<semaphore_mem>>, %arg19: memref<!tpu.dma_semaphore, #tpu.memory_space<semaphore_mem>>) attributes {dimension_semantics = [#tpu.dimension_semantics<core_parallel>, #tpu.dimension_semantics<subcore_parallel>], iteration_bounds = array<i64: 2, 16>, scalar_prefetch = 0 : i64, scratch_operands = 13 : i64, tpu.core_type = #tpu.core_type<sc_vector_subcore>, window_params = [{transform_indices = #map}, {transform_indices = #map1}, {transform_indices = #map1}, {transform_indices = #map1}, {transform_indices = #map1}]} {
    "tpu.region"() ({
      %run_scoped3A = tpu.sem_alloc : memref<!tpu.dma_semaphore, #tpu.memory_space<semaphore_mem>>
      tpu.enqueue_dma source(%arg5 : memref<125x64xf32, #tpu.memory_space<hbm>>) target(%arg10 : memref<125x64xf32, #tpu.memory_space<vmem>>) target_semaphore(%run_scoped3A : memref<!tpu.dma_semaphore, #tpu.memory_space<semaphore_mem>>)
      tpu.wait_dma2 semaphore(%run_scoped3A : memref<!tpu.dma_semaphore, #tpu.memory_space<semaphore_mem>>) src(%arg5 : memref<125x64xf32, #tpu.memory_space<hbm>>) dst(%arg10 : memref<125x64xf32, #tpu.memory_space<vmem>>)
      tpu.yield
    }) : () -> ()
    %mul3A = arith.constant 625 : i32
    %mul3A_0 = arith.muli %mul3A, %arg1 : i32
    %add3A = arith.constant 0 : i32
    %add3A_1 = arith.addi %mul3A_0, %add3A : i32
    "tpu.region"() ({
      %run_scoped3A = tpu.sem_alloc : memref<!tpu.dma_semaphore, #tpu.memory_space<semaphore_mem>>
      %dma_start3A_188 = arith.constant 0 : i32
      %dma_start3A_189 = tpu.memref_slice %arg7[%add3A_1, %dma_start3A_188] : memref<10000x64xf32, #tpu.memory_space<vmem_shared>> -> memref<125x64xf32, #tpu.memory_space<vmem_shared>>
      %dma_start3A_190 = arith.constant 0 : i32
      %dma_start3A_191 = tpu.memref_slice %arg7[%add3A_1, %dma_start3A_190] : memref<10000x64xf32, #tpu.memory_space<vmem_shared>> -> memref<125x64xf32, #tpu.memory_space<vmem_shared>>
      tpu.enqueue_dma source(%arg10 : memref<125x64xf32, #tpu.memory_space<vmem>>) target(%dma_start3A_191 : memref<125x64xf32, #tpu.memory_space<vmem_shared>>) target_semaphore(%run_scoped3A : memref<!tpu.dma_semaphore, #tpu.memory_space<semaphore_mem>>)
      %dma_wait3A_192 = arith.constant 0 : i32
      %dma_wait3A_193 = tpu.memref_slice %arg7[%add3A_1, %dma_wait3A_192] : memref<10000x64xf32, #tpu.memory_space<vmem_shared>> -> memref<125x64xf32, #tpu.memory_space<vmem_shared>>
      %dma_wait3A_194 = arith.constant 0 : i32
      %dma_wait3A_195 = tpu.memref_slice %arg7[%add3A_1, %dma_wait3A_194] : memref<10000x64xf32, #tpu.memory_space<vmem_shared>> -> memref<125x64xf32, #tpu.memory_space<vmem_shared>>
      tpu.wait_dma2 semaphore(%run_scoped3A : memref<!tpu.dma_semaphore, #tpu.memory_space<semaphore_mem>>) src(%arg10 : memref<125x64xf32, #tpu.memory_space<vmem>>) dst(%dma_wait3A_195 : memref<125x64xf32, #tpu.memory_space<vmem_shared>>)
      tpu.yield
    }) : () -> ()
    %mul3A_2 = arith.constant 625 : i32
    %mul3A_3 = arith.muli %mul3A_2, %arg1 : i32
    %add3A_4 = arith.constant 125 : i32
    %add3A_5 = arith.addi %mul3A_3, %add3A_4 : i32
    "tpu.region"() ({
      %run_scoped3A = tpu.sem_alloc : memref<!tpu.dma_semaphore, #tpu.memory_space<semaphore_mem>>
      %dma_start3A_188 = arith.constant 0 : i32
      %dma_start3A_189 = tpu.memref_slice %arg7[%add3A_5, %dma_start3A_188] : memref<10000x64xf32, #tpu.memory_space<vmem_shared>> -> memref<125x64xf32, #tpu.memory_space<vmem_shared>>
      %dma_start3A_190 = arith.constant 0 : i32
      %dma_start3A_191 = tpu.memref_slice %arg7[%add3A_5, %dma_start3A_190] : memref<10000x64xf32, #tpu.memory_space<vmem_shared>> -> memref<125x64xf32, #tpu.memory_space<vmem_shared>>
      tpu.enqueue_dma source(%arg10 : memref<125x64xf32, #tpu.memory_space<vmem>>) target(%dma_start3A_191 : memref<125x64xf32, #tpu.memory_space<vmem_shared>>) target_semaphore(%run_scoped3A : memref<!tpu.dma_semaphore, #tpu.memory_space<semaphore_mem>>)
      %dma_wait3A_192 = arith.constant 0 : i32
      %dma_wait3A_193 = tpu.memref_slice %arg7[%add3A_5, %dma_wait3A_192] : memref<10000x64xf32, #tpu.memory_space<vmem_shared>> -> memref<125x64xf32, #tpu.memory_space<vmem_shared>>
      %dma_wait3A_194 = arith.constant 0 : i32
      %dma_wait3A_195 = tpu.memref_slice %arg7[%add3A_5, %dma_wait3A_194] : memref<10000x64xf32, #tpu.memory_space<vmem_shared>> -> memref<125x64xf32, #tpu.memory_space<vmem_shared>>
      tpu.wait_dma2 semaphore(%run_scoped3A : memref<!tpu.dma_semaphore, #tpu.memory_space<semaphore_mem>>) src(%arg10 : memref<125x64xf32, #tpu.memory_space<vmem>>) dst(%dma_wait3A_195 : memref<125x64xf32, #tpu.memory_space<vmem_shared>>)
      tpu.yield
    }) : () -> ()
    %mul3A_6 = arith.constant 625 : i32
    %mul3A_7 = arith.muli %mul3A_6, %arg1 : i32
    %add3A_8 = arith.constant 250 : i32
    %add3A_9 = arith.addi %mul3A_7, %add3A_8 : i32
    "tpu.region"() ({
      %run_scoped3A = tpu.sem_alloc : memref<!tpu.dma_semaphore, #tpu.memory_space<semaphore_mem>>
      %dma_start3A_188 = arith.constant 0 : i32
      %dma_start3A_189 = tpu.memref_slice %arg7[%add3A_9, %dma_start3A_188] : memref<10000x64xf32, #tpu.memory_space<vmem_shared>> -> memref<125x64xf32, #tpu.memory_space<vmem_shared>>
      %dma_start3A_190 = arith.constant 0 : i32
      %dma_start3A_191 = tpu.memref_slice %arg7[%add3A_9, %dma_start3A_190] : memref<10000x64xf32, #tpu.memory_space<vmem_shared>> -> memref<125x64xf32, #tpu.memory_space<vmem_shared>>
      tpu.enqueue_dma source(%arg10 : memref<125x64xf32, #tpu.memory_space<vmem>>) target(%dma_start3A_191 : memref<125x64xf32, #tpu.memory_space<vmem_shared>>) target_semaphore(%run_scoped3A : memref<!tpu.dma_semaphore, #tpu.memory_space<semaphore_mem>>)
      %dma_wait3A_192 = arith.constant 0 : i32
      %dma_wait3A_193 = tpu.memref_slice %arg7[%add3A_9, %dma_wait3A_192] : memref<10000x64xf32, #tpu.memory_space<vmem_shared>> -> memref<125x64xf32, #tpu.memory_space<vmem_shared>>
      %dma_wait3A_194 = arith.constant 0 : i32
      %dma_wait3A_195 = tpu.memref_slice %arg7[%add3A_9, %dma_wait3A_194] : memref<10000x64xf32, #tpu.memory_space<vmem_shared>> -> memref<125x64xf32, #tpu.memory_space<vmem_shared>>
      tpu.wait_dma2 semaphore(%run_scoped3A : memref<!tpu.dma_semaphore, #tpu.memory_space<semaphore_mem>>) src(%arg10 : memref<125x64xf32, #tpu.memory_space<vmem>>) dst(%dma_wait3A_195 : memref<125x64xf32, #tpu.memory_space<vmem_shared>>)
      tpu.yield
    }) : () -> ()
    %mul3A_10 = arith.constant 625 : i32
    %mul3A_11 = arith.muli %mul3A_10, %arg1 : i32
    %add3A_12 = arith.constant 375 : i32
    %add3A_13 = arith.addi %mul3A_11, %add3A_12 : i32
    "tpu.region"() ({
      %run_scoped3A = tpu.sem_alloc : memref<!tpu.dma_semaphore, #tpu.memory_space<semaphore_mem>>
      %dma_start3A_188 = arith.constant 0 : i32
      %dma_start3A_189 = tpu.memref_slice %arg7[%add3A_13, %dma_start3A_188] : memref<10000x64xf32, #tpu.memory_space<vmem_shared>> -> memref<125x64xf32, #tpu.memory_space<vmem_shared>>
      %dma_start3A_190 = arith.constant 0 : i32
      %dma_start3A_191 = tpu.memref_slice %arg7[%add3A_13, %dma_start3A_190] : memref<10000x64xf32, #tpu.memory_space<vmem_shared>> -> memref<125x64xf32, #tpu.memory_space<vmem_shared>>
      tpu.enqueue_dma source(%arg10 : memref<125x64xf32, #tpu.memory_space<vmem>>) target(%dma_start3A_191 : memref<125x64xf32, #tpu.memory_space<vmem_shared>>) target_semaphore(%run_scoped3A : memref<!tpu.dma_semaphore, #tpu.memory_space<semaphore_mem>>)
      %dma_wait3A_192 = arith.constant 0 : i32
      %dma_wait3A_193 = tpu.memref_slice %arg7[%add3A_13, %dma_wait3A_192] : memref<10000x64xf32, #tpu.memory_space<vmem_shared>> -> memref<125x64xf32, #tpu.memory_space<vmem_shared>>
      %dma_wait3A_194 = arith.constant 0 : i32
      %dma_wait3A_195 = tpu.memref_slice %arg7[%add3A_13, %dma_wait3A_194] : memref<10000x64xf32, #tpu.memory_space<vmem_shared>> -> memref<125x64xf32, #tpu.memory_space<vmem_shared>>
      tpu.wait_dma2 semaphore(%run_scoped3A : memref<!tpu.dma_semaphore, #tpu.memory_space<semaphore_mem>>) src(%arg10 : memref<125x64xf32, #tpu.memory_space<vmem>>) dst(%dma_wait3A_195 : memref<125x64xf32, #tpu.memory_space<vmem_shared>>)
      tpu.yield
    }) : () -> ()
    %mul3A_14 = arith.constant 625 : i32
    %mul3A_15 = arith.muli %mul3A_14, %arg1 : i32
    %add3A_16 = arith.constant 500 : i32
    %add3A_17 = arith.addi %mul3A_15, %add3A_16 : i32
    "tpu.region"() ({
      %run_scoped3A = tpu.sem_alloc : memref<!tpu.dma_semaphore, #tpu.memory_space<semaphore_mem>>
      %dma_start3A_188 = arith.constant 0 : i32
      %dma_start3A_189 = tpu.memref_slice %arg7[%add3A_17, %dma_start3A_188] : memref<10000x64xf32, #tpu.memory_space<vmem_shared>> -> memref<125x64xf32, #tpu.memory_space<vmem_shared>>
      %dma_start3A_190 = arith.constant 0 : i32
      %dma_start3A_191 = tpu.memref_slice %arg7[%add3A_17, %dma_start3A_190] : memref<10000x64xf32, #tpu.memory_space<vmem_shared>> -> memref<125x64xf32, #tpu.memory_space<vmem_shared>>
      tpu.enqueue_dma source(%arg10 : memref<125x64xf32, #tpu.memory_space<vmem>>) target(%dma_start3A_191 : memref<125x64xf32, #tpu.memory_space<vmem_shared>>) target_semaphore(%run_scoped3A : memref<!tpu.dma_semaphore, #tpu.memory_space<semaphore_mem>>)
      %dma_wait3A_192 = arith.constant 0 : i32
      %dma_wait3A_193 = tpu.memref_slice %arg7[%add3A_17, %dma_wait3A_192] : memref<10000x64xf32, #tpu.memory_space<vmem_shared>> -> memref<125x64xf32, #tpu.memory_space<vmem_shared>>
      %dma_wait3A_194 = arith.constant 0 : i32
      %dma_wait3A_195 = tpu.memref_slice %arg7[%add3A_17, %dma_wait3A_194] : memref<10000x64xf32, #tpu.memory_space<vmem_shared>> -> memref<125x64xf32, #tpu.memory_space<vmem_shared>>
      tpu.wait_dma2 semaphore(%run_scoped3A : memref<!tpu.dma_semaphore, #tpu.memory_space<semaphore_mem>>) src(%arg10 : memref<125x64xf32, #tpu.memory_space<vmem>>) dst(%dma_wait3A_195 : memref<125x64xf32, #tpu.memory_space<vmem_shared>>)
      tpu.yield
    }) : () -> ()
    %mul3A_18 = arith.constant 80 : i32
    %mul3A_19 = arith.muli %mul3A_18, %arg1 : i32
    "tpu.region"() ({
      %run_scoped3A = tpu.sem_alloc : memref<!tpu.dma_semaphore, #tpu.memory_space<semaphore_mem>>
      %dma_start3A_188 = arith.constant 0 : i32
      %dma_start3A_189 = tpu.memref_slice %arg3[%mul3A_19, %dma_start3A_188] : memref<1280x125xi32, #tpu.memory_space<hbm>> -> memref<80x125xi32, #tpu.memory_space<hbm>>
      %dma_start3A_190 = arith.constant 0 : i32
      %dma_start3A_191 = tpu.memref_slice %arg3[%mul3A_19, %dma_start3A_190] : memref<1280x125xi32, #tpu.memory_space<hbm>> -> memref<80x125xi32, #tpu.memory_space<hbm>>
      tpu.enqueue_dma source(%dma_start3A_191 : memref<80x125xi32, #tpu.memory_space<hbm>>) target(%arg8 : memref<80x125xi32, #tpu.memory_space<vmem>>) target_semaphore(%run_scoped3A : memref<!tpu.dma_semaphore, #tpu.memory_space<semaphore_mem>>)
      %dma_wait3A_192 = arith.constant 0 : i32
      %dma_wait3A_193 = tpu.memref_slice %arg3[%mul3A_19, %dma_wait3A_192] : memref<1280x125xi32, #tpu.memory_space<hbm>> -> memref<80x125xi32, #tpu.memory_space<hbm>>
      %dma_wait3A_194 = arith.constant 0 : i32
      %dma_wait3A_195 = tpu.memref_slice %arg3[%mul3A_19, %dma_wait3A_194] : memref<1280x125xi32, #tpu.memory_space<hbm>> -> memref<80x125xi32, #tpu.memory_space<hbm>>
      tpu.wait_dma2 semaphore(%run_scoped3A : memref<!tpu.dma_semaphore, #tpu.memory_space<semaphore_mem>>) src(%dma_wait3A_195 : memref<80x125xi32, #tpu.memory_space<hbm>>) dst(%arg8 : memref<80x125xi32, #tpu.memory_space<vmem>>)
      tpu.yield
    }) : () -> ()
    "tpu.region"() ({
      %run_scoped3A = tpu.sem_alloc : memref<!tpu.dma_semaphore, #tpu.memory_space<semaphore_mem>>
      %dma_start3A_188 = arith.constant 0 : i32
      %dma_start3A_189 = tpu.memref_slice %arg4[%mul3A_19, %dma_start3A_188] : memref<1280x125xi32, #tpu.memory_space<hbm>> -> memref<80x125xi32, #tpu.memory_space<hbm>>
      %dma_start3A_190 = arith.constant 0 : i32
      %dma_start3A_191 = tpu.memref_slice %arg4[%mul3A_19, %dma_start3A_190] : memref<1280x125xi32, #tpu.memory_space<hbm>> -> memref<80x125xi32, #tpu.memory_space<hbm>>
      tpu.enqueue_dma source(%dma_start3A_191 : memref<80x125xi32, #tpu.memory_space<hbm>>) target(%arg9 : memref<80x125xi32, #tpu.memory_space<vmem>>) target_semaphore(%run_scoped3A : memref<!tpu.dma_semaphore, #tpu.memory_space<semaphore_mem>>)
      %dma_wait3A_192 = arith.constant 0 : i32
      %dma_wait3A_193 = tpu.memref_slice %arg4[%mul3A_19, %dma_wait3A_192] : memref<1280x125xi32, #tpu.memory_space<hbm>> -> memref<80x125xi32, #tpu.memory_space<hbm>>
      %dma_wait3A_194 = arith.constant 0 : i32
      %dma_wait3A_195 = tpu.memref_slice %arg4[%mul3A_19, %dma_wait3A_194] : memref<1280x125xi32, #tpu.memory_space<hbm>> -> memref<80x125xi32, #tpu.memory_space<hbm>>
      tpu.wait_dma2 semaphore(%run_scoped3A : memref<!tpu.dma_semaphore, #tpu.memory_space<semaphore_mem>>) src(%dma_wait3A_195 : memref<80x125xi32, #tpu.memory_space<hbm>>) dst(%arg9 : memref<80x125xi32, #tpu.memory_space<vmem>>)
      tpu.yield
    }) : () -> ()
    %barrier3A = arith.constant 0 : index
    tpu.barrier barrier_id(%barrier3A)
    %dma_start3A = arith.constant 0 : i32
    %dma_start3A_20 = arith.constant 0 : i32
    %dma_start3A_21 = tpu.memref_slice %arg8[%dma_start3A, %dma_start3A_20] : memref<80x125xi32, #tpu.memory_space<vmem>> -> memref<1x125xi32, #tpu.memory_space<vmem>>
    %dma_start3A_22 = tpu.memref_squeeze %dma_start3A_21 : memref<1x125xi32, #tpu.memory_space<vmem>> -> memref<125xi32, #tpu.memory_space<vmem>>
    %dma_start3A_23 = arith.constant 0 : i32
    %dma_start3A_24 = arith.constant 0 : i32
    %dma_start3A_25 = tpu.memref_slice %arg2[%arg0, %dma_start3A_23, %dma_start3A_24] : memref<2x10000x64xf32, #tpu.memory_space<hbm>> -> memref<1x10000x64xf32, #tpu.memory_space<hbm>>
    %dma_start3A_26 = tpu.memref_squeeze %dma_start3A_25 : memref<1x10000x64xf32, #tpu.memory_space<hbm>> -> memref<10000x64xf32, #tpu.memory_space<hbm>>
    %dma_start3A_27 = arith.constant 0 : i32
    %dma_start3A_28 = arith.constant 0 : i32
    %dma_start3A_29 = tpu.memref_slice %dma_start3A_26[%dma_start3A_27, %dma_start3A_28] : memref<10000x64xf32, #tpu.memory_space<hbm>> -> memref<10000x64xf32, #tpu.memory_space<hbm>>
    tpu.enqueue_indirect_dma source(%dma_start3A_29 : memref<10000x64xf32, #tpu.memory_space<hbm>>) target(%arg10 : memref<125x64xf32, #tpu.memory_space<vmem>>) offsets(%dma_start3A_22 : memref<125xi32, #tpu.memory_space<vmem>>) semaphore(%arg18 : memref<!tpu.dma_semaphore, #tpu.memory_space<semaphore_mem>>)
    %dma_start3A_30 = arith.constant 1 : i32
    %dma_start3A_31 = arith.constant 0 : i32
    %dma_start3A_32 = tpu.memref_slice %arg8[%dma_start3A_30, %dma_start3A_31] : memref<80x125xi32, #tpu.memory_space<vmem>> -> memref<1x125xi32, #tpu.memory_space<vmem>>
    %dma_start3A_33 = tpu.memref_squeeze %dma_start3A_32 : memref<1x125xi32, #tpu.memory_space<vmem>> -> memref<125xi32, #tpu.memory_space<vmem>>
    %dma_start3A_34 = arith.constant 0 : i32
    %dma_start3A_35 = arith.constant 0 : i32
    %dma_start3A_36 = tpu.memref_slice %arg2[%arg0, %dma_start3A_34, %dma_start3A_35] : memref<2x10000x64xf32, #tpu.memory_space<hbm>> -> memref<1x10000x64xf32, #tpu.memory_space<hbm>>
    %dma_start3A_37 = tpu.memref_squeeze %dma_start3A_36 : memref<1x10000x64xf32, #tpu.memory_space<hbm>> -> memref<10000x64xf32, #tpu.memory_space<hbm>>
    %dma_start3A_38 = arith.constant 0 : i32
    %dma_start3A_39 = arith.constant 0 : i32
    %dma_start3A_40 = tpu.memref_slice %dma_start3A_37[%dma_start3A_38, %dma_start3A_39] : memref<10000x64xf32, #tpu.memory_space<hbm>> -> memref<10000x64xf32, #tpu.memory_space<hbm>>
    tpu.enqueue_indirect_dma source(%dma_start3A_40 : memref<10000x64xf32, #tpu.memory_space<hbm>>) target(%arg11 : memref<125x64xf32, #tpu.memory_space<vmem>>) offsets(%dma_start3A_33 : memref<125xi32, #tpu.memory_space<vmem>>) semaphore(%arg18 : memref<!tpu.dma_semaphore, #tpu.memory_space<semaphore_mem>>)
    %dma_start3A_41 = arith.constant 2 : i32
    %dma_start3A_42 = arith.constant 0 : i32
    %dma_start3A_43 = tpu.memref_slice %arg8[%dma_start3A_41, %dma_start3A_42] : memref<80x125xi32, #tpu.memory_space<vmem>> -> memref<1x125xi32, #tpu.memory_space<vmem>>
    %dma_start3A_44 = tpu.memref_squeeze %dma_start3A_43 : memref<1x125xi32, #tpu.memory_space<vmem>> -> memref<125xi32, #tpu.memory_space<vmem>>
    %dma_start3A_45 = arith.constant 0 : i32
    %dma_start3A_46 = arith.constant 0 : i32
    %dma_start3A_47 = tpu.memref_slice %arg2[%arg0, %dma_start3A_45, %dma_start3A_46] : memref<2x10000x64xf32, #tpu.memory_space<hbm>> -> memref<1x10000x64xf32, #tpu.memory_space<hbm>>
    %dma_start3A_48 = tpu.memref_squeeze %dma_start3A_47 : memref<1x10000x64xf32, #tpu.memory_space<hbm>> -> memref<10000x64xf32, #tpu.memory_space<hbm>>
    %dma_start3A_49 = arith.constant 0 : i32
    %dma_start3A_50 = arith.constant 0 : i32
    %dma_start3A_51 = tpu.memref_slice %dma_start3A_48[%dma_start3A_49, %dma_start3A_50] : memref<10000x64xf32, #tpu.memory_space<hbm>> -> memref<10000x64xf32, #tpu.memory_space<hbm>>
    tpu.enqueue_indirect_dma source(%dma_start3A_51 : memref<10000x64xf32, #tpu.memory_space<hbm>>) target(%arg12 : memref<125x64xf32, #tpu.memory_space<vmem>>) offsets(%dma_start3A_44 : memref<125xi32, #tpu.memory_space<vmem>>) semaphore(%arg18 : memref<!tpu.dma_semaphore, #tpu.memory_space<semaphore_mem>>)
    %dma_start3A_52 = arith.constant 3 : i32
    %dma_start3A_53 = arith.constant 0 : i32
    %dma_start3A_54 = tpu.memref_slice %arg8[%dma_start3A_52, %dma_start3A_53] : memref<80x125xi32, #tpu.memory_space<vmem>> -> memref<1x125xi32, #tpu.memory_space<vmem>>
    %dma_start3A_55 = tpu.memref_squeeze %dma_start3A_54 : memref<1x125xi32, #tpu.memory_space<vmem>> -> memref<125xi32, #tpu.memory_space<vmem>>
    %dma_start3A_56 = arith.constant 0 : i32
    %dma_start3A_57 = arith.constant 0 : i32
    %dma_start3A_58 = tpu.memref_slice %arg2[%arg0, %dma_start3A_56, %dma_start3A_57] : memref<2x10000x64xf32, #tpu.memory_space<hbm>> -> memref<1x10000x64xf32, #tpu.memory_space<hbm>>
    %dma_start3A_59 = tpu.memref_squeeze %dma_start3A_58 : memref<1x10000x64xf32, #tpu.memory_space<hbm>> -> memref<10000x64xf32, #tpu.memory_space<hbm>>
    %dma_start3A_60 = arith.constant 0 : i32
    %dma_start3A_61 = arith.constant 0 : i32
    %dma_start3A_62 = tpu.memref_slice %dma_start3A_59[%dma_start3A_60, %dma_start3A_61] : memref<10000x64xf32, #tpu.memory_space<hbm>> -> memref<10000x64xf32, #tpu.memory_space<hbm>>
    tpu.enqueue_indirect_dma source(%dma_start3A_62 : memref<10000x64xf32, #tpu.memory_space<hbm>>) target(%arg13 : memref<125x64xf32, #tpu.memory_space<vmem>>) offsets(%dma_start3A_55 : memref<125xi32, #tpu.memory_space<vmem>>) semaphore(%arg18 : memref<!tpu.dma_semaphore, #tpu.memory_space<semaphore_mem>>)
    %scan3A = arith.constant 0 : i32
    %scan3A_63 = arith.constant 0 : i32
    %scan3A_64 = arith.constant 10 : i32
    %scan3A_65 = arith.addi %scan3A_63, %scan3A_64 : i32
    %scan3A_66 = arith.constant 1 : i32
    scf.for %scan3A_188 = %scan3A_63 to %scan3A_65 step %scan3A_66  : i32 {
      %mul3A_189 = arith.constant 8 : i32
      %mul3A_190 = arith.muli %mul3A_189, %scan3A_188 : i32
      %add3A_191 = arith.constant 0 : i32
      %add3A_192 = arith.addi %mul3A_190, %add3A_191 : i32
      %dma_wait3A_193 = arith.constant 0 : i32
      %dma_wait3A_194 = tpu.memref_slice %arg8[%add3A_192, %dma_wait3A_193] : memref<80x125xi32, #tpu.memory_space<vmem>> -> memref<1x125xi32, #tpu.memory_space<vmem>>
      %dma_wait3A_195 = tpu.memref_squeeze %dma_wait3A_194 : memref<1x125xi32, #tpu.memory_space<vmem>> -> memref<125xi32, #tpu.memory_space<vmem>>
      %dma_wait3A_196 = arith.constant 0 : i32
      %dma_wait3A_197 = arith.constant 0 : i32
      %dma_wait3A_198 = tpu.memref_slice %arg2[%arg0, %dma_wait3A_196, %dma_wait3A_197] : memref<2x10000x64xf32, #tpu.memory_space<hbm>> -> memref<1x10000x64xf32, #tpu.memory_space<hbm>>
      %dma_wait3A_199 = tpu.memref_squeeze %dma_wait3A_198 : memref<1x10000x64xf32, #tpu.memory_space<hbm>> -> memref<10000x64xf32, #tpu.memory_space<hbm>>
      %dma_wait3A_200 = arith.constant 0 : i32
      %dma_wait3A_201 = arith.constant 0 : i32
      %dma_wait3A_202 = tpu.memref_slice %dma_wait3A_199[%dma_wait3A_200, %dma_wait3A_201] : memref<10000x64xf32, #tpu.memory_space<hbm>> -> memref<10000x64xf32, #tpu.memory_space<hbm>>
      tpu.wait_indirect_dma semaphore(%arg18 : memref<!tpu.dma_semaphore, #tpu.memory_space<semaphore_mem>>) src(%dma_wait3A_202 : memref<10000x64xf32, #tpu.memory_space<hbm>>) dst(%arg10 : memref<125x64xf32, #tpu.memory_space<vmem>>)
      %dma_start3A_203 = arith.constant 0 : i32
      %dma_start3A_204 = tpu.memref_slice %arg9[%add3A_192, %dma_start3A_203] : memref<80x125xi32, #tpu.memory_space<vmem>> -> memref<1x125xi32, #tpu.memory_space<vmem>>
      %dma_start3A_205 = tpu.memref_squeeze %dma_start3A_204 : memref<1x125xi32, #tpu.memory_space<vmem>> -> memref<125xi32, #tpu.memory_space<vmem>>
      %dma_start3A_206 = arith.constant 0 : i32
      %dma_start3A_207 = arith.constant 0 : i32
      %dma_start3A_208 = tpu.memref_slice %arg7[%dma_start3A_206, %dma_start3A_207] : memref<10000x64xf32, #tpu.memory_space<vmem_shared>> -> memref<10000x64xf32, #tpu.memory_space<vmem_shared>>
      tpu.enqueue_indirect_dma source(%arg10 : memref<125x64xf32, #tpu.memory_space<vmem>>) target(%dma_start3A_208 : memref<10000x64xf32, #tpu.memory_space<vmem_shared>>) offsets(%dma_start3A_205 : memref<125xi32, #tpu.memory_space<vmem>>) semaphore(%arg19 : memref<!tpu.dma_semaphore, #tpu.memory_space<semaphore_mem>>) {add = true}
      %ge3A = arith.constant 1 : i32
      %ge3A_209 = arith.cmpi sge, %scan3A_188, %ge3A : i32
      %convert_element_type3A = arith.extui %ge3A_209 : i1 to i32
      %cond3A = arith.constant 0 : i32
      %cond3A_210 = arith.cmpi ne, %convert_element_type3A, %cond3A : i32
      scf.if %cond3A_210 {
        %sub3A_464 = arith.constant 4 : i32
        %sub3A_465 = arith.subi %add3A_192, %sub3A_464 : i32
        %dma_wait3A_466 = arith.constant 0 : i32
        %dma_wait3A_467 = tpu.memref_slice %arg9[%sub3A_465, %dma_wait3A_466] : memref<80x125xi32, #tpu.memory_space<vmem>> -> memref<1x125xi32, #tpu.memory_space<vmem>>
        %dma_wait3A_468 = tpu.memref_squeeze %dma_wait3A_467 : memref<1x125xi32, #tpu.memory_space<vmem>> -> memref<125xi32, #tpu.memory_space<vmem>>
        %dma_wait3A_469 = arith.constant 0 : i32
        %dma_wait3A_470 = arith.constant 0 : i32
        %dma_wait3A_471 = tpu.memref_slice %arg7[%dma_wait3A_469, %dma_wait3A_470] : memref<10000x64xf32, #tpu.memory_space<vmem_shared>> -> memref<10000x64xf32, #tpu.memory_space<vmem_shared>>
        tpu.wait_indirect_dma semaphore(%arg19 : memref<!tpu.dma_semaphore, #tpu.memory_space<semaphore_mem>>) src(%arg14 : memref<125x64xf32, #tpu.memory_space<vmem>>) dst(%dma_wait3A_471 : memref<10000x64xf32, #tpu.memory_space<vmem_shared>>)
      } else {
      }
      %add3A_211 = arith.constant 4 : i32
      %add3A_212 = arith.addi %add3A_192, %add3A_211 : i32
      %dma_start3A_213 = arith.constant 0 : i32
      %dma_start3A_214 = tpu.memref_slice %arg8[%add3A_212, %dma_start3A_213] : memref<80x125xi32, #tpu.memory_space<vmem>> -> memref<1x125xi32, #tpu.memory_space<vmem>>
      %dma_start3A_215 = tpu.memref_squeeze %dma_start3A_214 : memref<1x125xi32, #tpu.memory_space<vmem>> -> memref<125xi32, #tpu.memory_space<vmem>>
      %dma_start3A_216 = arith.constant 0 : i32
      %dma_start3A_217 = arith.constant 0 : i32
      %dma_start3A_218 = tpu.memref_slice %arg2[%arg0, %dma_start3A_216, %dma_start3A_217] : memref<2x10000x64xf32, #tpu.memory_space<hbm>> -> memref<1x10000x64xf32, #tpu.memory_space<hbm>>
      %dma_start3A_219 = tpu.memref_squeeze %dma_start3A_218 : memref<1x10000x64xf32, #tpu.memory_space<hbm>> -> memref<10000x64xf32, #tpu.memory_space<hbm>>
      %dma_start3A_220 = arith.constant 0 : i32
      %dma_start3A_221 = arith.constant 0 : i32
      %dma_start3A_222 = tpu.memref_slice %dma_start3A_219[%dma_start3A_220, %dma_start3A_221] : memref<10000x64xf32, #tpu.memory_space<hbm>> -> memref<10000x64xf32, #tpu.memory_space<hbm>>
      tpu.enqueue_indirect_dma source(%dma_start3A_222 : memref<10000x64xf32, #tpu.memory_space<hbm>>) target(%arg14 : memref<125x64xf32, #tpu.memory_space<vmem>>) offsets(%dma_start3A_215 : memref<125xi32, #tpu.memory_space<vmem>>) semaphore(%arg18 : memref<!tpu.dma_semaphore, #tpu.memory_space<semaphore_mem>>)
      %mul3A_223 = arith.constant 8 : i32
      %mul3A_224 = arith.muli %mul3A_223, %scan3A_188 : i32
      %add3A_225 = arith.constant 1 : i32
      %add3A_226 = arith.addi %mul3A_224, %add3A_225 : i32
      %dma_wait3A_227 = arith.constant 0 : i32
      %dma_wait3A_228 = tpu.memref_slice %arg8[%add3A_226, %dma_wait3A_227] : memref<80x125xi32, #tpu.memory_space<vmem>> -> memref<1x125xi32, #tpu.memory_space<vmem>>
      %dma_wait3A_229 = tpu.memref_squeeze %dma_wait3A_228 : memref<1x125xi32, #tpu.memory_space<vmem>> -> memref<125xi32, #tpu.memory_space<vmem>>
      %dma_wait3A_230 = arith.constant 0 : i32
      %dma_wait3A_231 = arith.constant 0 : i32
      %dma_wait3A_232 = tpu.memref_slice %arg2[%arg0, %dma_wait3A_230, %dma_wait3A_231] : memref<2x10000x64xf32, #tpu.memory_space<hbm>> -> memref<1x10000x64xf32, #tpu.memory_space<hbm>>
      %dma_wait3A_233 = tpu.memref_squeeze %dma_wait3A_232 : memref<1x10000x64xf32, #tpu.memory_space<hbm>> -> memref<10000x64xf32, #tpu.memory_space<hbm>>
      %dma_wait3A_234 = arith.constant 0 : i32
      %dma_wait3A_235 = arith.constant 0 : i32
      %dma_wait3A_236 = tpu.memref_slice %dma_wait3A_233[%dma_wait3A_234, %dma_wait3A_235] : memref<10000x64xf32, #tpu.memory_space<hbm>> -> memref<10000x64xf32, #tpu.memory_space<hbm>>
      tpu.wait_indirect_dma semaphore(%arg18 : memref<!tpu.dma_semaphore, #tpu.memory_space<semaphore_mem>>) src(%dma_wait3A_236 : memref<10000x64xf32, #tpu.memory_space<hbm>>) dst(%arg11 : memref<125x64xf32, #tpu.memory_space<vmem>>)
      %dma_start3A_237 = arith.constant 0 : i32
      %dma_start3A_238 = tpu.memref_slice %arg9[%add3A_226, %dma_start3A_237] : memref<80x125xi32, #tpu.memory_space<vmem>> -> memref<1x125xi32, #tpu.memory_space<vmem>>
      %dma_start3A_239 = tpu.memref_squeeze %dma_start3A_238 : memref<1x125xi32, #tpu.memory_space<vmem>> -> memref<125xi32, #tpu.memory_space<vmem>>
      %dma_start3A_240 = arith.constant 0 : i32
      %dma_start3A_241 = arith.constant 0 : i32
      %dma_start3A_242 = tpu.memref_slice %arg7[%dma_start3A_240, %dma_start3A_241] : memref<10000x64xf32, #tpu.memory_space<vmem_shared>> -> memref<10000x64xf32, #tpu.memory_space<vmem_shared>>
      tpu.enqueue_indirect_dma source(%arg11 : memref<125x64xf32, #tpu.memory_space<vmem>>) target(%dma_start3A_242 : memref<10000x64xf32, #tpu.memory_space<vmem_shared>>) offsets(%dma_start3A_239 : memref<125xi32, #tpu.memory_space<vmem>>) semaphore(%arg19 : memref<!tpu.dma_semaphore, #tpu.memory_space<semaphore_mem>>) {add = true}
      %ge3A_243 = arith.constant 1 : i32
      %ge3A_244 = arith.cmpi sge, %scan3A_188, %ge3A_243 : i32
      %convert_element_type3A_245 = arith.extui %ge3A_244 : i1 to i32
      %cond3A_246 = arith.constant 0 : i32
      %cond3A_247 = arith.cmpi ne, %convert_element_type3A_245, %cond3A_246 : i32
      scf.if %cond3A_247 {
        %sub3A_464 = arith.constant 4 : i32
        %sub3A_465 = arith.subi %add3A_226, %sub3A_464 : i32
        %dma_wait3A_466 = arith.constant 0 : i32
        %dma_wait3A_467 = tpu.memref_slice %arg9[%sub3A_465, %dma_wait3A_466] : memref<80x125xi32, #tpu.memory_space<vmem>> -> memref<1x125xi32, #tpu.memory_space<vmem>>
        %dma_wait3A_468 = tpu.memref_squeeze %dma_wait3A_467 : memref<1x125xi32, #tpu.memory_space<vmem>> -> memref<125xi32, #tpu.memory_space<vmem>>
        %dma_wait3A_469 = arith.constant 0 : i32
        %dma_wait3A_470 = arith.constant 0 : i32
        %dma_wait3A_471 = tpu.memref_slice %arg7[%dma_wait3A_469, %dma_wait3A_470] : memref<10000x64xf32, #tpu.memory_space<vmem_shared>> -> memref<10000x64xf32, #tpu.memory_space<vmem_shared>>
        tpu.wait_indirect_dma semaphore(%arg19 : memref<!tpu.dma_semaphore, #tpu.memory_space<semaphore_mem>>) src(%arg15 : memref<125x64xf32, #tpu.memory_space<vmem>>) dst(%dma_wait3A_471 : memref<10000x64xf32, #tpu.memory_space<vmem_shared>>)
      } else {
      }
      %add3A_248 = arith.constant 4 : i32
      %add3A_249 = arith.addi %add3A_226, %add3A_248 : i32
      %dma_start3A_250 = arith.constant 0 : i32
      %dma_start3A_251 = tpu.memref_slice %arg8[%add3A_249, %dma_start3A_250] : memref<80x125xi32, #tpu.memory_space<vmem>> -> memref<1x125xi32, #tpu.memory_space<vmem>>
      %dma_start3A_252 = tpu.memref_squeeze %dma_start3A_251 : memref<1x125xi32, #tpu.memory_space<vmem>> -> memref<125xi32, #tpu.memory_space<vmem>>
      %dma_start3A_253 = arith.constant 0 : i32
      %dma_start3A_254 = arith.constant 0 : i32
      %dma_start3A_255 = tpu.memref_slice %arg2[%arg0, %dma_start3A_253, %dma_start3A_254] : memref<2x10000x64xf32, #tpu.memory_space<hbm>> -> memref<1x10000x64xf32, #tpu.memory_space<hbm>>
      %dma_start3A_256 = tpu.memref_squeeze %dma_start3A_255 : memref<1x10000x64xf32, #tpu.memory_space<hbm>> -> memref<10000x64xf32, #tpu.memory_space<hbm>>
      %dma_start3A_257 = arith.constant 0 : i32
      %dma_start3A_258 = arith.constant 0 : i32
      %dma_start3A_259 = tpu.memref_slice %dma_start3A_256[%dma_start3A_257, %dma_start3A_258] : memref<10000x64xf32, #tpu.memory_space<hbm>> -> memref<10000x64xf32, #tpu.memory_space<hbm>>
      tpu.enqueue_indirect_dma source(%dma_start3A_259 : memref<10000x64xf32, #tpu.memory_space<hbm>>) target(%arg15 : memref<125x64xf32, #tpu.memory_space<vmem>>) offsets(%dma_start3A_252 : memref<125xi32, #tpu.memory_space<vmem>>) semaphore(%arg18 : memref<!tpu.dma_semaphore, #tpu.memory_space<semaphore_mem>>)
      %mul3A_260 = arith.constant 8 : i32
      %mul3A_261 = arith.muli %mul3A_260, %scan3A_188 : i32
      %add3A_262 = arith.constant 2 : i32
      %add3A_263 = arith.addi %mul3A_261, %add3A_262 : i32
      %dma_wait3A_264 = arith.constant 0 : i32
      %dma_wait3A_265 = tpu.memref_slice %arg8[%add3A_263, %dma_wait3A_264] : memref<80x125xi32, #tpu.memory_space<vmem>> -> memref<1x125xi32, #tpu.memory_space<vmem>>
      %dma_wait3A_266 = tpu.memref_squeeze %dma_wait3A_265 : memref<1x125xi32, #tpu.memory_space<vmem>> -> memref<125xi32, #tpu.memory_space<vmem>>
      %dma_wait3A_267 = arith.constant 0 : i32
      %dma_wait3A_268 = arith.constant 0 : i32
      %dma_wait3A_269 = tpu.memref_slice %arg2[%arg0, %dma_wait3A_267, %dma_wait3A_268] : memref<2x10000x64xf32, #tpu.memory_space<hbm>> -> memref<1x10000x64xf32, #tpu.memory_space<hbm>>
      %dma_wait3A_270 = tpu.memref_squeeze %dma_wait3A_269 : memref<1x10000x64xf32, #tpu.memory_space<hbm>> -> memref<10000x64xf32, #tpu.memory_space<hbm>>
      %dma_wait3A_271 = arith.constant 0 : i32
      %dma_wait3A_272 = arith.constant 0 : i32
      %dma_wait3A_273 = tpu.memref_slice %dma_wait3A_270[%dma_wait3A_271, %dma_wait3A_272] : memref<10000x64xf32, #tpu.memory_space<hbm>> -> memref<10000x64xf32, #tpu.memory_space<hbm>>
      tpu.wait_indirect_dma semaphore(%arg18 : memref<!tpu.dma_semaphore, #tpu.memory_space<semaphore_mem>>) src(%dma_wait3A_273 : memref<10000x64xf32, #tpu.memory_space<hbm>>) dst(%arg12 : memref<125x64xf32, #tpu.memory_space<vmem>>)
      %dma_start3A_274 = arith.constant 0 : i32
      %dma_start3A_275 = tpu.memref_slice %arg9[%add3A_263, %dma_start3A_274] : memref<80x125xi32, #tpu.memory_space<vmem>> -> memref<1x125xi32, #tpu.memory_space<vmem>>
      %dma_start3A_276 = tpu.memref_squeeze %dma_start3A_275 : memref<1x125xi32, #tpu.memory_space<vmem>> -> memref<125xi32, #tpu.memory_space<vmem>>
      %dma_start3A_277 = arith.constant 0 : i32
      %dma_start3A_278 = arith.constant 0 : i32
      %dma_start3A_279 = tpu.memref_slice %arg7[%dma_start3A_277, %dma_start3A_278] : memref<10000x64xf32, #tpu.memory_space<vmem_shared>> -> memref<10000x64xf32, #tpu.memory_space<vmem_shared>>
      tpu.enqueue_indirect_dma source(%arg12 : memref<125x64xf32, #tpu.memory_space<vmem>>) target(%dma_start3A_279 : memref<10000x64xf32, #tpu.memory_space<vmem_shared>>) offsets(%dma_start3A_276 : memref<125xi32, #tpu.memory_space<vmem>>) semaphore(%arg19 : memref<!tpu.dma_semaphore, #tpu.memory_space<semaphore_mem>>) {add = true}
      %ge3A_280 = arith.constant 1 : i32
      %ge3A_281 = arith.cmpi sge, %scan3A_188, %ge3A_280 : i32
      %convert_element_type3A_282 = arith.extui %ge3A_281 : i1 to i32
      %cond3A_283 = arith.constant 0 : i32
      %cond3A_284 = arith.cmpi ne, %convert_element_type3A_282, %cond3A_283 : i32
      scf.if %cond3A_284 {
        %sub3A_464 = arith.constant 4 : i32
        %sub3A_465 = arith.subi %add3A_263, %sub3A_464 : i32
        %dma_wait3A_466 = arith.constant 0 : i32
        %dma_wait3A_467 = tpu.memref_slice %arg9[%sub3A_465, %dma_wait3A_466] : memref<80x125xi32, #tpu.memory_space<vmem>> -> memref<1x125xi32, #tpu.memory_space<vmem>>
        %dma_wait3A_468 = tpu.memref_squeeze %dma_wait3A_467 : memref<1x125xi32, #tpu.memory_space<vmem>> -> memref<125xi32, #tpu.memory_space<vmem>>
        %dma_wait3A_469 = arith.constant 0 : i32
        %dma_wait3A_470 = arith.constant 0 : i32
        %dma_wait3A_471 = tpu.memref_slice %arg7[%dma_wait3A_469, %dma_wait3A_470] : memref<10000x64xf32, #tpu.memory_space<vmem_shared>> -> memref<10000x64xf32, #tpu.memory_space<vmem_shared>>
        tpu.wait_indirect_dma semaphore(%arg19 : memref<!tpu.dma_semaphore, #tpu.memory_space<semaphore_mem>>) src(%arg16 : memref<125x64xf32, #tpu.memory_space<vmem>>) dst(%dma_wait3A_471 : memref<10000x64xf32, #tpu.memory_space<vmem_shared>>)
      } else {
      }
      %add3A_285 = arith.constant 4 : i32
      %add3A_286 = arith.addi %add3A_263, %add3A_285 : i32
      %dma_start3A_287 = arith.constant 0 : i32
      %dma_start3A_288 = tpu.memref_slice %arg8[%add3A_286, %dma_start3A_287] : memref<80x125xi32, #tpu.memory_space<vmem>> -> memref<1x125xi32, #tpu.memory_space<vmem>>
      %dma_start3A_289 = tpu.memref_squeeze %dma_start3A_288 : memref<1x125xi32, #tpu.memory_space<vmem>> -> memref<125xi32, #tpu.memory_space<vmem>>
      %dma_start3A_290 = arith.constant 0 : i32
      %dma_start3A_291 = arith.constant 0 : i32
      %dma_start3A_292 = tpu.memref_slice %arg2[%arg0, %dma_start3A_290, %dma_start3A_291] : memref<2x10000x64xf32, #tpu.memory_space<hbm>> -> memref<1x10000x64xf32, #tpu.memory_space<hbm>>
      %dma_start3A_293 = tpu.memref_squeeze %dma_start3A_292 : memref<1x10000x64xf32, #tpu.memory_space<hbm>> -> memref<10000x64xf32, #tpu.memory_space<hbm>>
      %dma_start3A_294 = arith.constant 0 : i32
      %dma_start3A_295 = arith.constant 0 : i32
      %dma_start3A_296 = tpu.memref_slice %dma_start3A_293[%dma_start3A_294, %dma_start3A_295] : memref<10000x64xf32, #tpu.memory_space<hbm>> -> memref<10000x64xf32, #tpu.memory_space<hbm>>
      tpu.enqueue_indirect_dma source(%dma_start3A_296 : memref<10000x64xf32, #tpu.memory_space<hbm>>) target(%arg16 : memref<125x64xf32, #tpu.memory_space<vmem>>) offsets(%dma_start3A_289 : memref<125xi32, #tpu.memory_space<vmem>>) semaphore(%arg18 : memref<!tpu.dma_semaphore, #tpu.memory_space<semaphore_mem>>)
      %mul3A_297 = arith.constant 8 : i32
      %mul3A_298 = arith.muli %mul3A_297, %scan3A_188 : i32
      %add3A_299 = arith.constant 3 : i32
      %add3A_300 = arith.addi %mul3A_298, %add3A_299 : i32
      %dma_wait3A_301 = arith.constant 0 : i32
      %dma_wait3A_302 = tpu.memref_slice %arg8[%add3A_300, %dma_wait3A_301] : memref<80x125xi32, #tpu.memory_space<vmem>> -> memref<1x125xi32, #tpu.memory_space<vmem>>
      %dma_wait3A_303 = tpu.memref_squeeze %dma_wait3A_302 : memref<1x125xi32, #tpu.memory_space<vmem>> -> memref<125xi32, #tpu.memory_space<vmem>>
      %dma_wait3A_304 = arith.constant 0 : i32
      %dma_wait3A_305 = arith.constant 0 : i32
      %dma_wait3A_306 = tpu.memref_slice %arg2[%arg0, %dma_wait3A_304, %dma_wait3A_305] : memref<2x10000x64xf32, #tpu.memory_space<hbm>> -> memref<1x10000x64xf32, #tpu.memory_space<hbm>>
      %dma_wait3A_307 = tpu.memref_squeeze %dma_wait3A_306 : memref<1x10000x64xf32, #tpu.memory_space<hbm>> -> memref<10000x64xf32, #tpu.memory_space<hbm>>
      %dma_wait3A_308 = arith.constant 0 : i32
      %dma_wait3A_309 = arith.constant 0 : i32
      %dma_wait3A_310 = tpu.memref_slice %dma_wait3A_307[%dma_wait3A_308, %dma_wait3A_309] : memref<10000x64xf32, #tpu.memory_space<hbm>> -> memref<10000x64xf32, #tpu.memory_space<hbm>>
      tpu.wait_indirect_dma semaphore(%arg18 : memref<!tpu.dma_semaphore, #tpu.memory_space<semaphore_mem>>) src(%dma_wait3A_310 : memref<10000x64xf32, #tpu.memory_space<hbm>>) dst(%arg13 : memref<125x64xf32, #tpu.memory_space<vmem>>)
      %dma_start3A_311 = arith.constant 0 : i32
      %dma_start3A_312 = tpu.memref_slice %arg9[%add3A_300, %dma_start3A_311] : memref<80x125xi32, #tpu.memory_space<vmem>> -> memref<1x125xi32, #tpu.memory_space<vmem>>
      %dma_start3A_313 = tpu.memref_squeeze %dma_start3A_312 : memref<1x125xi32, #tpu.memory_space<vmem>> -> memref<125xi32, #tpu.memory_space<vmem>>
      %dma_start3A_314 = arith.constant 0 : i32
      %dma_start3A_315 = arith.constant 0 : i32
      %dma_start3A_316 = tpu.memref_slice %arg7[%dma_start3A_314, %dma_start3A_315] : memref<10000x64xf32, #tpu.memory_space<vmem_shared>> -> memref<10000x64xf32, #tpu.memory_space<vmem_shared>>
      tpu.enqueue_indirect_dma source(%arg13 : memref<125x64xf32, #tpu.memory_space<vmem>>) target(%dma_start3A_316 : memref<10000x64xf32, #tpu.memory_space<vmem_shared>>) offsets(%dma_start3A_313 : memref<125xi32, #tpu.memory_space<vmem>>) semaphore(%arg19 : memref<!tpu.dma_semaphore, #tpu.memory_space<semaphore_mem>>) {add = true}
      %ge3A_317 = arith.constant 1 : i32
      %ge3A_318 = arith.cmpi sge, %scan3A_188, %ge3A_317 : i32
      %convert_element_type3A_319 = arith.extui %ge3A_318 : i1 to i32
      %cond3A_320 = arith.constant 0 : i32
      %cond3A_321 = arith.cmpi ne, %convert_element_type3A_319, %cond3A_320 : i32
      scf.if %cond3A_321 {
        %sub3A_464 = arith.constant 4 : i32
        %sub3A_465 = arith.subi %add3A_300, %sub3A_464 : i32
        %dma_wait3A_466 = arith.constant 0 : i32
        %dma_wait3A_467 = tpu.memref_slice %arg9[%sub3A_465, %dma_wait3A_466] : memref<80x125xi32, #tpu.memory_space<vmem>> -> memref<1x125xi32, #tpu.memory_space<vmem>>
        %dma_wait3A_468 = tpu.memref_squeeze %dma_wait3A_467 : memref<1x125xi32, #tpu.memory_space<vmem>> -> memref<125xi32, #tpu.memory_space<vmem>>
        %dma_wait3A_469 = arith.constant 0 : i32
        %dma_wait3A_470 = arith.constant 0 : i32
        %dma_wait3A_471 = tpu.memref_slice %arg7[%dma_wait3A_469, %dma_wait3A_470] : memref<10000x64xf32, #tpu.memory_space<vmem_shared>> -> memref<10000x64xf32, #tpu.memory_space<vmem_shared>>
        tpu.wait_indirect_dma semaphore(%arg19 : memref<!tpu.dma_semaphore, #tpu.memory_space<semaphore_mem>>) src(%arg17 : memref<125x64xf32, #tpu.memory_space<vmem>>) dst(%dma_wait3A_471 : memref<10000x64xf32, #tpu.memory_space<vmem_shared>>)
      } else {
      }
      %add3A_322 = arith.constant 4 : i32
      %add3A_323 = arith.addi %add3A_300, %add3A_322 : i32
      %dma_start3A_324 = arith.constant 0 : i32
      %dma_start3A_325 = tpu.memref_slice %arg8[%add3A_323, %dma_start3A_324] : memref<80x125xi32, #tpu.memory_space<vmem>> -> memref<1x125xi32, #tpu.memory_space<vmem>>
      %dma_start3A_326 = tpu.memref_squeeze %dma_start3A_325 : memref<1x125xi32, #tpu.memory_space<vmem>> -> memref<125xi32, #tpu.memory_space<vmem>>
      %dma_start3A_327 = arith.constant 0 : i32
      %dma_start3A_328 = arith.constant 0 : i32
      %dma_start3A_329 = tpu.memref_slice %arg2[%arg0, %dma_start3A_327, %dma_start3A_328] : memref<2x10000x64xf32, #tpu.memory_space<hbm>> -> memref<1x10000x64xf32, #tpu.memory_space<hbm>>
      %dma_start3A_330 = tpu.memref_squeeze %dma_start3A_329 : memref<1x10000x64xf32, #tpu.memory_space<hbm>> -> memref<10000x64xf32, #tpu.memory_space<hbm>>
      %dma_start3A_331 = arith.constant 0 : i32
      %dma_start3A_332 = arith.constant 0 : i32
      %dma_start3A_333 = tpu.memref_slice %dma_start3A_330[%dma_start3A_331, %dma_start3A_332] : memref<10000x64xf32, #tpu.memory_space<hbm>> -> memref<10000x64xf32, #tpu.memory_space<hbm>>
      tpu.enqueue_indirect_dma source(%dma_start3A_333 : memref<10000x64xf32, #tpu.memory_space<hbm>>) target(%arg17 : memref<125x64xf32, #tpu.memory_space<vmem>>) offsets(%dma_start3A_326 : memref<125xi32, #tpu.memory_space<vmem>>) semaphore(%arg18 : memref<!tpu.dma_semaphore, #tpu.memory_space<semaphore_mem>>)
      %mul3A_334 = arith.constant 8 : i32
      %mul3A_335 = arith.muli %mul3A_334, %scan3A_188 : i32
      %add3A_336 = arith.constant 4 : i32
      %add3A_337 = arith.addi %mul3A_335, %add3A_336 : i32
      %dma_wait3A_338 = arith.constant 0 : i32
      %dma_wait3A_339 = tpu.memref_slice %arg8[%add3A_337, %dma_wait3A_338] : memref<80x125xi32, #tpu.memory_space<vmem>> -> memref<1x125xi32, #tpu.memory_space<vmem>>
      %dma_wait3A_340 = tpu.memref_squeeze %dma_wait3A_339 : memref<1x125xi32, #tpu.memory_space<vmem>> -> memref<125xi32, #tpu.memory_space<vmem>>
      %dma_wait3A_341 = arith.constant 0 : i32
      %dma_wait3A_342 = arith.constant 0 : i32
      %dma_wait3A_343 = tpu.memref_slice %arg2[%arg0, %dma_wait3A_341, %dma_wait3A_342] : memref<2x10000x64xf32, #tpu.memory_space<hbm>> -> memref<1x10000x64xf32, #tpu.memory_space<hbm>>
      %dma_wait3A_344 = tpu.memref_squeeze %dma_wait3A_343 : memref<1x10000x64xf32, #tpu.memory_space<hbm>> -> memref<10000x64xf32, #tpu.memory_space<hbm>>
      %dma_wait3A_345 = arith.constant 0 : i32
      %dma_wait3A_346 = arith.constant 0 : i32
      %dma_wait3A_347 = tpu.memref_slice %dma_wait3A_344[%dma_wait3A_345, %dma_wait3A_346] : memref<10000x64xf32, #tpu.memory_space<hbm>> -> memref<10000x64xf32, #tpu.memory_space<hbm>>
      tpu.wait_indirect_dma semaphore(%arg18 : memref<!tpu.dma_semaphore, #tpu.memory_space<semaphore_mem>>) src(%dma_wait3A_347 : memref<10000x64xf32, #tpu.memory_space<hbm>>) dst(%arg14 : memref<125x64xf32, #tpu.memory_space<vmem>>)
      %dma_start3A_348 = arith.constant 0 : i32
      %dma_start3A_349 = tpu.memref_slice %arg9[%add3A_337, %dma_start3A_348] : memref<80x125xi32, #tpu.memory_space<vmem>> -> memref<1x125xi32, #tpu.memory_space<vmem>>
      %dma_start3A_350 = tpu.memref_squeeze %dma_start3A_349 : memref<1x125xi32, #tpu.memory_space<vmem>> -> memref<125xi32, #tpu.memory_space<vmem>>
      %dma_start3A_351 = arith.constant 0 : i32
      %dma_start3A_352 = arith.constant 0 : i32
      %dma_start3A_353 = tpu.memref_slice %arg7[%dma_start3A_351, %dma_start3A_352] : memref<10000x64xf32, #tpu.memory_space<vmem_shared>> -> memref<10000x64xf32, #tpu.memory_space<vmem_shared>>
      tpu.enqueue_indirect_dma source(%arg14 : memref<125x64xf32, #tpu.memory_space<vmem>>) target(%dma_start3A_353 : memref<10000x64xf32, #tpu.memory_space<vmem_shared>>) offsets(%dma_start3A_350 : memref<125xi32, #tpu.memory_space<vmem>>) semaphore(%arg19 : memref<!tpu.dma_semaphore, #tpu.memory_space<semaphore_mem>>) {add = true}
      %sub3A = arith.constant 4 : i32
      %sub3A_354 = arith.subi %add3A_337, %sub3A : i32
      %dma_wait3A_355 = arith.constant 0 : i32
      %dma_wait3A_356 = tpu.memref_slice %arg9[%sub3A_354, %dma_wait3A_355] : memref<80x125xi32, #tpu.memory_space<vmem>> -> memref<1x125xi32, #tpu.memory_space<vmem>>
      %dma_wait3A_357 = tpu.memref_squeeze %dma_wait3A_356 : memref<1x125xi32, #tpu.memory_space<vmem>> -> memref<125xi32, #tpu.memory_space<vmem>>
      %dma_wait3A_358 = arith.constant 0 : i32
      %dma_wait3A_359 = arith.constant 0 : i32
      %dma_wait3A_360 = tpu.memref_slice %arg7[%dma_wait3A_358, %dma_wait3A_359] : memref<10000x64xf32, #tpu.memory_space<vmem_shared>> -> memref<10000x64xf32, #tpu.memory_space<vmem_shared>>
      tpu.wait_indirect_dma semaphore(%arg19 : memref<!tpu.dma_semaphore, #tpu.memory_space<semaphore_mem>>) src(%arg10 : memref<125x64xf32, #tpu.memory_space<vmem>>) dst(%dma_wait3A_360 : memref<10000x64xf32, #tpu.memory_space<vmem_shared>>)
      %le3A = arith.constant 8 : i32
      %le3A_361 = arith.cmpi sle, %scan3A_188, %le3A : i32
      %convert_element_type3A_362 = arith.extui %le3A_361 : i1 to i32
      %cond3A_363 = arith.constant 0 : i32
      %cond3A_364 = arith.cmpi ne, %convert_element_type3A_362, %cond3A_363 : i32
      scf.if %cond3A_364 {
        %add3A_464 = arith.constant 4 : i32
        %add3A_465 = arith.addi %add3A_337, %add3A_464 : i32
        %dma_start3A_466 = arith.constant 0 : i32
        %dma_start3A_467 = tpu.memref_slice %arg8[%add3A_465, %dma_start3A_466] : memref<80x125xi32, #tpu.memory_space<vmem>> -> memref<1x125xi32, #tpu.memory_space<vmem>>
        %dma_start3A_468 = tpu.memref_squeeze %dma_start3A_467 : memref<1x125xi32, #tpu.memory_space<vmem>> -> memref<125xi32, #tpu.memory_space<vmem>>
        %dma_start3A_469 = arith.constant 0 : i32
        %dma_start3A_470 = arith.constant 0 : i32
        %dma_start3A_471 = tpu.memref_slice %arg2[%arg0, %dma_start3A_469, %dma_start3A_470] : memref<2x10000x64xf32, #tpu.memory_space<hbm>> -> memref<1x10000x64xf32, #tpu.memory_space<hbm>>
        %dma_start3A_472 = tpu.memref_squeeze %dma_start3A_471 : memref<1x10000x64xf32, #tpu.memory_space<hbm>> -> memref<10000x64xf32, #tpu.memory_space<hbm>>
        %dma_start3A_473 = arith.constant 0 : i32
        %dma_start3A_474 = arith.constant 0 : i32
        %dma_start3A_475 = tpu.memref_slice %dma_start3A_472[%dma_start3A_473, %dma_start3A_474] : memref<10000x64xf32, #tpu.memory_space<hbm>> -> memref<10000x64xf32, #tpu.memory_space<hbm>>
        tpu.enqueue_indirect_dma source(%dma_start3A_475 : memref<10000x64xf32, #tpu.memory_space<hbm>>) target(%arg10 : memref<125x64xf32, #tpu.memory_space<vmem>>) offsets(%dma_start3A_468 : memref<125xi32, #tpu.memory_space<vmem>>) semaphore(%arg18 : memref<!tpu.dma_semaphore, #tpu.memory_space<semaphore_mem>>)
      } else {
      }
      %mul3A_365 = arith.constant 8 : i32
      %mul3A_366 = arith.muli %mul3A_365, %scan3A_188 : i32
      %add3A_367 = arith.constant 5 : i32
      %add3A_368 = arith.addi %mul3A_366, %add3A_367 : i32
      %dma_wait3A_369 = arith.constant 0 : i32
      %dma_wait3A_370 = tpu.memref_slice %arg8[%add3A_368, %dma_wait3A_369] : memref<80x125xi32, #tpu.memory_space<vmem>> -> memref<1x125xi32, #tpu.memory_space<vmem>>
      %dma_wait3A_371 = tpu.memref_squeeze %dma_wait3A_370 : memref<1x125xi32, #tpu.memory_space<vmem>> -> memref<125xi32, #tpu.memory_space<vmem>>
      %dma_wait3A_372 = arith.constant 0 : i32
      %dma_wait3A_373 = arith.constant 0 : i32
      %dma_wait3A_374 = tpu.memref_slice %arg2[%arg0, %dma_wait3A_372, %dma_wait3A_373] : memref<2x10000x64xf32, #tpu.memory_space<hbm>> -> memref<1x10000x64xf32, #tpu.memory_space<hbm>>
      %dma_wait3A_375 = tpu.memref_squeeze %dma_wait3A_374 : memref<1x10000x64xf32, #tpu.memory_space<hbm>> -> memref<10000x64xf32, #tpu.memory_space<hbm>>
      %dma_wait3A_376 = arith.constant 0 : i32
      %dma_wait3A_377 = arith.constant 0 : i32
      %dma_wait3A_378 = tpu.memref_slice %dma_wait3A_375[%dma_wait3A_376, %dma_wait3A_377] : memref<10000x64xf32, #tpu.memory_space<hbm>> -> memref<10000x64xf32, #tpu.memory_space<hbm>>
      tpu.wait_indirect_dma semaphore(%arg18 : memref<!tpu.dma_semaphore, #tpu.memory_space<semaphore_mem>>) src(%dma_wait3A_378 : memref<10000x64xf32, #tpu.memory_space<hbm>>) dst(%arg15 : memref<125x64xf32, #tpu.memory_space<vmem>>)
      %dma_start3A_379 = arith.constant 0 : i32
      %dma_start3A_380 = tpu.memref_slice %arg9[%add3A_368, %dma_start3A_379] : memref<80x125xi32, #tpu.memory_space<vmem>> -> memref<1x125xi32, #tpu.memory_space<vmem>>
      %dma_start3A_381 = tpu.memref_squeeze %dma_start3A_380 : memref<1x125xi32, #tpu.memory_space<vmem>> -> memref<125xi32, #tpu.memory_space<vmem>>
      %dma_start3A_382 = arith.constant 0 : i32
      %dma_start3A_383 = arith.constant 0 : i32
      %dma_start3A_384 = tpu.memref_slice %arg7[%dma_start3A_382, %dma_start3A_383] : memref<10000x64xf32, #tpu.memory_space<vmem_shared>> -> memref<10000x64xf32, #tpu.memory_space<vmem_shared>>
      tpu.enqueue_indirect_dma source(%arg15 : memref<125x64xf32, #tpu.memory_space<vmem>>) target(%dma_start3A_384 : memref<10000x64xf32, #tpu.memory_space<vmem_shared>>) offsets(%dma_start3A_381 : memref<125xi32, #tpu.memory_space<vmem>>) semaphore(%arg19 : memref<!tpu.dma_semaphore, #tpu.memory_space<semaphore_mem>>) {add = true}
      %sub3A_385 = arith.constant 4 : i32
      %sub3A_386 = arith.subi %add3A_368, %sub3A_385 : i32
      %dma_wait3A_387 = arith.constant 0 : i32
      %dma_wait3A_388 = tpu.memref_slice %arg9[%sub3A_386, %dma_wait3A_387] : memref<80x125xi32, #tpu.memory_space<vmem>> -> memref<1x125xi32, #tpu.memory_space<vmem>>
      %dma_wait3A_389 = tpu.memref_squeeze %dma_wait3A_388 : memref<1x125xi32, #tpu.memory_space<vmem>> -> memref<125xi32, #tpu.memory_space<vmem>>
      %dma_wait3A_390 = arith.constant 0 : i32
      %dma_wait3A_391 = arith.constant 0 : i32
      %dma_wait3A_392 = tpu.memref_slice %arg7[%dma_wait3A_390, %dma_wait3A_391] : memref<10000x64xf32, #tpu.memory_space<vmem_shared>> -> memref<10000x64xf32, #tpu.memory_space<vmem_shared>>
      tpu.wait_indirect_dma semaphore(%arg19 : memref<!tpu.dma_semaphore, #tpu.memory_space<semaphore_mem>>) src(%arg11 : memref<125x64xf32, #tpu.memory_space<vmem>>) dst(%dma_wait3A_392 : memref<10000x64xf32, #tpu.memory_space<vmem_shared>>)
      %le3A_393 = arith.constant 8 : i32
      %le3A_394 = arith.cmpi sle, %scan3A_188, %le3A_393 : i32
      %convert_element_type3A_395 = arith.extui %le3A_394 : i1 to i32
      %cond3A_396 = arith.constant 0 : i32
      %cond3A_397 = arith.cmpi ne, %convert_element_type3A_395, %cond3A_396 : i32
      scf.if %cond3A_397 {
        %add3A_464 = arith.constant 4 : i32
        %add3A_465 = arith.addi %add3A_368, %add3A_464 : i32
        %dma_start3A_466 = arith.constant 0 : i32
        %dma_start3A_467 = tpu.memref_slice %arg8[%add3A_465, %dma_start3A_466] : memref<80x125xi32, #tpu.memory_space<vmem>> -> memref<1x125xi32, #tpu.memory_space<vmem>>
        %dma_start3A_468 = tpu.memref_squeeze %dma_start3A_467 : memref<1x125xi32, #tpu.memory_space<vmem>> -> memref<125xi32, #tpu.memory_space<vmem>>
        %dma_start3A_469 = arith.constant 0 : i32
        %dma_start3A_470 = arith.constant 0 : i32
        %dma_start3A_471 = tpu.memref_slice %arg2[%arg0, %dma_start3A_469, %dma_start3A_470] : memref<2x10000x64xf32, #tpu.memory_space<hbm>> -> memref<1x10000x64xf32, #tpu.memory_space<hbm>>
        %dma_start3A_472 = tpu.memref_squeeze %dma_start3A_471 : memref<1x10000x64xf32, #tpu.memory_space<hbm>> -> memref<10000x64xf32, #tpu.memory_space<hbm>>
        %dma_start3A_473 = arith.constant 0 : i32
        %dma_start3A_474 = arith.constant 0 : i32
        %dma_start3A_475 = tpu.memref_slice %dma_start3A_472[%dma_start3A_473, %dma_start3A_474] : memref<10000x64xf32, #tpu.memory_space<hbm>> -> memref<10000x64xf32, #tpu.memory_space<hbm>>
        tpu.enqueue_indirect_dma source(%dma_start3A_475 : memref<10000x64xf32, #tpu.memory_space<hbm>>) target(%arg11 : memref<125x64xf32, #tpu.memory_space<vmem>>) offsets(%dma_start3A_468 : memref<125xi32, #tpu.memory_space<vmem>>) semaphore(%arg18 : memref<!tpu.dma_semaphore, #tpu.memory_space<semaphore_mem>>)
      } else {
      }
      %mul3A_398 = arith.constant 8 : i32
      %mul3A_399 = arith.muli %mul3A_398, %scan3A_188 : i32
      %add3A_400 = arith.constant 6 : i32
      %add3A_401 = arith.addi %mul3A_399, %add3A_400 : i32
      %dma_wait3A_402 = arith.constant 0 : i32
      %dma_wait3A_403 = tpu.memref_slice %arg8[%add3A_401, %dma_wait3A_402] : memref<80x125xi32, #tpu.memory_space<vmem>> -> memref<1x125xi32, #tpu.memory_space<vmem>>
      %dma_wait3A_404 = tpu.memref_squeeze %dma_wait3A_403 : memref<1x125xi32, #tpu.memory_space<vmem>> -> memref<125xi32, #tpu.memory_space<vmem>>
      %dma_wait3A_405 = arith.constant 0 : i32
      %dma_wait3A_406 = arith.constant 0 : i32
      %dma_wait3A_407 = tpu.memref_slice %arg2[%arg0, %dma_wait3A_405, %dma_wait3A_406] : memref<2x10000x64xf32, #tpu.memory_space<hbm>> -> memref<1x10000x64xf32, #tpu.memory_space<hbm>>
      %dma_wait3A_408 = tpu.memref_squeeze %dma_wait3A_407 : memref<1x10000x64xf32, #tpu.memory_space<hbm>> -> memref<10000x64xf32, #tpu.memory_space<hbm>>
      %dma_wait3A_409 = arith.constant 0 : i32
      %dma_wait3A_410 = arith.constant 0 : i32
      %dma_wait3A_411 = tpu.memref_slice %dma_wait3A_408[%dma_wait3A_409, %dma_wait3A_410] : memref<10000x64xf32, #tpu.memory_space<hbm>> -> memref<10000x64xf32, #tpu.memory_space<hbm>>
      tpu.wait_indirect_dma semaphore(%arg18 : memref<!tpu.dma_semaphore, #tpu.memory_space<semaphore_mem>>) src(%dma_wait3A_411 : memref<10000x64xf32, #tpu.memory_space<hbm>>) dst(%arg16 : memref<125x64xf32, #tpu.memory_space<vmem>>)
      %dma_start3A_412 = arith.constant 0 : i32
      %dma_start3A_413 = tpu.memref_slice %arg9[%add3A_401, %dma_start3A_412] : memref<80x125xi32, #tpu.memory_space<vmem>> -> memref<1x125xi32, #tpu.memory_space<vmem>>
      %dma_start3A_414 = tpu.memref_squeeze %dma_start3A_413 : memref<1x125xi32, #tpu.memory_space<vmem>> -> memref<125xi32, #tpu.memory_space<vmem>>
      %dma_start3A_415 = arith.constant 0 : i32
      %dma_start3A_416 = arith.constant 0 : i32
      %dma_start3A_417 = tpu.memref_slice %arg7[%dma_start3A_415, %dma_start3A_416] : memref<10000x64xf32, #tpu.memory_space<vmem_shared>> -> memref<10000x64xf32, #tpu.memory_space<vmem_shared>>
      tpu.enqueue_indirect_dma source(%arg16 : memref<125x64xf32, #tpu.memory_space<vmem>>) target(%dma_start3A_417 : memref<10000x64xf32, #tpu.memory_space<vmem_shared>>) offsets(%dma_start3A_414 : memref<125xi32, #tpu.memory_space<vmem>>) semaphore(%arg19 : memref<!tpu.dma_semaphore, #tpu.memory_space<semaphore_mem>>) {add = true}
      %sub3A_418 = arith.constant 4 : i32
      %sub3A_419 = arith.subi %add3A_401, %sub3A_418 : i32
      %dma_wait3A_420 = arith.constant 0 : i32
      %dma_wait3A_421 = tpu.memref_slice %arg9[%sub3A_419, %dma_wait3A_420] : memref<80x125xi32, #tpu.memory_space<vmem>> -> memref<1x125xi32, #tpu.memory_space<vmem>>
      %dma_wait3A_422 = tpu.memref_squeeze %dma_wait3A_421 : memref<1x125xi32, #tpu.memory_space<vmem>> -> memref<125xi32, #tpu.memory_space<vmem>>
      %dma_wait3A_423 = arith.constant 0 : i32
      %dma_wait3A_424 = arith.constant 0 : i32
      %dma_wait3A_425 = tpu.memref_slice %arg7[%dma_wait3A_423, %dma_wait3A_424] : memref<10000x64xf32, #tpu.memory_space<vmem_shared>> -> memref<10000x64xf32, #tpu.memory_space<vmem_shared>>
      tpu.wait_indirect_dma semaphore(%arg19 : memref<!tpu.dma_semaphore, #tpu.memory_space<semaphore_mem>>) src(%arg12 : memref<125x64xf32, #tpu.memory_space<vmem>>) dst(%dma_wait3A_425 : memref<10000x64xf32, #tpu.memory_space<vmem_shared>>)
      %le3A_426 = arith.constant 8 : i32
      %le3A_427 = arith.cmpi sle, %scan3A_188, %le3A_426 : i32
      %convert_element_type3A_428 = arith.extui %le3A_427 : i1 to i32
      %cond3A_429 = arith.constant 0 : i32
      %cond3A_430 = arith.cmpi ne, %convert_element_type3A_428, %cond3A_429 : i32
      scf.if %cond3A_430 {
        %add3A_464 = arith.constant 4 : i32
        %add3A_465 = arith.addi %add3A_401, %add3A_464 : i32
        %dma_start3A_466 = arith.constant 0 : i32
        %dma_start3A_467 = tpu.memref_slice %arg8[%add3A_465, %dma_start3A_466] : memref<80x125xi32, #tpu.memory_space<vmem>> -> memref<1x125xi32, #tpu.memory_space<vmem>>
        %dma_start3A_468 = tpu.memref_squeeze %dma_start3A_467 : memref<1x125xi32, #tpu.memory_space<vmem>> -> memref<125xi32, #tpu.memory_space<vmem>>
        %dma_start3A_469 = arith.constant 0 : i32
        %dma_start3A_470 = arith.constant 0 : i32
        %dma_start3A_471 = tpu.memref_slice %arg2[%arg0, %dma_start3A_469, %dma_start3A_470] : memref<2x10000x64xf32, #tpu.memory_space<hbm>> -> memref<1x10000x64xf32, #tpu.memory_space<hbm>>
        %dma_start3A_472 = tpu.memref_squeeze %dma_start3A_471 : memref<1x10000x64xf32, #tpu.memory_space<hbm>> -> memref<10000x64xf32, #tpu.memory_space<hbm>>
        %dma_start3A_473 = arith.constant 0 : i32
        %dma_start3A_474 = arith.constant 0 : i32
        %dma_start3A_475 = tpu.memref_slice %dma_start3A_472[%dma_start3A_473, %dma_start3A_474] : memref<10000x64xf32, #tpu.memory_space<hbm>> -> memref<10000x64xf32, #tpu.memory_space<hbm>>
        tpu.enqueue_indirect_dma source(%dma_start3A_475 : memref<10000x64xf32, #tpu.memory_space<hbm>>) target(%arg12 : memref<125x64xf32, #tpu.memory_space<vmem>>) offsets(%dma_start3A_468 : memref<125xi32, #tpu.memory_space<vmem>>) semaphore(%arg18 : memref<!tpu.dma_semaphore, #tpu.memory_space<semaphore_mem>>)
      } else {
      }
      %mul3A_431 = arith.constant 8 : i32
      %mul3A_432 = arith.muli %mul3A_431, %scan3A_188 : i32
      %add3A_433 = arith.constant 7 : i32
      %add3A_434 = arith.addi %mul3A_432, %add3A_433 : i32
      %dma_wait3A_435 = arith.constant 0 : i32
      %dma_wait3A_436 = tpu.memref_slice %arg8[%add3A_434, %dma_wait3A_435] : memref<80x125xi32, #tpu.memory_space<vmem>> -> memref<1x125xi32, #tpu.memory_space<vmem>>
      %dma_wait3A_437 = tpu.memref_squeeze %dma_wait3A_436 : memref<1x125xi32, #tpu.memory_space<vmem>> -> memref<125xi32, #tpu.memory_space<vmem>>
      %dma_wait3A_438 = arith.constant 0 : i32
      %dma_wait3A_439 = arith.constant 0 : i32
      %dma_wait3A_440 = tpu.memref_slice %arg2[%arg0, %dma_wait3A_438, %dma_wait3A_439] : memref<2x10000x64xf32, #tpu.memory_space<hbm>> -> memref<1x10000x64xf32, #tpu.memory_space<hbm>>
      %dma_wait3A_441 = tpu.memref_squeeze %dma_wait3A_440 : memref<1x10000x64xf32, #tpu.memory_space<hbm>> -> memref<10000x64xf32, #tpu.memory_space<hbm>>
      %dma_wait3A_442 = arith.constant 0 : i32
      %dma_wait3A_443 = arith.constant 0 : i32
      %dma_wait3A_444 = tpu.memref_slice %dma_wait3A_441[%dma_wait3A_442, %dma_wait3A_443] : memref<10000x64xf32, #tpu.memory_space<hbm>> -> memref<10000x64xf32, #tpu.memory_space<hbm>>
      tpu.wait_indirect_dma semaphore(%arg18 : memref<!tpu.dma_semaphore, #tpu.memory_space<semaphore_mem>>) src(%dma_wait3A_444 : memref<10000x64xf32, #tpu.memory_space<hbm>>) dst(%arg17 : memref<125x64xf32, #tpu.memory_space<vmem>>)
      %dma_start3A_445 = arith.constant 0 : i32
      %dma_start3A_446 = tpu.memref_slice %arg9[%add3A_434, %dma_start3A_445] : memref<80x125xi32, #tpu.memory_space<vmem>> -> memref<1x125xi32, #tpu.memory_space<vmem>>
      %dma_start3A_447 = tpu.memref_squeeze %dma_start3A_446 : memref<1x125xi32, #tpu.memory_space<vmem>> -> memref<125xi32, #tpu.memory_space<vmem>>
      %dma_start3A_448 = arith.constant 0 : i32
      %dma_start3A_449 = arith.constant 0 : i32
      %dma_start3A_450 = tpu.memref_slice %arg7[%dma_start3A_448, %dma_start3A_449] : memref<10000x64xf32, #tpu.memory_space<vmem_shared>> -> memref<10000x64xf32, #tpu.memory_space<vmem_shared>>
      tpu.enqueue_indirect_dma source(%arg17 : memref<125x64xf32, #tpu.memory_space<vmem>>) target(%dma_start3A_450 : memref<10000x64xf32, #tpu.memory_space<vmem_shared>>) offsets(%dma_start3A_447 : memref<125xi32, #tpu.memory_space<vmem>>) semaphore(%arg19 : memref<!tpu.dma_semaphore, #tpu.memory_space<semaphore_mem>>) {add = true}
      %sub3A_451 = arith.constant 4 : i32
      %sub3A_452 = arith.subi %add3A_434, %sub3A_451 : i32
      %dma_wait3A_453 = arith.constant 0 : i32
      %dma_wait3A_454 = tpu.memref_slice %arg9[%sub3A_452, %dma_wait3A_453] : memref<80x125xi32, #tpu.memory_space<vmem>> -> memref<1x125xi32, #tpu.memory_space<vmem>>
      %dma_wait3A_455 = tpu.memref_squeeze %dma_wait3A_454 : memref<1x125xi32, #tpu.memory_space<vmem>> -> memref<125xi32, #tpu.memory_space<vmem>>
      %dma_wait3A_456 = arith.constant 0 : i32
      %dma_wait3A_457 = arith.constant 0 : i32
      %dma_wait3A_458 = tpu.memref_slice %arg7[%dma_wait3A_456, %dma_wait3A_457] : memref<10000x64xf32, #tpu.memory_space<vmem_shared>> -> memref<10000x64xf32, #tpu.memory_space<vmem_shared>>
      tpu.wait_indirect_dma semaphore(%arg19 : memref<!tpu.dma_semaphore, #tpu.memory_space<semaphore_mem>>) src(%arg13 : memref<125x64xf32, #tpu.memory_space<vmem>>) dst(%dma_wait3A_458 : memref<10000x64xf32, #tpu.memory_space<vmem_shared>>)
      %le3A_459 = arith.constant 8 : i32
      %le3A_460 = arith.cmpi sle, %scan3A_188, %le3A_459 : i32
      %convert_element_type3A_461 = arith.extui %le3A_460 : i1 to i32
      %cond3A_462 = arith.constant 0 : i32
      %cond3A_463 = arith.cmpi ne, %convert_element_type3A_461, %cond3A_462 : i32
      scf.if %cond3A_463 {
        %add3A_464 = arith.constant 4 : i32
        %add3A_465 = arith.addi %add3A_434, %add3A_464 : i32
        %dma_start3A_466 = arith.constant 0 : i32
        %dma_start3A_467 = tpu.memref_slice %arg8[%add3A_465, %dma_start3A_466] : memref<80x125xi32, #tpu.memory_space<vmem>> -> memref<1x125xi32, #tpu.memory_space<vmem>>
        %dma_start3A_468 = tpu.memref_squeeze %dma_start3A_467 : memref<1x125xi32, #tpu.memory_space<vmem>> -> memref<125xi32, #tpu.memory_space<vmem>>
        %dma_start3A_469 = arith.constant 0 : i32
        %dma_start3A_470 = arith.constant 0 : i32
        %dma_start3A_471 = tpu.memref_slice %arg2[%arg0, %dma_start3A_469, %dma_start3A_470] : memref<2x10000x64xf32, #tpu.memory_space<hbm>> -> memref<1x10000x64xf32, #tpu.memory_space<hbm>>
        %dma_start3A_472 = tpu.memref_squeeze %dma_start3A_471 : memref<1x10000x64xf32, #tpu.memory_space<hbm>> -> memref<10000x64xf32, #tpu.memory_space<hbm>>
        %dma_start3A_473 = arith.constant 0 : i32
        %dma_start3A_474 = arith.constant 0 : i32
        %dma_start3A_475 = tpu.memref_slice %dma_start3A_472[%dma_start3A_473, %dma_start3A_474] : memref<10000x64xf32, #tpu.memory_space<hbm>> -> memref<10000x64xf32, #tpu.memory_space<hbm>>
        tpu.enqueue_indirect_dma source(%dma_start3A_475 : memref<10000x64xf32, #tpu.memory_space<hbm>>) target(%arg13 : memref<125x64xf32, #tpu.memory_space<vmem>>) offsets(%dma_start3A_468 : memref<125xi32, #tpu.memory_space<vmem>>) semaphore(%arg18 : memref<!tpu.dma_semaphore, #tpu.memory_space<semaphore_mem>>)
      } else {
      }
    }
    %scan3A_67 = arith.constant 10 : i32
    %dma_wait3A = arith.constant 76 : i32
    %dma_wait3A_68 = arith.constant 0 : i32
    %dma_wait3A_69 = tpu.memref_slice %arg9[%dma_wait3A, %dma_wait3A_68] : memref<80x125xi32, #tpu.memory_space<vmem>> -> memref<1x125xi32, #tpu.memory_space<vmem>>
    %dma_wait3A_70 = tpu.memref_squeeze %dma_wait3A_69 : memref<1x125xi32, #tpu.memory_space<vmem>> -> memref<125xi32, #tpu.memory_space<vmem>>
    %dma_wait3A_71 = arith.constant 0 : i32
    %dma_wait3A_72 = arith.constant 0 : i32
    %dma_wait3A_73 = tpu.memref_slice %arg7[%dma_wait3A_71, %dma_wait3A_72] : memref<10000x64xf32, #tpu.memory_space<vmem_shared>> -> memref<10000x64xf32, #tpu.memory_space<vmem_shared>>
    tpu.wait_indirect_dma semaphore(%arg19 : memref<!tpu.dma_semaphore, #tpu.memory_space<semaphore_mem>>) src(%arg14 : memref<125x64xf32, #tpu.memory_space<vmem>>) dst(%dma_wait3A_73 : memref<10000x64xf32, #tpu.memory_space<vmem_shared>>)
    %dma_wait3A_74 = arith.constant 77 : i32
    %dma_wait3A_75 = arith.constant 0 : i32
    %dma_wait3A_76 = tpu.memref_slice %arg9[%dma_wait3A_74, %dma_wait3A_75] : memref<80x125xi32, #tpu.memory_space<vmem>> -> memref<1x125xi32, #tpu.memory_space<vmem>>
    %dma_wait3A_77 = tpu.memref_squeeze %dma_wait3A_76 : memref<1x125xi32, #tpu.memory_space<vmem>> -> memref<125xi32, #tpu.memory_space<vmem>>
    %dma_wait3A_78 = arith.constant 0 : i32
    %dma_wait3A_79 = arith.constant 0 : i32
    %dma_wait3A_80 = tpu.memref_slice %arg7[%dma_wait3A_78, %dma_wait3A_79] : memref<10000x64xf32, #tpu.memory_space<vmem_shared>> -> memref<10000x64xf32, #tpu.memory_space<vmem_shared>>
    tpu.wait_indirect_dma semaphore(%arg19 : memref<!tpu.dma_semaphore, #tpu.memory_space<semaphore_mem>>) src(%arg15 : memref<125x64xf32, #tpu.memory_space<vmem>>) dst(%dma_wait3A_80 : memref<10000x64xf32, #tpu.memory_space<vmem_shared>>)
    %dma_wait3A_81 = arith.constant 78 : i32
    %dma_wait3A_82 = arith.constant 0 : i32
    %dma_wait3A_83 = tpu.memref_slice %arg9[%dma_wait3A_81, %dma_wait3A_82] : memref<80x125xi32, #tpu.memory_space<vmem>> -> memref<1x125xi32, #tpu.memory_space<vmem>>
    %dma_wait3A_84 = tpu.memref_squeeze %dma_wait3A_83 : memref<1x125xi32, #tpu.memory_space<vmem>> -> memref<125xi32, #tpu.memory_space<vmem>>
    %dma_wait3A_85 = arith.constant 0 : i32
    %dma_wait3A_86 = arith.constant 0 : i32
    %dma_wait3A_87 = tpu.memref_slice %arg7[%dma_wait3A_85, %dma_wait3A_86] : memref<10000x64xf32, #tpu.memory_space<vmem_shared>> -> memref<10000x64xf32, #tpu.memory_space<vmem_shared>>
    tpu.wait_indirect_dma semaphore(%arg19 : memref<!tpu.dma_semaphore, #tpu.memory_space<semaphore_mem>>) src(%arg16 : memref<125x64xf32, #tpu.memory_space<vmem>>) dst(%dma_wait3A_87 : memref<10000x64xf32, #tpu.memory_space<vmem_shared>>)
    %dma_wait3A_88 = arith.constant 79 : i32
    %dma_wait3A_89 = arith.constant 0 : i32
    %dma_wait3A_90 = tpu.memref_slice %arg9[%dma_wait3A_88, %dma_wait3A_89] : memref<80x125xi32, #tpu.memory_space<vmem>> -> memref<1x125xi32, #tpu.memory_space<vmem>>
    %dma_wait3A_91 = tpu.memref_squeeze %dma_wait3A_90 : memref<1x125xi32, #tpu.memory_space<vmem>> -> memref<125xi32, #tpu.memory_space<vmem>>
    %dma_wait3A_92 = arith.constant 0 : i32
    %dma_wait3A_93 = arith.constant 0 : i32
    %dma_wait3A_94 = tpu.memref_slice %arg7[%dma_wait3A_92, %dma_wait3A_93] : memref<10000x64xf32, #tpu.memory_space<vmem_shared>> -> memref<10000x64xf32, #tpu.memory_space<vmem_shared>>
    tpu.wait_indirect_dma semaphore(%arg19 : memref<!tpu.dma_semaphore, #tpu.memory_space<semaphore_mem>>) src(%arg17 : memref<125x64xf32, #tpu.memory_space<vmem>>) dst(%dma_wait3A_94 : memref<10000x64xf32, #tpu.memory_space<vmem_shared>>)
    %barrier3A_95 = arith.constant 0 : index
    tpu.barrier barrier_id(%barrier3A_95)
    %mul3A_96 = arith.constant 64 : i32
    %mul3A_97 = arith.muli %mul3A_96, %arg0 : i32
    %mul3A_98 = arith.constant 625 : i32
    %mul3A_99 = arith.muli %mul3A_98, %arg1 : i32
    "tpu.region"() ({
      %run_scoped3A = tpu.sem_alloc : memref<!tpu.dma_semaphore, #tpu.memory_space<semaphore_mem>>
      %dma_start3A_188 = arith.constant 0 : i32
      %dma_start3A_189 = tpu.memref_slice %arg7[%mul3A_99, %dma_start3A_188] : memref<10000x64xf32, #tpu.memory_space<vmem_shared>> -> memref<125x64xf32, #tpu.memory_space<vmem_shared>>
      %dma_start3A_190 = arith.constant 0 : i32
      %dma_start3A_191 = tpu.memref_slice %arg7[%mul3A_99, %dma_start3A_190] : memref<10000x64xf32, #tpu.memory_space<vmem_shared>> -> memref<125x64xf32, #tpu.memory_space<vmem_shared>>
      tpu.enqueue_dma source(%dma_start3A_191 : memref<125x64xf32, #tpu.memory_space<vmem_shared>>) target(%arg10 : memref<125x64xf32, #tpu.memory_space<vmem>>) target_semaphore(%run_scoped3A : memref<!tpu.dma_semaphore, #tpu.memory_space<semaphore_mem>>)
      %dma_wait3A_192 = arith.constant 0 : i32
      %dma_wait3A_193 = tpu.memref_slice %arg7[%mul3A_99, %dma_wait3A_192] : memref<10000x64xf32, #tpu.memory_space<vmem_shared>> -> memref<125x64xf32, #tpu.memory_space<vmem_shared>>
      %dma_wait3A_194 = arith.constant 0 : i32
      %dma_wait3A_195 = tpu.memref_slice %arg7[%mul3A_99, %dma_wait3A_194] : memref<10000x64xf32, #tpu.memory_space<vmem_shared>> -> memref<125x64xf32, #tpu.memory_space<vmem_shared>>
      tpu.wait_dma2 semaphore(%run_scoped3A : memref<!tpu.dma_semaphore, #tpu.memory_space<semaphore_mem>>) src(%dma_wait3A_195 : memref<125x64xf32, #tpu.memory_space<vmem_shared>>) dst(%arg10 : memref<125x64xf32, #tpu.memory_space<vmem>>)
      tpu.yield
    }) : () -> ()
    %mul3A_100 = arith.constant 625 : i32
    %mul3A_101 = arith.muli %mul3A_100, %arg1 : i32
    %add3A_102 = arith.constant 0 : i32
    %add3A_103 = arith.addi %mul3A_101, %add3A_102 : i32
    %dma_start3A_104 = tpu.memref_slice %arg6[%add3A_103, %mul3A_97] : memref<10000x128xf32, #tpu.memory_space<hbm>> -> memref<125x64xf32, #tpu.memory_space<hbm>>
    %dma_start3A_105 = tpu.memref_slice %arg6[%add3A_103, %mul3A_97] : memref<10000x128xf32, #tpu.memory_space<hbm>> -> memref<125x64xf32, #tpu.memory_space<hbm>>
    tpu.enqueue_dma source(%arg10 : memref<125x64xf32, #tpu.memory_space<vmem>>) target(%dma_start3A_105 : memref<125x64xf32, #tpu.memory_space<hbm>>) target_semaphore(%arg18 : memref<!tpu.dma_semaphore, #tpu.memory_space<semaphore_mem>>)
    %mul3A_106 = arith.constant 625 : i32
    %mul3A_107 = arith.muli %mul3A_106, %arg1 : i32
    %add3A_108 = arith.constant 125 : i32
    %add3A_109 = arith.addi %mul3A_107, %add3A_108 : i32
    %dma_start3A_110 = arith.constant 0 : i32
    %dma_start3A_111 = tpu.memref_slice %arg7[%add3A_109, %dma_start3A_110] : memref<10000x64xf32, #tpu.memory_space<vmem_shared>> -> memref<125x64xf32, #tpu.memory_space<vmem_shared>>
    %dma_start3A_112 = arith.constant 0 : i32
    %dma_start3A_113 = tpu.memref_slice %arg7[%add3A_109, %dma_start3A_112] : memref<10000x64xf32, #tpu.memory_space<vmem_shared>> -> memref<125x64xf32, #tpu.memory_space<vmem_shared>>
    tpu.enqueue_dma source(%dma_start3A_113 : memref<125x64xf32, #tpu.memory_space<vmem_shared>>) target(%arg11 : memref<125x64xf32, #tpu.memory_space<vmem>>) target_semaphore(%arg19 : memref<!tpu.dma_semaphore, #tpu.memory_space<semaphore_mem>>)
    %dma_wait3A_114 = arith.constant 0 : i32
    %dma_wait3A_115 = tpu.memref_slice %arg7[%add3A_109, %dma_wait3A_114] : memref<10000x64xf32, #tpu.memory_space<vmem_shared>> -> memref<125x64xf32, #tpu.memory_space<vmem_shared>>
    %dma_wait3A_116 = arith.constant 0 : i32
    %dma_wait3A_117 = tpu.memref_slice %arg7[%add3A_109, %dma_wait3A_116] : memref<10000x64xf32, #tpu.memory_space<vmem_shared>> -> memref<125x64xf32, #tpu.memory_space<vmem_shared>>
    tpu.wait_dma2 semaphore(%arg19 : memref<!tpu.dma_semaphore, #tpu.memory_space<semaphore_mem>>) src(%dma_wait3A_117 : memref<125x64xf32, #tpu.memory_space<vmem_shared>>) dst(%arg11 : memref<125x64xf32, #tpu.memory_space<vmem>>)
    %dma_wait3A_118 = tpu.memref_slice %arg6[%add3A_103, %mul3A_97] : memref<10000x128xf32, #tpu.memory_space<hbm>> -> memref<125x64xf32, #tpu.memory_space<hbm>>
    %dma_wait3A_119 = tpu.memref_slice %arg6[%add3A_103, %mul3A_97] : memref<10000x128xf32, #tpu.memory_space<hbm>> -> memref<125x64xf32, #tpu.memory_space<hbm>>
    tpu.wait_dma2 semaphore(%arg18 : memref<!tpu.dma_semaphore, #tpu.memory_space<semaphore_mem>>) src(%arg10 : memref<125x64xf32, #tpu.memory_space<vmem>>) dst(%dma_wait3A_119 : memref<125x64xf32, #tpu.memory_space<hbm>>)
    %mul3A_120 = arith.constant 625 : i32
    %mul3A_121 = arith.muli %mul3A_120, %arg1 : i32
    %add3A_122 = arith.constant 125 : i32
    %add3A_123 = arith.addi %mul3A_121, %add3A_122 : i32
    %dma_start3A_124 = tpu.memref_slice %arg6[%add3A_123, %mul3A_97] : memref<10000x128xf32, #tpu.memory_space<hbm>> -> memref<125x64xf32, #tpu.memory_space<hbm>>
    %dma_start3A_125 = tpu.memref_slice %arg6[%add3A_123, %mul3A_97] : memref<10000x128xf32, #tpu.memory_space<hbm>> -> memref<125x64xf32, #tpu.memory_space<hbm>>
    tpu.enqueue_dma source(%arg11 : memref<125x64xf32, #tpu.memory_space<vmem>>) target(%dma_start3A_125 : memref<125x64xf32, #tpu.memory_space<hbm>>) target_semaphore(%arg18 : memref<!tpu.dma_semaphore, #tpu.memory_space<semaphore_mem>>)
    %mul3A_126 = arith.constant 625 : i32
    %mul3A_127 = arith.muli %mul3A_126, %arg1 : i32
    %add3A_128 = arith.constant 250 : i32
    %add3A_129 = arith.addi %mul3A_127, %add3A_128 : i32
    %dma_start3A_130 = arith.constant 0 : i32
    %dma_start3A_131 = tpu.memref_slice %arg7[%add3A_129, %dma_start3A_130] : memref<10000x64xf32, #tpu.memory_space<vmem_shared>> -> memref<125x64xf32, #tpu.memory_space<vmem_shared>>
    %dma_start3A_132 = arith.constant 0 : i32
    %dma_start3A_133 = tpu.memref_slice %arg7[%add3A_129, %dma_start3A_132] : memref<10000x64xf32, #tpu.memory_space<vmem_shared>> -> memref<125x64xf32, #tpu.memory_space<vmem_shared>>
    tpu.enqueue_dma source(%dma_start3A_133 : memref<125x64xf32, #tpu.memory_space<vmem_shared>>) target(%arg10 : memref<125x64xf32, #tpu.memory_space<vmem>>) target_semaphore(%arg19 : memref<!tpu.dma_semaphore, #tpu.memory_space<semaphore_mem>>)
    %dma_wait3A_134 = arith.constant 0 : i32
    %dma_wait3A_135 = tpu.memref_slice %arg7[%add3A_129, %dma_wait3A_134] : memref<10000x64xf32, #tpu.memory_space<vmem_shared>> -> memref<125x64xf32, #tpu.memory_space<vmem_shared>>
    %dma_wait3A_136 = arith.constant 0 : i32
    %dma_wait3A_137 = tpu.memref_slice %arg7[%add3A_129, %dma_wait3A_136] : memref<10000x64xf32, #tpu.memory_space<vmem_shared>> -> memref<125x64xf32, #tpu.memory_space<vmem_shared>>
    tpu.wait_dma2 semaphore(%arg19 : memref<!tpu.dma_semaphore, #tpu.memory_space<semaphore_mem>>) src(%dma_wait3A_137 : memref<125x64xf32, #tpu.memory_space<vmem_shared>>) dst(%arg10 : memref<125x64xf32, #tpu.memory_space<vmem>>)
    %dma_wait3A_138 = tpu.memref_slice %arg6[%add3A_123, %mul3A_97] : memref<10000x128xf32, #tpu.memory_space<hbm>> -> memref<125x64xf32, #tpu.memory_space<hbm>>
    %dma_wait3A_139 = tpu.memref_slice %arg6[%add3A_123, %mul3A_97] : memref<10000x128xf32, #tpu.memory_space<hbm>> -> memref<125x64xf32, #tpu.memory_space<hbm>>
    tpu.wait_dma2 semaphore(%arg18 : memref<!tpu.dma_semaphore, #tpu.memory_space<semaphore_mem>>) src(%arg11 : memref<125x64xf32, #tpu.memory_space<vmem>>) dst(%dma_wait3A_139 : memref<125x64xf32, #tpu.memory_space<hbm>>)
    %mul3A_140 = arith.constant 625 : i32
    %mul3A_141 = arith.muli %mul3A_140, %arg1 : i32
    %add3A_142 = arith.constant 250 : i32
    %add3A_143 = arith.addi %mul3A_141, %add3A_142 : i32
    %dma_start3A_144 = tpu.memref_slice %arg6[%add3A_143, %mul3A_97] : memref<10000x128xf32, #tpu.memory_space<hbm>> -> memref<125x64xf32, #tpu.memory_space<hbm>>
    %dma_start3A_145 = tpu.memref_slice %arg6[%add3A_143, %mul3A_97] : memref<10000x128xf32, #tpu.memory_space<hbm>> -> memref<125x64xf32, #tpu.memory_space<hbm>>
    tpu.enqueue_dma source(%arg10 : memref<125x64xf32, #tpu.memory_space<vmem>>) target(%dma_start3A_145 : memref<125x64xf32, #tpu.memory_space<hbm>>) target_semaphore(%arg18 : memref<!tpu.dma_semaphore, #tpu.memory_space<semaphore_mem>>)
    %mul3A_146 = arith.constant 625 : i32
    %mul3A_147 = arith.muli %mul3A_146, %arg1 : i32
    %add3A_148 = arith.constant 375 : i32
    %add3A_149 = arith.addi %mul3A_147, %add3A_148 : i32
    %dma_start3A_150 = arith.constant 0 : i32
    %dma_start3A_151 = tpu.memref_slice %arg7[%add3A_149, %dma_start3A_150] : memref<10000x64xf32, #tpu.memory_space<vmem_shared>> -> memref<125x64xf32, #tpu.memory_space<vmem_shared>>
    %dma_start3A_152 = arith.constant 0 : i32
    %dma_start3A_153 = tpu.memref_slice %arg7[%add3A_149, %dma_start3A_152] : memref<10000x64xf32, #tpu.memory_space<vmem_shared>> -> memref<125x64xf32, #tpu.memory_space<vmem_shared>>
    tpu.enqueue_dma source(%dma_start3A_153 : memref<125x64xf32, #tpu.memory_space<vmem_shared>>) target(%arg11 : memref<125x64xf32, #tpu.memory_space<vmem>>) target_semaphore(%arg19 : memref<!tpu.dma_semaphore, #tpu.memory_space<semaphore_mem>>)
    %dma_wait3A_154 = arith.constant 0 : i32
    %dma_wait3A_155 = tpu.memref_slice %arg7[%add3A_149, %dma_wait3A_154] : memref<10000x64xf32, #tpu.memory_space<vmem_shared>> -> memref<125x64xf32, #tpu.memory_space<vmem_shared>>
    %dma_wait3A_156 = arith.constant 0 : i32
    %dma_wait3A_157 = tpu.memref_slice %arg7[%add3A_149, %dma_wait3A_156] : memref<10000x64xf32, #tpu.memory_space<vmem_shared>> -> memref<125x64xf32, #tpu.memory_space<vmem_shared>>
    tpu.wait_dma2 semaphore(%arg19 : memref<!tpu.dma_semaphore, #tpu.memory_space<semaphore_mem>>) src(%dma_wait3A_157 : memref<125x64xf32, #tpu.memory_space<vmem_shared>>) dst(%arg11 : memref<125x64xf32, #tpu.memory_space<vmem>>)
    %dma_wait3A_158 = tpu.memref_slice %arg6[%add3A_143, %mul3A_97] : memref<10000x128xf32, #tpu.memory_space<hbm>> -> memref<125x64xf32, #tpu.memory_space<hbm>>
    %dma_wait3A_159 = tpu.memref_slice %arg6[%add3A_143, %mul3A_97] : memref<10000x128xf32, #tpu.memory_space<hbm>> -> memref<125x64xf32, #tpu.memory_space<hbm>>
    tpu.wait_dma2 semaphore(%arg18 : memref<!tpu.dma_semaphore, #tpu.memory_space<semaphore_mem>>) src(%arg10 : memref<125x64xf32, #tpu.memory_space<vmem>>) dst(%dma_wait3A_159 : memref<125x64xf32, #tpu.memory_space<hbm>>)
    %mul3A_160 = arith.constant 625 : i32
    %mul3A_161 = arith.muli %mul3A_160, %arg1 : i32
    %add3A_162 = arith.constant 375 : i32
    %add3A_163 = arith.addi %mul3A_161, %add3A_162 : i32
    %dma_start3A_164 = tpu.memref_slice %arg6[%add3A_163, %mul3A_97] : memref<10000x128xf32, #tpu.memory_space<hbm>> -> memref<125x64xf32, #tpu.memory_space<hbm>>
    %dma_start3A_165 = tpu.memref_slice %arg6[%add3A_163, %mul3A_97] : memref<10000x128xf32, #tpu.memory_space<hbm>> -> memref<125x64xf32, #tpu.memory_space<hbm>>
    tpu.enqueue_dma source(%arg11 : memref<125x64xf32, #tpu.memory_space<vmem>>) target(%dma_start3A_165 : memref<125x64xf32, #tpu.memory_space<hbm>>) target_semaphore(%arg18 : memref<!tpu.dma_semaphore, #tpu.memory_space<semaphore_mem>>)
    %mul3A_166 = arith.constant 625 : i32
    %mul3A_167 = arith.muli %mul3A_166, %arg1 : i32
    %add3A_168 = arith.constant 500 : i32
    %add3A_169 = arith.addi %mul3A_167, %add3A_168 : i32
    %dma_start3A_170 = arith.constant 0 : i32
    %dma_start3A_171 = tpu.memref_slice %arg7[%add3A_169, %dma_start3A_170] : memref<10000x64xf32, #tpu.memory_space<vmem_shared>> -> memref<125x64xf32, #tpu.memory_space<vmem_shared>>
    %dma_start3A_172 = arith.constant 0 : i32
    %dma_start3A_173 = tpu.memref_slice %arg7[%add3A_169, %dma_start3A_172] : memref<10000x64xf32, #tpu.memory_space<vmem_shared>> -> memref<125x64xf32, #tpu.memory_space<vmem_shared>>
    tpu.enqueue_dma source(%dma_start3A_173 : memref<125x64xf32, #tpu.memory_space<vmem_shared>>) target(%arg10 : memref<125x64xf32, #tpu.memory_space<vmem>>) target_semaphore(%arg19 : memref<!tpu.dma_semaphore, #tpu.memory_space<semaphore_mem>>)
    %dma_wait3A_174 = arith.constant 0 : i32
    %dma_wait3A_175 = tpu.memref_slice %arg7[%add3A_169, %dma_wait3A_174] : memref<10000x64xf32, #tpu.memory_space<vmem_shared>> -> memref<125x64xf32, #tpu.memory_space<vmem_shared>>
    %dma_wait3A_176 = arith.constant 0 : i32
    %dma_wait3A_177 = tpu.memref_slice %arg7[%add3A_169, %dma_wait3A_176] : memref<10000x64xf32, #tpu.memory_space<vmem_shared>> -> memref<125x64xf32, #tpu.memory_space<vmem_shared>>
    tpu.wait_dma2 semaphore(%arg19 : memref<!tpu.dma_semaphore, #tpu.memory_space<semaphore_mem>>) src(%dma_wait3A_177 : memref<125x64xf32, #tpu.memory_space<vmem_shared>>) dst(%arg10 : memref<125x64xf32, #tpu.memory_space<vmem>>)
    %dma_wait3A_178 = tpu.memref_slice %arg6[%add3A_163, %mul3A_97] : memref<10000x128xf32, #tpu.memory_space<hbm>> -> memref<125x64xf32, #tpu.memory_space<hbm>>
    %dma_wait3A_179 = tpu.memref_slice %arg6[%add3A_163, %mul3A_97] : memref<10000x128xf32, #tpu.memory_space<hbm>> -> memref<125x64xf32, #tpu.memory_space<hbm>>
    tpu.wait_dma2 semaphore(%arg18 : memref<!tpu.dma_semaphore, #tpu.memory_space<semaphore_mem>>) src(%arg11 : memref<125x64xf32, #tpu.memory_space<vmem>>) dst(%dma_wait3A_179 : memref<125x64xf32, #tpu.memory_space<hbm>>)
    %mul3A_180 = arith.constant 625 : i32
    %mul3A_181 = arith.muli %mul3A_180, %arg1 : i32
    %add3A_182 = arith.constant 500 : i32
    %add3A_183 = arith.addi %mul3A_181, %add3A_182 : i32
    %dma_start3A_184 = tpu.memref_slice %arg6[%add3A_183, %mul3A_97] : memref<10000x128xf32, #tpu.memory_space<hbm>> -> memref<125x64xf32, #tpu.memory_space<hbm>>
    %dma_start3A_185 = tpu.memref_slice %arg6[%add3A_183, %mul3A_97] : memref<10000x128xf32, #tpu.memory_space<hbm>> -> memref<125x64xf32, #tpu.memory_space<hbm>>
    tpu.enqueue_dma source(%arg10 : memref<125x64xf32, #tpu.memory_space<vmem>>) target(%dma_start3A_185 : memref<125x64xf32, #tpu.memory_space<hbm>>) target_semaphore(%arg18 : memref<!tpu.dma_semaphore, #tpu.memory_space<semaphore_mem>>)
    %dma_wait3A_186 = tpu.memref_slice %arg6[%add3A_183, %mul3A_97] : memref<10000x128xf32, #tpu.memory_space<hbm>> -> memref<125x64xf32, #tpu.memory_space<hbm>>
    %dma_wait3A_187 = tpu.memref_slice %arg6[%add3A_183, %mul3A_97] : memref<10000x128xf32, #tpu.memory_space<hbm>> -> memref<125x64xf32, #tpu.memory_space<hbm>>
    tpu.wait_dma2 semaphore(%arg18 : memref<!tpu.dma_semaphore, #tpu.memory_space<semaphore_mem>>) src(%arg10 : memref<125x64xf32, #tpu.memory_space<vmem>>) dst(%dma_wait3A_187 : memref<125x64xf32, #tpu.memory_space<hbm>>)
    return
  }
}

#map = affine_map<(d0, d1) -> (0, 0)>
module attributes {stable_mosaic.version = 14 : i64} {
  func.func @agg(%arg0: i32, %arg1: i32, %arg2: memref<10000x16xf32, #tpu.memory_space<hbm>>, %arg3: memref<1280x125xi32, #tpu.memory_space<hbm>>, %arg4: memref<1280x125xi32, #tpu.memory_space<hbm>>, %arg5: memref<125x16xf32, #tpu.memory_space<hbm>>, %arg6: memref<10000x128xf32, #tpu.memory_space<hbm>>, %arg7: memref<10000x16xf32, #tpu.memory_space<vmem_shared>>, %arg8: memref<40x125xi32, #tpu.memory_space<vmem>>, %arg9: memref<40x125xi32, #tpu.memory_space<vmem>>, %arg10: memref<125x16xf32, #tpu.memory_space<vmem>>, %arg11: memref<125x16xf32, #tpu.memory_space<vmem>>, %arg12: memref<125x16xf32, #tpu.memory_space<vmem>>, %arg13: memref<125x16xf32, #tpu.memory_space<vmem>>, %arg14: memref<125x16xf32, #tpu.memory_space<vmem>>, %arg15: memref<125x16xf32, #tpu.memory_space<vmem>>, %arg16: memref<125x16xf32, #tpu.memory_space<vmem>>, %arg17: memref<125x16xf32, #tpu.memory_space<vmem>>, %arg18: memref<125x16xf32, #tpu.memory_space<vmem>>, %arg19: memref<125x16xf32, #tpu.memory_space<vmem>>, %arg20: memref<!tpu.dma_semaphore, #tpu.memory_space<semaphore_mem>>, %arg21: memref<!tpu.dma_semaphore, #tpu.memory_space<semaphore_mem>>) attributes {dimension_semantics = [#tpu.dimension_semantics<core_parallel>, #tpu.dimension_semantics<subcore_parallel>], iteration_bounds = array<i64: 2, 16>, scalar_prefetch = 0 : i64, scratch_operands = 15 : i64, tpu.core_type = #tpu.core_type<sc_vector_subcore>, window_params = [{transform_indices = #map}, {transform_indices = #map}, {transform_indices = #map}, {transform_indices = #map}, {transform_indices = #map}]} {
    "tpu.region"() ({
      %run_scoped3A = tpu.sem_alloc : memref<!tpu.dma_semaphore, #tpu.memory_space<semaphore_mem>>
      tpu.enqueue_dma source(%arg5 : memref<125x16xf32, #tpu.memory_space<hbm>>) target(%arg10 : memref<125x16xf32, #tpu.memory_space<vmem>>) target_semaphore(%run_scoped3A : memref<!tpu.dma_semaphore, #tpu.memory_space<semaphore_mem>>)
      tpu.wait_dma2 semaphore(%run_scoped3A : memref<!tpu.dma_semaphore, #tpu.memory_space<semaphore_mem>>) src(%arg5 : memref<125x16xf32, #tpu.memory_space<hbm>>) dst(%arg10 : memref<125x16xf32, #tpu.memory_space<vmem>>)
      tpu.yield
    }) : () -> ()
    %mul3A = arith.constant 625 : i32
    %mul3A_0 = arith.muli %mul3A, %arg1 : i32
    %add3A = arith.constant 0 : i32
    %add3A_1 = arith.addi %mul3A_0, %add3A : i32
    "tpu.region"() ({
      %run_scoped3A = tpu.sem_alloc : memref<!tpu.dma_semaphore, #tpu.memory_space<semaphore_mem>>
      %dma_start3A_189 = arith.constant 0 : i32
      %dma_start3A_190 = tpu.memref_slice %arg7[%add3A_1, %dma_start3A_189] : memref<10000x16xf32, #tpu.memory_space<vmem_shared>> -> memref<125x16xf32, #tpu.memory_space<vmem_shared>>
      %dma_start3A_191 = arith.constant 0 : i32
      %dma_start3A_192 = tpu.memref_slice %arg7[%add3A_1, %dma_start3A_191] : memref<10000x16xf32, #tpu.memory_space<vmem_shared>> -> memref<125x16xf32, #tpu.memory_space<vmem_shared>>
      tpu.enqueue_dma source(%arg10 : memref<125x16xf32, #tpu.memory_space<vmem>>) target(%dma_start3A_192 : memref<125x16xf32, #tpu.memory_space<vmem_shared>>) target_semaphore(%run_scoped3A : memref<!tpu.dma_semaphore, #tpu.memory_space<semaphore_mem>>)
      %dma_wait3A_193 = arith.constant 0 : i32
      %dma_wait3A_194 = tpu.memref_slice %arg7[%add3A_1, %dma_wait3A_193] : memref<10000x16xf32, #tpu.memory_space<vmem_shared>> -> memref<125x16xf32, #tpu.memory_space<vmem_shared>>
      %dma_wait3A_195 = arith.constant 0 : i32
      %dma_wait3A_196 = tpu.memref_slice %arg7[%add3A_1, %dma_wait3A_195] : memref<10000x16xf32, #tpu.memory_space<vmem_shared>> -> memref<125x16xf32, #tpu.memory_space<vmem_shared>>
      tpu.wait_dma2 semaphore(%run_scoped3A : memref<!tpu.dma_semaphore, #tpu.memory_space<semaphore_mem>>) src(%arg10 : memref<125x16xf32, #tpu.memory_space<vmem>>) dst(%dma_wait3A_196 : memref<125x16xf32, #tpu.memory_space<vmem_shared>>)
      tpu.yield
    }) : () -> ()
    %mul3A_2 = arith.constant 625 : i32
    %mul3A_3 = arith.muli %mul3A_2, %arg1 : i32
    %add3A_4 = arith.constant 125 : i32
    %add3A_5 = arith.addi %mul3A_3, %add3A_4 : i32
    "tpu.region"() ({
      %run_scoped3A = tpu.sem_alloc : memref<!tpu.dma_semaphore, #tpu.memory_space<semaphore_mem>>
      %dma_start3A_189 = arith.constant 0 : i32
      %dma_start3A_190 = tpu.memref_slice %arg7[%add3A_5, %dma_start3A_189] : memref<10000x16xf32, #tpu.memory_space<vmem_shared>> -> memref<125x16xf32, #tpu.memory_space<vmem_shared>>
      %dma_start3A_191 = arith.constant 0 : i32
      %dma_start3A_192 = tpu.memref_slice %arg7[%add3A_5, %dma_start3A_191] : memref<10000x16xf32, #tpu.memory_space<vmem_shared>> -> memref<125x16xf32, #tpu.memory_space<vmem_shared>>
      tpu.enqueue_dma source(%arg10 : memref<125x16xf32, #tpu.memory_space<vmem>>) target(%dma_start3A_192 : memref<125x16xf32, #tpu.memory_space<vmem_shared>>) target_semaphore(%run_scoped3A : memref<!tpu.dma_semaphore, #tpu.memory_space<semaphore_mem>>)
      %dma_wait3A_193 = arith.constant 0 : i32
      %dma_wait3A_194 = tpu.memref_slice %arg7[%add3A_5, %dma_wait3A_193] : memref<10000x16xf32, #tpu.memory_space<vmem_shared>> -> memref<125x16xf32, #tpu.memory_space<vmem_shared>>
      %dma_wait3A_195 = arith.constant 0 : i32
      %dma_wait3A_196 = tpu.memref_slice %arg7[%add3A_5, %dma_wait3A_195] : memref<10000x16xf32, #tpu.memory_space<vmem_shared>> -> memref<125x16xf32, #tpu.memory_space<vmem_shared>>
      tpu.wait_dma2 semaphore(%run_scoped3A : memref<!tpu.dma_semaphore, #tpu.memory_space<semaphore_mem>>) src(%arg10 : memref<125x16xf32, #tpu.memory_space<vmem>>) dst(%dma_wait3A_196 : memref<125x16xf32, #tpu.memory_space<vmem_shared>>)
      tpu.yield
    }) : () -> ()
    %mul3A_6 = arith.constant 625 : i32
    %mul3A_7 = arith.muli %mul3A_6, %arg1 : i32
    %add3A_8 = arith.constant 250 : i32
    %add3A_9 = arith.addi %mul3A_7, %add3A_8 : i32
    "tpu.region"() ({
      %run_scoped3A = tpu.sem_alloc : memref<!tpu.dma_semaphore, #tpu.memory_space<semaphore_mem>>
      %dma_start3A_189 = arith.constant 0 : i32
      %dma_start3A_190 = tpu.memref_slice %arg7[%add3A_9, %dma_start3A_189] : memref<10000x16xf32, #tpu.memory_space<vmem_shared>> -> memref<125x16xf32, #tpu.memory_space<vmem_shared>>
      %dma_start3A_191 = arith.constant 0 : i32
      %dma_start3A_192 = tpu.memref_slice %arg7[%add3A_9, %dma_start3A_191] : memref<10000x16xf32, #tpu.memory_space<vmem_shared>> -> memref<125x16xf32, #tpu.memory_space<vmem_shared>>
      tpu.enqueue_dma source(%arg10 : memref<125x16xf32, #tpu.memory_space<vmem>>) target(%dma_start3A_192 : memref<125x16xf32, #tpu.memory_space<vmem_shared>>) target_semaphore(%run_scoped3A : memref<!tpu.dma_semaphore, #tpu.memory_space<semaphore_mem>>)
      %dma_wait3A_193 = arith.constant 0 : i32
      %dma_wait3A_194 = tpu.memref_slice %arg7[%add3A_9, %dma_wait3A_193] : memref<10000x16xf32, #tpu.memory_space<vmem_shared>> -> memref<125x16xf32, #tpu.memory_space<vmem_shared>>
      %dma_wait3A_195 = arith.constant 0 : i32
      %dma_wait3A_196 = tpu.memref_slice %arg7[%add3A_9, %dma_wait3A_195] : memref<10000x16xf32, #tpu.memory_space<vmem_shared>> -> memref<125x16xf32, #tpu.memory_space<vmem_shared>>
      tpu.wait_dma2 semaphore(%run_scoped3A : memref<!tpu.dma_semaphore, #tpu.memory_space<semaphore_mem>>) src(%arg10 : memref<125x16xf32, #tpu.memory_space<vmem>>) dst(%dma_wait3A_196 : memref<125x16xf32, #tpu.memory_space<vmem_shared>>)
      tpu.yield
    }) : () -> ()
    %mul3A_10 = arith.constant 625 : i32
    %mul3A_11 = arith.muli %mul3A_10, %arg1 : i32
    %add3A_12 = arith.constant 375 : i32
    %add3A_13 = arith.addi %mul3A_11, %add3A_12 : i32
    "tpu.region"() ({
      %run_scoped3A = tpu.sem_alloc : memref<!tpu.dma_semaphore, #tpu.memory_space<semaphore_mem>>
      %dma_start3A_189 = arith.constant 0 : i32
      %dma_start3A_190 = tpu.memref_slice %arg7[%add3A_13, %dma_start3A_189] : memref<10000x16xf32, #tpu.memory_space<vmem_shared>> -> memref<125x16xf32, #tpu.memory_space<vmem_shared>>
      %dma_start3A_191 = arith.constant 0 : i32
      %dma_start3A_192 = tpu.memref_slice %arg7[%add3A_13, %dma_start3A_191] : memref<10000x16xf32, #tpu.memory_space<vmem_shared>> -> memref<125x16xf32, #tpu.memory_space<vmem_shared>>
      tpu.enqueue_dma source(%arg10 : memref<125x16xf32, #tpu.memory_space<vmem>>) target(%dma_start3A_192 : memref<125x16xf32, #tpu.memory_space<vmem_shared>>) target_semaphore(%run_scoped3A : memref<!tpu.dma_semaphore, #tpu.memory_space<semaphore_mem>>)
      %dma_wait3A_193 = arith.constant 0 : i32
      %dma_wait3A_194 = tpu.memref_slice %arg7[%add3A_13, %dma_wait3A_193] : memref<10000x16xf32, #tpu.memory_space<vmem_shared>> -> memref<125x16xf32, #tpu.memory_space<vmem_shared>>
      %dma_wait3A_195 = arith.constant 0 : i32
      %dma_wait3A_196 = tpu.memref_slice %arg7[%add3A_13, %dma_wait3A_195] : memref<10000x16xf32, #tpu.memory_space<vmem_shared>> -> memref<125x16xf32, #tpu.memory_space<vmem_shared>>
      tpu.wait_dma2 semaphore(%run_scoped3A : memref<!tpu.dma_semaphore, #tpu.memory_space<semaphore_mem>>) src(%arg10 : memref<125x16xf32, #tpu.memory_space<vmem>>) dst(%dma_wait3A_196 : memref<125x16xf32, #tpu.memory_space<vmem_shared>>)
      tpu.yield
    }) : () -> ()
    %mul3A_14 = arith.constant 625 : i32
    %mul3A_15 = arith.muli %mul3A_14, %arg1 : i32
    %add3A_16 = arith.constant 500 : i32
    %add3A_17 = arith.addi %mul3A_15, %add3A_16 : i32
    "tpu.region"() ({
      %run_scoped3A = tpu.sem_alloc : memref<!tpu.dma_semaphore, #tpu.memory_space<semaphore_mem>>
      %dma_start3A_189 = arith.constant 0 : i32
      %dma_start3A_190 = tpu.memref_slice %arg7[%add3A_17, %dma_start3A_189] : memref<10000x16xf32, #tpu.memory_space<vmem_shared>> -> memref<125x16xf32, #tpu.memory_space<vmem_shared>>
      %dma_start3A_191 = arith.constant 0 : i32
      %dma_start3A_192 = tpu.memref_slice %arg7[%add3A_17, %dma_start3A_191] : memref<10000x16xf32, #tpu.memory_space<vmem_shared>> -> memref<125x16xf32, #tpu.memory_space<vmem_shared>>
      tpu.enqueue_dma source(%arg10 : memref<125x16xf32, #tpu.memory_space<vmem>>) target(%dma_start3A_192 : memref<125x16xf32, #tpu.memory_space<vmem_shared>>) target_semaphore(%run_scoped3A : memref<!tpu.dma_semaphore, #tpu.memory_space<semaphore_mem>>)
      %dma_wait3A_193 = arith.constant 0 : i32
      %dma_wait3A_194 = tpu.memref_slice %arg7[%add3A_17, %dma_wait3A_193] : memref<10000x16xf32, #tpu.memory_space<vmem_shared>> -> memref<125x16xf32, #tpu.memory_space<vmem_shared>>
      %dma_wait3A_195 = arith.constant 0 : i32
      %dma_wait3A_196 = tpu.memref_slice %arg7[%add3A_17, %dma_wait3A_195] : memref<10000x16xf32, #tpu.memory_space<vmem_shared>> -> memref<125x16xf32, #tpu.memory_space<vmem_shared>>
      tpu.wait_dma2 semaphore(%run_scoped3A : memref<!tpu.dma_semaphore, #tpu.memory_space<semaphore_mem>>) src(%arg10 : memref<125x16xf32, #tpu.memory_space<vmem>>) dst(%dma_wait3A_196 : memref<125x16xf32, #tpu.memory_space<vmem_shared>>)
      tpu.yield
    }) : () -> ()
    %mul3A_18 = arith.constant 640 : i32
    %mul3A_19 = arith.muli %mul3A_18, %arg0 : i32
    %mul3A_20 = arith.constant 40 : i32
    %mul3A_21 = arith.muli %mul3A_20, %arg1 : i32
    %add3A_22 = arith.addi %mul3A_19, %mul3A_21 : i32
    "tpu.region"() ({
      %run_scoped3A = tpu.sem_alloc : memref<!tpu.dma_semaphore, #tpu.memory_space<semaphore_mem>>
      %dma_start3A_189 = arith.constant 0 : i32
      %dma_start3A_190 = tpu.memref_slice %arg3[%add3A_22, %dma_start3A_189] : memref<1280x125xi32, #tpu.memory_space<hbm>> -> memref<40x125xi32, #tpu.memory_space<hbm>>
      %dma_start3A_191 = arith.constant 0 : i32
      %dma_start3A_192 = tpu.memref_slice %arg3[%add3A_22, %dma_start3A_191] : memref<1280x125xi32, #tpu.memory_space<hbm>> -> memref<40x125xi32, #tpu.memory_space<hbm>>
      tpu.enqueue_dma source(%dma_start3A_192 : memref<40x125xi32, #tpu.memory_space<hbm>>) target(%arg8 : memref<40x125xi32, #tpu.memory_space<vmem>>) target_semaphore(%run_scoped3A : memref<!tpu.dma_semaphore, #tpu.memory_space<semaphore_mem>>)
      %dma_wait3A_193 = arith.constant 0 : i32
      %dma_wait3A_194 = tpu.memref_slice %arg3[%add3A_22, %dma_wait3A_193] : memref<1280x125xi32, #tpu.memory_space<hbm>> -> memref<40x125xi32, #tpu.memory_space<hbm>>
      %dma_wait3A_195 = arith.constant 0 : i32
      %dma_wait3A_196 = tpu.memref_slice %arg3[%add3A_22, %dma_wait3A_195] : memref<1280x125xi32, #tpu.memory_space<hbm>> -> memref<40x125xi32, #tpu.memory_space<hbm>>
      tpu.wait_dma2 semaphore(%run_scoped3A : memref<!tpu.dma_semaphore, #tpu.memory_space<semaphore_mem>>) src(%dma_wait3A_196 : memref<40x125xi32, #tpu.memory_space<hbm>>) dst(%arg8 : memref<40x125xi32, #tpu.memory_space<vmem>>)
      tpu.yield
    }) : () -> ()
    "tpu.region"() ({
      %run_scoped3A = tpu.sem_alloc : memref<!tpu.dma_semaphore, #tpu.memory_space<semaphore_mem>>
      %dma_start3A_189 = arith.constant 0 : i32
      %dma_start3A_190 = tpu.memref_slice %arg4[%add3A_22, %dma_start3A_189] : memref<1280x125xi32, #tpu.memory_space<hbm>> -> memref<40x125xi32, #tpu.memory_space<hbm>>
      %dma_start3A_191 = arith.constant 0 : i32
      %dma_start3A_192 = tpu.memref_slice %arg4[%add3A_22, %dma_start3A_191] : memref<1280x125xi32, #tpu.memory_space<hbm>> -> memref<40x125xi32, #tpu.memory_space<hbm>>
      tpu.enqueue_dma source(%dma_start3A_192 : memref<40x125xi32, #tpu.memory_space<hbm>>) target(%arg9 : memref<40x125xi32, #tpu.memory_space<vmem>>) target_semaphore(%run_scoped3A : memref<!tpu.dma_semaphore, #tpu.memory_space<semaphore_mem>>)
      %dma_wait3A_193 = arith.constant 0 : i32
      %dma_wait3A_194 = tpu.memref_slice %arg4[%add3A_22, %dma_wait3A_193] : memref<1280x125xi32, #tpu.memory_space<hbm>> -> memref<40x125xi32, #tpu.memory_space<hbm>>
      %dma_wait3A_195 = arith.constant 0 : i32
      %dma_wait3A_196 = tpu.memref_slice %arg4[%add3A_22, %dma_wait3A_195] : memref<1280x125xi32, #tpu.memory_space<hbm>> -> memref<40x125xi32, #tpu.memory_space<hbm>>
      tpu.wait_dma2 semaphore(%run_scoped3A : memref<!tpu.dma_semaphore, #tpu.memory_space<semaphore_mem>>) src(%dma_wait3A_196 : memref<40x125xi32, #tpu.memory_space<hbm>>) dst(%arg9 : memref<40x125xi32, #tpu.memory_space<vmem>>)
      tpu.yield
    }) : () -> ()
    %barrier3A = arith.constant 0 : index
    tpu.barrier barrier_id(%barrier3A)
    %dma_start3A = arith.constant 0 : i32
    %dma_start3A_23 = arith.constant 0 : i32
    %dma_start3A_24 = tpu.memref_slice %arg8[%dma_start3A, %dma_start3A_23] : memref<40x125xi32, #tpu.memory_space<vmem>> -> memref<1x125xi32, #tpu.memory_space<vmem>>
    %dma_start3A_25 = tpu.memref_squeeze %dma_start3A_24 : memref<1x125xi32, #tpu.memory_space<vmem>> -> memref<125xi32, #tpu.memory_space<vmem>>
    %dma_start3A_26 = arith.constant 0 : i32
    %dma_start3A_27 = arith.constant 0 : i32
    %dma_start3A_28 = tpu.memref_slice %arg2[%dma_start3A_26, %dma_start3A_27] : memref<10000x16xf32, #tpu.memory_space<hbm>> -> memref<10000x16xf32, #tpu.memory_space<hbm>>
    tpu.enqueue_indirect_dma source(%dma_start3A_28 : memref<10000x16xf32, #tpu.memory_space<hbm>>) target(%arg10 : memref<125x16xf32, #tpu.memory_space<vmem>>) offsets(%dma_start3A_25 : memref<125xi32, #tpu.memory_space<vmem>>) semaphore(%arg20 : memref<!tpu.dma_semaphore, #tpu.memory_space<semaphore_mem>>)
    %dma_start3A_29 = arith.constant 1 : i32
    %dma_start3A_30 = arith.constant 0 : i32
    %dma_start3A_31 = tpu.memref_slice %arg8[%dma_start3A_29, %dma_start3A_30] : memref<40x125xi32, #tpu.memory_space<vmem>> -> memref<1x125xi32, #tpu.memory_space<vmem>>
    %dma_start3A_32 = tpu.memref_squeeze %dma_start3A_31 : memref<1x125xi32, #tpu.memory_space<vmem>> -> memref<125xi32, #tpu.memory_space<vmem>>
    %dma_start3A_33 = arith.constant 0 : i32
    %dma_start3A_34 = arith.constant 0 : i32
    %dma_start3A_35 = tpu.memref_slice %arg2[%dma_start3A_33, %dma_start3A_34] : memref<10000x16xf32, #tpu.memory_space<hbm>> -> memref<10000x16xf32, #tpu.memory_space<hbm>>
    tpu.enqueue_indirect_dma source(%dma_start3A_35 : memref<10000x16xf32, #tpu.memory_space<hbm>>) target(%arg11 : memref<125x16xf32, #tpu.memory_space<vmem>>) offsets(%dma_start3A_32 : memref<125xi32, #tpu.memory_space<vmem>>) semaphore(%arg20 : memref<!tpu.dma_semaphore, #tpu.memory_space<semaphore_mem>>)
    %dma_start3A_36 = arith.constant 2 : i32
    %dma_start3A_37 = arith.constant 0 : i32
    %dma_start3A_38 = tpu.memref_slice %arg8[%dma_start3A_36, %dma_start3A_37] : memref<40x125xi32, #tpu.memory_space<vmem>> -> memref<1x125xi32, #tpu.memory_space<vmem>>
    %dma_start3A_39 = tpu.memref_squeeze %dma_start3A_38 : memref<1x125xi32, #tpu.memory_space<vmem>> -> memref<125xi32, #tpu.memory_space<vmem>>
    %dma_start3A_40 = arith.constant 0 : i32
    %dma_start3A_41 = arith.constant 0 : i32
    %dma_start3A_42 = tpu.memref_slice %arg2[%dma_start3A_40, %dma_start3A_41] : memref<10000x16xf32, #tpu.memory_space<hbm>> -> memref<10000x16xf32, #tpu.memory_space<hbm>>
    tpu.enqueue_indirect_dma source(%dma_start3A_42 : memref<10000x16xf32, #tpu.memory_space<hbm>>) target(%arg12 : memref<125x16xf32, #tpu.memory_space<vmem>>) offsets(%dma_start3A_39 : memref<125xi32, #tpu.memory_space<vmem>>) semaphore(%arg20 : memref<!tpu.dma_semaphore, #tpu.memory_space<semaphore_mem>>)
    %dma_start3A_43 = arith.constant 3 : i32
    %dma_start3A_44 = arith.constant 0 : i32
    %dma_start3A_45 = tpu.memref_slice %arg8[%dma_start3A_43, %dma_start3A_44] : memref<40x125xi32, #tpu.memory_space<vmem>> -> memref<1x125xi32, #tpu.memory_space<vmem>>
    %dma_start3A_46 = tpu.memref_squeeze %dma_start3A_45 : memref<1x125xi32, #tpu.memory_space<vmem>> -> memref<125xi32, #tpu.memory_space<vmem>>
    %dma_start3A_47 = arith.constant 0 : i32
    %dma_start3A_48 = arith.constant 0 : i32
    %dma_start3A_49 = tpu.memref_slice %arg2[%dma_start3A_47, %dma_start3A_48] : memref<10000x16xf32, #tpu.memory_space<hbm>> -> memref<10000x16xf32, #tpu.memory_space<hbm>>
    tpu.enqueue_indirect_dma source(%dma_start3A_49 : memref<10000x16xf32, #tpu.memory_space<hbm>>) target(%arg13 : memref<125x16xf32, #tpu.memory_space<vmem>>) offsets(%dma_start3A_46 : memref<125xi32, #tpu.memory_space<vmem>>) semaphore(%arg20 : memref<!tpu.dma_semaphore, #tpu.memory_space<semaphore_mem>>)
    %dma_start3A_50 = arith.constant 4 : i32
    %dma_start3A_51 = arith.constant 0 : i32
    %dma_start3A_52 = tpu.memref_slice %arg8[%dma_start3A_50, %dma_start3A_51] : memref<40x125xi32, #tpu.memory_space<vmem>> -> memref<1x125xi32, #tpu.memory_space<vmem>>
    %dma_start3A_53 = tpu.memref_squeeze %dma_start3A_52 : memref<1x125xi32, #tpu.memory_space<vmem>> -> memref<125xi32, #tpu.memory_space<vmem>>
    %dma_start3A_54 = arith.constant 0 : i32
    %dma_start3A_55 = arith.constant 0 : i32
    %dma_start3A_56 = tpu.memref_slice %arg2[%dma_start3A_54, %dma_start3A_55] : memref<10000x16xf32, #tpu.memory_space<hbm>> -> memref<10000x16xf32, #tpu.memory_space<hbm>>
    tpu.enqueue_indirect_dma source(%dma_start3A_56 : memref<10000x16xf32, #tpu.memory_space<hbm>>) target(%arg14 : memref<125x16xf32, #tpu.memory_space<vmem>>) offsets(%dma_start3A_53 : memref<125xi32, #tpu.memory_space<vmem>>) semaphore(%arg20 : memref<!tpu.dma_semaphore, #tpu.memory_space<semaphore_mem>>)
    %scan3A = arith.constant 0 : i32
    %scan3A_57 = arith.constant 0 : i32
    %scan3A_58 = arith.constant 4 : i32
    %scan3A_59 = arith.addi %scan3A_57, %scan3A_58 : i32
    %scan3A_60 = arith.constant 1 : i32
    scf.for %scan3A_189 = %scan3A_57 to %scan3A_59 step %scan3A_60  : i32 {
      %mul3A_190 = arith.constant 10 : i32
      %mul3A_191 = arith.muli %mul3A_190, %scan3A_189 : i32
      %add3A_192 = arith.constant 0 : i32
      %add3A_193 = arith.addi %mul3A_191, %add3A_192 : i32
      %dma_wait3A_194 = arith.constant 0 : i32
      %dma_wait3A_195 = tpu.memref_slice %arg8[%add3A_193, %dma_wait3A_194] : memref<40x125xi32, #tpu.memory_space<vmem>> -> memref<1x125xi32, #tpu.memory_space<vmem>>
      %dma_wait3A_196 = tpu.memref_squeeze %dma_wait3A_195 : memref<1x125xi32, #tpu.memory_space<vmem>> -> memref<125xi32, #tpu.memory_space<vmem>>
      %dma_wait3A_197 = arith.constant 0 : i32
      %dma_wait3A_198 = arith.constant 0 : i32
      %dma_wait3A_199 = tpu.memref_slice %arg2[%dma_wait3A_197, %dma_wait3A_198] : memref<10000x16xf32, #tpu.memory_space<hbm>> -> memref<10000x16xf32, #tpu.memory_space<hbm>>
      tpu.wait_indirect_dma semaphore(%arg20 : memref<!tpu.dma_semaphore, #tpu.memory_space<semaphore_mem>>) src(%dma_wait3A_199 : memref<10000x16xf32, #tpu.memory_space<hbm>>) dst(%arg10 : memref<125x16xf32, #tpu.memory_space<vmem>>)
      %dma_start3A_200 = arith.constant 0 : i32
      %dma_start3A_201 = tpu.memref_slice %arg9[%add3A_193, %dma_start3A_200] : memref<40x125xi32, #tpu.memory_space<vmem>> -> memref<1x125xi32, #tpu.memory_space<vmem>>
      %dma_start3A_202 = tpu.memref_squeeze %dma_start3A_201 : memref<1x125xi32, #tpu.memory_space<vmem>> -> memref<125xi32, #tpu.memory_space<vmem>>
      %dma_start3A_203 = arith.constant 0 : i32
      %dma_start3A_204 = arith.constant 0 : i32
      %dma_start3A_205 = tpu.memref_slice %arg7[%dma_start3A_203, %dma_start3A_204] : memref<10000x16xf32, #tpu.memory_space<vmem_shared>> -> memref<10000x16xf32, #tpu.memory_space<vmem_shared>>
      tpu.enqueue_indirect_dma source(%arg10 : memref<125x16xf32, #tpu.memory_space<vmem>>) target(%dma_start3A_205 : memref<10000x16xf32, #tpu.memory_space<vmem_shared>>) offsets(%dma_start3A_202 : memref<125xi32, #tpu.memory_space<vmem>>) semaphore(%arg21 : memref<!tpu.dma_semaphore, #tpu.memory_space<semaphore_mem>>) {add = true}
      %ge3A = arith.constant 1 : i32
      %ge3A_206 = arith.cmpi sge, %scan3A_189, %ge3A : i32
      %convert_element_type3A = arith.extui %ge3A_206 : i1 to i32
      %cond3A = arith.constant 0 : i32
      %cond3A_207 = arith.cmpi ne, %convert_element_type3A, %cond3A : i32
      scf.if %cond3A_207 {
        %sub3A_475 = arith.constant 5 : i32
        %sub3A_476 = arith.subi %add3A_193, %sub3A_475 : i32
        %dma_wait3A_477 = arith.constant 0 : i32
        %dma_wait3A_478 = tpu.memref_slice %arg9[%sub3A_476, %dma_wait3A_477] : memref<40x125xi32, #tpu.memory_space<vmem>> -> memref<1x125xi32, #tpu.memory_space<vmem>>
        %dma_wait3A_479 = tpu.memref_squeeze %dma_wait3A_478 : memref<1x125xi32, #tpu.memory_space<vmem>> -> memref<125xi32, #tpu.memory_space<vmem>>
        %dma_wait3A_480 = arith.constant 0 : i32
        %dma_wait3A_481 = arith.constant 0 : i32
        %dma_wait3A_482 = tpu.memref_slice %arg7[%dma_wait3A_480, %dma_wait3A_481] : memref<10000x16xf32, #tpu.memory_space<vmem_shared>> -> memref<10000x16xf32, #tpu.memory_space<vmem_shared>>
        tpu.wait_indirect_dma semaphore(%arg21 : memref<!tpu.dma_semaphore, #tpu.memory_space<semaphore_mem>>) src(%arg15 : memref<125x16xf32, #tpu.memory_space<vmem>>) dst(%dma_wait3A_482 : memref<10000x16xf32, #tpu.memory_space<vmem_shared>>)
      } else {
      }
      %add3A_208 = arith.constant 5 : i32
      %add3A_209 = arith.addi %add3A_193, %add3A_208 : i32
      %dma_start3A_210 = arith.constant 0 : i32
      %dma_start3A_211 = tpu.memref_slice %arg8[%add3A_209, %dma_start3A_210] : memref<40x125xi32, #tpu.memory_space<vmem>> -> memref<1x125xi32, #tpu.memory_space<vmem>>
      %dma_start3A_212 = tpu.memref_squeeze %dma_start3A_211 : memref<1x125xi32, #tpu.memory_space<vmem>> -> memref<125xi32, #tpu.memory_space<vmem>>
      %dma_start3A_213 = arith.constant 0 : i32
      %dma_start3A_214 = arith.constant 0 : i32
      %dma_start3A_215 = tpu.memref_slice %arg2[%dma_start3A_213, %dma_start3A_214] : memref<10000x16xf32, #tpu.memory_space<hbm>> -> memref<10000x16xf32, #tpu.memory_space<hbm>>
      tpu.enqueue_indirect_dma source(%dma_start3A_215 : memref<10000x16xf32, #tpu.memory_space<hbm>>) target(%arg15 : memref<125x16xf32, #tpu.memory_space<vmem>>) offsets(%dma_start3A_212 : memref<125xi32, #tpu.memory_space<vmem>>) semaphore(%arg20 : memref<!tpu.dma_semaphore, #tpu.memory_space<semaphore_mem>>)
      %mul3A_216 = arith.constant 10 : i32
      %mul3A_217 = arith.muli %mul3A_216, %scan3A_189 : i32
      %add3A_218 = arith.constant 1 : i32
      %add3A_219 = arith.addi %mul3A_217, %add3A_218 : i32
      %dma_wait3A_220 = arith.constant 0 : i32
      %dma_wait3A_221 = tpu.memref_slice %arg8[%add3A_219, %dma_wait3A_220] : memref<40x125xi32, #tpu.memory_space<vmem>> -> memref<1x125xi32, #tpu.memory_space<vmem>>
      %dma_wait3A_222 = tpu.memref_squeeze %dma_wait3A_221 : memref<1x125xi32, #tpu.memory_space<vmem>> -> memref<125xi32, #tpu.memory_space<vmem>>
      %dma_wait3A_223 = arith.constant 0 : i32
      %dma_wait3A_224 = arith.constant 0 : i32
      %dma_wait3A_225 = tpu.memref_slice %arg2[%dma_wait3A_223, %dma_wait3A_224] : memref<10000x16xf32, #tpu.memory_space<hbm>> -> memref<10000x16xf32, #tpu.memory_space<hbm>>
      tpu.wait_indirect_dma semaphore(%arg20 : memref<!tpu.dma_semaphore, #tpu.memory_space<semaphore_mem>>) src(%dma_wait3A_225 : memref<10000x16xf32, #tpu.memory_space<hbm>>) dst(%arg11 : memref<125x16xf32, #tpu.memory_space<vmem>>)
      %dma_start3A_226 = arith.constant 0 : i32
      %dma_start3A_227 = tpu.memref_slice %arg9[%add3A_219, %dma_start3A_226] : memref<40x125xi32, #tpu.memory_space<vmem>> -> memref<1x125xi32, #tpu.memory_space<vmem>>
      %dma_start3A_228 = tpu.memref_squeeze %dma_start3A_227 : memref<1x125xi32, #tpu.memory_space<vmem>> -> memref<125xi32, #tpu.memory_space<vmem>>
      %dma_start3A_229 = arith.constant 0 : i32
      %dma_start3A_230 = arith.constant 0 : i32
      %dma_start3A_231 = tpu.memref_slice %arg7[%dma_start3A_229, %dma_start3A_230] : memref<10000x16xf32, #tpu.memory_space<vmem_shared>> -> memref<10000x16xf32, #tpu.memory_space<vmem_shared>>
      tpu.enqueue_indirect_dma source(%arg11 : memref<125x16xf32, #tpu.memory_space<vmem>>) target(%dma_start3A_231 : memref<10000x16xf32, #tpu.memory_space<vmem_shared>>) offsets(%dma_start3A_228 : memref<125xi32, #tpu.memory_space<vmem>>) semaphore(%arg21 : memref<!tpu.dma_semaphore, #tpu.memory_space<semaphore_mem>>) {add = true}
      %ge3A_232 = arith.constant 1 : i32
      %ge3A_233 = arith.cmpi sge, %scan3A_189, %ge3A_232 : i32
      %convert_element_type3A_234 = arith.extui %ge3A_233 : i1 to i32
      %cond3A_235 = arith.constant 0 : i32
      %cond3A_236 = arith.cmpi ne, %convert_element_type3A_234, %cond3A_235 : i32
      scf.if %cond3A_236 {
        %sub3A_475 = arith.constant 5 : i32
        %sub3A_476 = arith.subi %add3A_219, %sub3A_475 : i32
        %dma_wait3A_477 = arith.constant 0 : i32
        %dma_wait3A_478 = tpu.memref_slice %arg9[%sub3A_476, %dma_wait3A_477] : memref<40x125xi32, #tpu.memory_space<vmem>> -> memref<1x125xi32, #tpu.memory_space<vmem>>
        %dma_wait3A_479 = tpu.memref_squeeze %dma_wait3A_478 : memref<1x125xi32, #tpu.memory_space<vmem>> -> memref<125xi32, #tpu.memory_space<vmem>>
        %dma_wait3A_480 = arith.constant 0 : i32
        %dma_wait3A_481 = arith.constant 0 : i32
        %dma_wait3A_482 = tpu.memref_slice %arg7[%dma_wait3A_480, %dma_wait3A_481] : memref<10000x16xf32, #tpu.memory_space<vmem_shared>> -> memref<10000x16xf32, #tpu.memory_space<vmem_shared>>
        tpu.wait_indirect_dma semaphore(%arg21 : memref<!tpu.dma_semaphore, #tpu.memory_space<semaphore_mem>>) src(%arg16 : memref<125x16xf32, #tpu.memory_space<vmem>>) dst(%dma_wait3A_482 : memref<10000x16xf32, #tpu.memory_space<vmem_shared>>)
      } else {
      }
      %add3A_237 = arith.constant 5 : i32
      %add3A_238 = arith.addi %add3A_219, %add3A_237 : i32
      %dma_start3A_239 = arith.constant 0 : i32
      %dma_start3A_240 = tpu.memref_slice %arg8[%add3A_238, %dma_start3A_239] : memref<40x125xi32, #tpu.memory_space<vmem>> -> memref<1x125xi32, #tpu.memory_space<vmem>>
      %dma_start3A_241 = tpu.memref_squeeze %dma_start3A_240 : memref<1x125xi32, #tpu.memory_space<vmem>> -> memref<125xi32, #tpu.memory_space<vmem>>
      %dma_start3A_242 = arith.constant 0 : i32
      %dma_start3A_243 = arith.constant 0 : i32
      %dma_start3A_244 = tpu.memref_slice %arg2[%dma_start3A_242, %dma_start3A_243] : memref<10000x16xf32, #tpu.memory_space<hbm>> -> memref<10000x16xf32, #tpu.memory_space<hbm>>
      tpu.enqueue_indirect_dma source(%dma_start3A_244 : memref<10000x16xf32, #tpu.memory_space<hbm>>) target(%arg16 : memref<125x16xf32, #tpu.memory_space<vmem>>) offsets(%dma_start3A_241 : memref<125xi32, #tpu.memory_space<vmem>>) semaphore(%arg20 : memref<!tpu.dma_semaphore, #tpu.memory_space<semaphore_mem>>)
      %mul3A_245 = arith.constant 10 : i32
      %mul3A_246 = arith.muli %mul3A_245, %scan3A_189 : i32
      %add3A_247 = arith.constant 2 : i32
      %add3A_248 = arith.addi %mul3A_246, %add3A_247 : i32
      %dma_wait3A_249 = arith.constant 0 : i32
      %dma_wait3A_250 = tpu.memref_slice %arg8[%add3A_248, %dma_wait3A_249] : memref<40x125xi32, #tpu.memory_space<vmem>> -> memref<1x125xi32, #tpu.memory_space<vmem>>
      %dma_wait3A_251 = tpu.memref_squeeze %dma_wait3A_250 : memref<1x125xi32, #tpu.memory_space<vmem>> -> memref<125xi32, #tpu.memory_space<vmem>>
      %dma_wait3A_252 = arith.constant 0 : i32
      %dma_wait3A_253 = arith.constant 0 : i32
      %dma_wait3A_254 = tpu.memref_slice %arg2[%dma_wait3A_252, %dma_wait3A_253] : memref<10000x16xf32, #tpu.memory_space<hbm>> -> memref<10000x16xf32, #tpu.memory_space<hbm>>
      tpu.wait_indirect_dma semaphore(%arg20 : memref<!tpu.dma_semaphore, #tpu.memory_space<semaphore_mem>>) src(%dma_wait3A_254 : memref<10000x16xf32, #tpu.memory_space<hbm>>) dst(%arg12 : memref<125x16xf32, #tpu.memory_space<vmem>>)
      %dma_start3A_255 = arith.constant 0 : i32
      %dma_start3A_256 = tpu.memref_slice %arg9[%add3A_248, %dma_start3A_255] : memref<40x125xi32, #tpu.memory_space<vmem>> -> memref<1x125xi32, #tpu.memory_space<vmem>>
      %dma_start3A_257 = tpu.memref_squeeze %dma_start3A_256 : memref<1x125xi32, #tpu.memory_space<vmem>> -> memref<125xi32, #tpu.memory_space<vmem>>
      %dma_start3A_258 = arith.constant 0 : i32
      %dma_start3A_259 = arith.constant 0 : i32
      %dma_start3A_260 = tpu.memref_slice %arg7[%dma_start3A_258, %dma_start3A_259] : memref<10000x16xf32, #tpu.memory_space<vmem_shared>> -> memref<10000x16xf32, #tpu.memory_space<vmem_shared>>
      tpu.enqueue_indirect_dma source(%arg12 : memref<125x16xf32, #tpu.memory_space<vmem>>) target(%dma_start3A_260 : memref<10000x16xf32, #tpu.memory_space<vmem_shared>>) offsets(%dma_start3A_257 : memref<125xi32, #tpu.memory_space<vmem>>) semaphore(%arg21 : memref<!tpu.dma_semaphore, #tpu.memory_space<semaphore_mem>>) {add = true}
      %ge3A_261 = arith.constant 1 : i32
      %ge3A_262 = arith.cmpi sge, %scan3A_189, %ge3A_261 : i32
      %convert_element_type3A_263 = arith.extui %ge3A_262 : i1 to i32
      %cond3A_264 = arith.constant 0 : i32
      %cond3A_265 = arith.cmpi ne, %convert_element_type3A_263, %cond3A_264 : i32
      scf.if %cond3A_265 {
        %sub3A_475 = arith.constant 5 : i32
        %sub3A_476 = arith.subi %add3A_248, %sub3A_475 : i32
        %dma_wait3A_477 = arith.constant 0 : i32
        %dma_wait3A_478 = tpu.memref_slice %arg9[%sub3A_476, %dma_wait3A_477] : memref<40x125xi32, #tpu.memory_space<vmem>> -> memref<1x125xi32, #tpu.memory_space<vmem>>
        %dma_wait3A_479 = tpu.memref_squeeze %dma_wait3A_478 : memref<1x125xi32, #tpu.memory_space<vmem>> -> memref<125xi32, #tpu.memory_space<vmem>>
        %dma_wait3A_480 = arith.constant 0 : i32
        %dma_wait3A_481 = arith.constant 0 : i32
        %dma_wait3A_482 = tpu.memref_slice %arg7[%dma_wait3A_480, %dma_wait3A_481] : memref<10000x16xf32, #tpu.memory_space<vmem_shared>> -> memref<10000x16xf32, #tpu.memory_space<vmem_shared>>
        tpu.wait_indirect_dma semaphore(%arg21 : memref<!tpu.dma_semaphore, #tpu.memory_space<semaphore_mem>>) src(%arg17 : memref<125x16xf32, #tpu.memory_space<vmem>>) dst(%dma_wait3A_482 : memref<10000x16xf32, #tpu.memory_space<vmem_shared>>)
      } else {
      }
      %add3A_266 = arith.constant 5 : i32
      %add3A_267 = arith.addi %add3A_248, %add3A_266 : i32
      %dma_start3A_268 = arith.constant 0 : i32
      %dma_start3A_269 = tpu.memref_slice %arg8[%add3A_267, %dma_start3A_268] : memref<40x125xi32, #tpu.memory_space<vmem>> -> memref<1x125xi32, #tpu.memory_space<vmem>>
      %dma_start3A_270 = tpu.memref_squeeze %dma_start3A_269 : memref<1x125xi32, #tpu.memory_space<vmem>> -> memref<125xi32, #tpu.memory_space<vmem>>
      %dma_start3A_271 = arith.constant 0 : i32
      %dma_start3A_272 = arith.constant 0 : i32
      %dma_start3A_273 = tpu.memref_slice %arg2[%dma_start3A_271, %dma_start3A_272] : memref<10000x16xf32, #tpu.memory_space<hbm>> -> memref<10000x16xf32, #tpu.memory_space<hbm>>
      tpu.enqueue_indirect_dma source(%dma_start3A_273 : memref<10000x16xf32, #tpu.memory_space<hbm>>) target(%arg17 : memref<125x16xf32, #tpu.memory_space<vmem>>) offsets(%dma_start3A_270 : memref<125xi32, #tpu.memory_space<vmem>>) semaphore(%arg20 : memref<!tpu.dma_semaphore, #tpu.memory_space<semaphore_mem>>)
      %mul3A_274 = arith.constant 10 : i32
      %mul3A_275 = arith.muli %mul3A_274, %scan3A_189 : i32
      %add3A_276 = arith.constant 3 : i32
      %add3A_277 = arith.addi %mul3A_275, %add3A_276 : i32
      %dma_wait3A_278 = arith.constant 0 : i32
      %dma_wait3A_279 = tpu.memref_slice %arg8[%add3A_277, %dma_wait3A_278] : memref<40x125xi32, #tpu.memory_space<vmem>> -> memref<1x125xi32, #tpu.memory_space<vmem>>
      %dma_wait3A_280 = tpu.memref_squeeze %dma_wait3A_279 : memref<1x125xi32, #tpu.memory_space<vmem>> -> memref<125xi32, #tpu.memory_space<vmem>>
      %dma_wait3A_281 = arith.constant 0 : i32
      %dma_wait3A_282 = arith.constant 0 : i32
      %dma_wait3A_283 = tpu.memref_slice %arg2[%dma_wait3A_281, %dma_wait3A_282] : memref<10000x16xf32, #tpu.memory_space<hbm>> -> memref<10000x16xf32, #tpu.memory_space<hbm>>
      tpu.wait_indirect_dma semaphore(%arg20 : memref<!tpu.dma_semaphore, #tpu.memory_space<semaphore_mem>>) src(%dma_wait3A_283 : memref<10000x16xf32, #tpu.memory_space<hbm>>) dst(%arg13 : memref<125x16xf32, #tpu.memory_space<vmem>>)
      %dma_start3A_284 = arith.constant 0 : i32
      %dma_start3A_285 = tpu.memref_slice %arg9[%add3A_277, %dma_start3A_284] : memref<40x125xi32, #tpu.memory_space<vmem>> -> memref<1x125xi32, #tpu.memory_space<vmem>>
      %dma_start3A_286 = tpu.memref_squeeze %dma_start3A_285 : memref<1x125xi32, #tpu.memory_space<vmem>> -> memref<125xi32, #tpu.memory_space<vmem>>
      %dma_start3A_287 = arith.constant 0 : i32
      %dma_start3A_288 = arith.constant 0 : i32
      %dma_start3A_289 = tpu.memref_slice %arg7[%dma_start3A_287, %dma_start3A_288] : memref<10000x16xf32, #tpu.memory_space<vmem_shared>> -> memref<10000x16xf32, #tpu.memory_space<vmem_shared>>
      tpu.enqueue_indirect_dma source(%arg13 : memref<125x16xf32, #tpu.memory_space<vmem>>) target(%dma_start3A_289 : memref<10000x16xf32, #tpu.memory_space<vmem_shared>>) offsets(%dma_start3A_286 : memref<125xi32, #tpu.memory_space<vmem>>) semaphore(%arg21 : memref<!tpu.dma_semaphore, #tpu.memory_space<semaphore_mem>>) {add = true}
      %ge3A_290 = arith.constant 1 : i32
      %ge3A_291 = arith.cmpi sge, %scan3A_189, %ge3A_290 : i32
      %convert_element_type3A_292 = arith.extui %ge3A_291 : i1 to i32
      %cond3A_293 = arith.constant 0 : i32
      %cond3A_294 = arith.cmpi ne, %convert_element_type3A_292, %cond3A_293 : i32
      scf.if %cond3A_294 {
        %sub3A_475 = arith.constant 5 : i32
        %sub3A_476 = arith.subi %add3A_277, %sub3A_475 : i32
        %dma_wait3A_477 = arith.constant 0 : i32
        %dma_wait3A_478 = tpu.memref_slice %arg9[%sub3A_476, %dma_wait3A_477] : memref<40x125xi32, #tpu.memory_space<vmem>> -> memref<1x125xi32, #tpu.memory_space<vmem>>
        %dma_wait3A_479 = tpu.memref_squeeze %dma_wait3A_478 : memref<1x125xi32, #tpu.memory_space<vmem>> -> memref<125xi32, #tpu.memory_space<vmem>>
        %dma_wait3A_480 = arith.constant 0 : i32
        %dma_wait3A_481 = arith.constant 0 : i32
        %dma_wait3A_482 = tpu.memref_slice %arg7[%dma_wait3A_480, %dma_wait3A_481] : memref<10000x16xf32, #tpu.memory_space<vmem_shared>> -> memref<10000x16xf32, #tpu.memory_space<vmem_shared>>
        tpu.wait_indirect_dma semaphore(%arg21 : memref<!tpu.dma_semaphore, #tpu.memory_space<semaphore_mem>>) src(%arg18 : memref<125x16xf32, #tpu.memory_space<vmem>>) dst(%dma_wait3A_482 : memref<10000x16xf32, #tpu.memory_space<vmem_shared>>)
      } else {
      }
      %add3A_295 = arith.constant 5 : i32
      %add3A_296 = arith.addi %add3A_277, %add3A_295 : i32
      %dma_start3A_297 = arith.constant 0 : i32
      %dma_start3A_298 = tpu.memref_slice %arg8[%add3A_296, %dma_start3A_297] : memref<40x125xi32, #tpu.memory_space<vmem>> -> memref<1x125xi32, #tpu.memory_space<vmem>>
      %dma_start3A_299 = tpu.memref_squeeze %dma_start3A_298 : memref<1x125xi32, #tpu.memory_space<vmem>> -> memref<125xi32, #tpu.memory_space<vmem>>
      %dma_start3A_300 = arith.constant 0 : i32
      %dma_start3A_301 = arith.constant 0 : i32
      %dma_start3A_302 = tpu.memref_slice %arg2[%dma_start3A_300, %dma_start3A_301] : memref<10000x16xf32, #tpu.memory_space<hbm>> -> memref<10000x16xf32, #tpu.memory_space<hbm>>
      tpu.enqueue_indirect_dma source(%dma_start3A_302 : memref<10000x16xf32, #tpu.memory_space<hbm>>) target(%arg18 : memref<125x16xf32, #tpu.memory_space<vmem>>) offsets(%dma_start3A_299 : memref<125xi32, #tpu.memory_space<vmem>>) semaphore(%arg20 : memref<!tpu.dma_semaphore, #tpu.memory_space<semaphore_mem>>)
      %mul3A_303 = arith.constant 10 : i32
      %mul3A_304 = arith.muli %mul3A_303, %scan3A_189 : i32
      %add3A_305 = arith.constant 4 : i32
      %add3A_306 = arith.addi %mul3A_304, %add3A_305 : i32
      %dma_wait3A_307 = arith.constant 0 : i32
      %dma_wait3A_308 = tpu.memref_slice %arg8[%add3A_306, %dma_wait3A_307] : memref<40x125xi32, #tpu.memory_space<vmem>> -> memref<1x125xi32, #tpu.memory_space<vmem>>
      %dma_wait3A_309 = tpu.memref_squeeze %dma_wait3A_308 : memref<1x125xi32, #tpu.memory_space<vmem>> -> memref<125xi32, #tpu.memory_space<vmem>>
      %dma_wait3A_310 = arith.constant 0 : i32
      %dma_wait3A_311 = arith.constant 0 : i32
      %dma_wait3A_312 = tpu.memref_slice %arg2[%dma_wait3A_310, %dma_wait3A_311] : memref<10000x16xf32, #tpu.memory_space<hbm>> -> memref<10000x16xf32, #tpu.memory_space<hbm>>
      tpu.wait_indirect_dma semaphore(%arg20 : memref<!tpu.dma_semaphore, #tpu.memory_space<semaphore_mem>>) src(%dma_wait3A_312 : memref<10000x16xf32, #tpu.memory_space<hbm>>) dst(%arg14 : memref<125x16xf32, #tpu.memory_space<vmem>>)
      %dma_start3A_313 = arith.constant 0 : i32
      %dma_start3A_314 = tpu.memref_slice %arg9[%add3A_306, %dma_start3A_313] : memref<40x125xi32, #tpu.memory_space<vmem>> -> memref<1x125xi32, #tpu.memory_space<vmem>>
      %dma_start3A_315 = tpu.memref_squeeze %dma_start3A_314 : memref<1x125xi32, #tpu.memory_space<vmem>> -> memref<125xi32, #tpu.memory_space<vmem>>
      %dma_start3A_316 = arith.constant 0 : i32
      %dma_start3A_317 = arith.constant 0 : i32
      %dma_start3A_318 = tpu.memref_slice %arg7[%dma_start3A_316, %dma_start3A_317] : memref<10000x16xf32, #tpu.memory_space<vmem_shared>> -> memref<10000x16xf32, #tpu.memory_space<vmem_shared>>
      tpu.enqueue_indirect_dma source(%arg14 : memref<125x16xf32, #tpu.memory_space<vmem>>) target(%dma_start3A_318 : memref<10000x16xf32, #tpu.memory_space<vmem_shared>>) offsets(%dma_start3A_315 : memref<125xi32, #tpu.memory_space<vmem>>) semaphore(%arg21 : memref<!tpu.dma_semaphore, #tpu.memory_space<semaphore_mem>>) {add = true}
      %ge3A_319 = arith.constant 1 : i32
      %ge3A_320 = arith.cmpi sge, %scan3A_189, %ge3A_319 : i32
      %convert_element_type3A_321 = arith.extui %ge3A_320 : i1 to i32
      %cond3A_322 = arith.constant 0 : i32
      %cond3A_323 = arith.cmpi ne, %convert_element_type3A_321, %cond3A_322 : i32
      scf.if %cond3A_323 {
        %sub3A_475 = arith.constant 5 : i32
        %sub3A_476 = arith.subi %add3A_306, %sub3A_475 : i32
        %dma_wait3A_477 = arith.constant 0 : i32
        %dma_wait3A_478 = tpu.memref_slice %arg9[%sub3A_476, %dma_wait3A_477] : memref<40x125xi32, #tpu.memory_space<vmem>> -> memref<1x125xi32, #tpu.memory_space<vmem>>
        %dma_wait3A_479 = tpu.memref_squeeze %dma_wait3A_478 : memref<1x125xi32, #tpu.memory_space<vmem>> -> memref<125xi32, #tpu.memory_space<vmem>>
        %dma_wait3A_480 = arith.constant 0 : i32
        %dma_wait3A_481 = arith.constant 0 : i32
        %dma_wait3A_482 = tpu.memref_slice %arg7[%dma_wait3A_480, %dma_wait3A_481] : memref<10000x16xf32, #tpu.memory_space<vmem_shared>> -> memref<10000x16xf32, #tpu.memory_space<vmem_shared>>
        tpu.wait_indirect_dma semaphore(%arg21 : memref<!tpu.dma_semaphore, #tpu.memory_space<semaphore_mem>>) src(%arg19 : memref<125x16xf32, #tpu.memory_space<vmem>>) dst(%dma_wait3A_482 : memref<10000x16xf32, #tpu.memory_space<vmem_shared>>)
      } else {
      }
      %add3A_324 = arith.constant 5 : i32
      %add3A_325 = arith.addi %add3A_306, %add3A_324 : i32
      %dma_start3A_326 = arith.constant 0 : i32
      %dma_start3A_327 = tpu.memref_slice %arg8[%add3A_325, %dma_start3A_326] : memref<40x125xi32, #tpu.memory_space<vmem>> -> memref<1x125xi32, #tpu.memory_space<vmem>>
      %dma_start3A_328 = tpu.memref_squeeze %dma_start3A_327 : memref<1x125xi32, #tpu.memory_space<vmem>> -> memref<125xi32, #tpu.memory_space<vmem>>
      %dma_start3A_329 = arith.constant 0 : i32
      %dma_start3A_330 = arith.constant 0 : i32
      %dma_start3A_331 = tpu.memref_slice %arg2[%dma_start3A_329, %dma_start3A_330] : memref<10000x16xf32, #tpu.memory_space<hbm>> -> memref<10000x16xf32, #tpu.memory_space<hbm>>
      tpu.enqueue_indirect_dma source(%dma_start3A_331 : memref<10000x16xf32, #tpu.memory_space<hbm>>) target(%arg19 : memref<125x16xf32, #tpu.memory_space<vmem>>) offsets(%dma_start3A_328 : memref<125xi32, #tpu.memory_space<vmem>>) semaphore(%arg20 : memref<!tpu.dma_semaphore, #tpu.memory_space<semaphore_mem>>)
      %mul3A_332 = arith.constant 10 : i32
      %mul3A_333 = arith.muli %mul3A_332, %scan3A_189 : i32
      %add3A_334 = arith.constant 5 : i32
      %add3A_335 = arith.addi %mul3A_333, %add3A_334 : i32
      %dma_wait3A_336 = arith.constant 0 : i32
      %dma_wait3A_337 = tpu.memref_slice %arg8[%add3A_335, %dma_wait3A_336] : memref<40x125xi32, #tpu.memory_space<vmem>> -> memref<1x125xi32, #tpu.memory_space<vmem>>
      %dma_wait3A_338 = tpu.memref_squeeze %dma_wait3A_337 : memref<1x125xi32, #tpu.memory_space<vmem>> -> memref<125xi32, #tpu.memory_space<vmem>>
      %dma_wait3A_339 = arith.constant 0 : i32
      %dma_wait3A_340 = arith.constant 0 : i32
      %dma_wait3A_341 = tpu.memref_slice %arg2[%dma_wait3A_339, %dma_wait3A_340] : memref<10000x16xf32, #tpu.memory_space<hbm>> -> memref<10000x16xf32, #tpu.memory_space<hbm>>
      tpu.wait_indirect_dma semaphore(%arg20 : memref<!tpu.dma_semaphore, #tpu.memory_space<semaphore_mem>>) src(%dma_wait3A_341 : memref<10000x16xf32, #tpu.memory_space<hbm>>) dst(%arg15 : memref<125x16xf32, #tpu.memory_space<vmem>>)
      %dma_start3A_342 = arith.constant 0 : i32
      %dma_start3A_343 = tpu.memref_slice %arg9[%add3A_335, %dma_start3A_342] : memref<40x125xi32, #tpu.memory_space<vmem>> -> memref<1x125xi32, #tpu.memory_space<vmem>>
      %dma_start3A_344 = tpu.memref_squeeze %dma_start3A_343 : memref<1x125xi32, #tpu.memory_space<vmem>> -> memref<125xi32, #tpu.memory_space<vmem>>
      %dma_start3A_345 = arith.constant 0 : i32
      %dma_start3A_346 = arith.constant 0 : i32
      %dma_start3A_347 = tpu.memref_slice %arg7[%dma_start3A_345, %dma_start3A_346] : memref<10000x16xf32, #tpu.memory_space<vmem_shared>> -> memref<10000x16xf32, #tpu.memory_space<vmem_shared>>
      tpu.enqueue_indirect_dma source(%arg15 : memref<125x16xf32, #tpu.memory_space<vmem>>) target(%dma_start3A_347 : memref<10000x16xf32, #tpu.memory_space<vmem_shared>>) offsets(%dma_start3A_344 : memref<125xi32, #tpu.memory_space<vmem>>) semaphore(%arg21 : memref<!tpu.dma_semaphore, #tpu.memory_space<semaphore_mem>>) {add = true}
      %sub3A = arith.constant 5 : i32
      %sub3A_348 = arith.subi %add3A_335, %sub3A : i32
      %dma_wait3A_349 = arith.constant 0 : i32
      %dma_wait3A_350 = tpu.memref_slice %arg9[%sub3A_348, %dma_wait3A_349] : memref<40x125xi32, #tpu.memory_space<vmem>> -> memref<1x125xi32, #tpu.memory_space<vmem>>
      %dma_wait3A_351 = tpu.memref_squeeze %dma_wait3A_350 : memref<1x125xi32, #tpu.memory_space<vmem>> -> memref<125xi32, #tpu.memory_space<vmem>>
      %dma_wait3A_352 = arith.constant 0 : i32
      %dma_wait3A_353 = arith.constant 0 : i32
      %dma_wait3A_354 = tpu.memref_slice %arg7[%dma_wait3A_352, %dma_wait3A_353] : memref<10000x16xf32, #tpu.memory_space<vmem_shared>> -> memref<10000x16xf32, #tpu.memory_space<vmem_shared>>
      tpu.wait_indirect_dma semaphore(%arg21 : memref<!tpu.dma_semaphore, #tpu.memory_space<semaphore_mem>>) src(%arg10 : memref<125x16xf32, #tpu.memory_space<vmem>>) dst(%dma_wait3A_354 : memref<10000x16xf32, #tpu.memory_space<vmem_shared>>)
      %le3A = arith.constant 2 : i32
      %le3A_355 = arith.cmpi sle, %scan3A_189, %le3A : i32
      %convert_element_type3A_356 = arith.extui %le3A_355 : i1 to i32
      %cond3A_357 = arith.constant 0 : i32
      %cond3A_358 = arith.cmpi ne, %convert_element_type3A_356, %cond3A_357 : i32
      scf.if %cond3A_358 {
        %add3A_475 = arith.constant 5 : i32
        %add3A_476 = arith.addi %add3A_335, %add3A_475 : i32
        %dma_start3A_477 = arith.constant 0 : i32
        %dma_start3A_478 = tpu.memref_slice %arg8[%add3A_476, %dma_start3A_477] : memref<40x125xi32, #tpu.memory_space<vmem>> -> memref<1x125xi32, #tpu.memory_space<vmem>>
        %dma_start3A_479 = tpu.memref_squeeze %dma_start3A_478 : memref<1x125xi32, #tpu.memory_space<vmem>> -> memref<125xi32, #tpu.memory_space<vmem>>
        %dma_start3A_480 = arith.constant 0 : i32
        %dma_start3A_481 = arith.constant 0 : i32
        %dma_start3A_482 = tpu.memref_slice %arg2[%dma_start3A_480, %dma_start3A_481] : memref<10000x16xf32, #tpu.memory_space<hbm>> -> memref<10000x16xf32, #tpu.memory_space<hbm>>
        tpu.enqueue_indirect_dma source(%dma_start3A_482 : memref<10000x16xf32, #tpu.memory_space<hbm>>) target(%arg10 : memref<125x16xf32, #tpu.memory_space<vmem>>) offsets(%dma_start3A_479 : memref<125xi32, #tpu.memory_space<vmem>>) semaphore(%arg20 : memref<!tpu.dma_semaphore, #tpu.memory_space<semaphore_mem>>)
      } else {
      }
      %mul3A_359 = arith.constant 10 : i32
      %mul3A_360 = arith.muli %mul3A_359, %scan3A_189 : i32
      %add3A_361 = arith.constant 6 : i32
      %add3A_362 = arith.addi %mul3A_360, %add3A_361 : i32
      %dma_wait3A_363 = arith.constant 0 : i32
      %dma_wait3A_364 = tpu.memref_slice %arg8[%add3A_362, %dma_wait3A_363] : memref<40x125xi32, #tpu.memory_space<vmem>> -> memref<1x125xi32, #tpu.memory_space<vmem>>
      %dma_wait3A_365 = tpu.memref_squeeze %dma_wait3A_364 : memref<1x125xi32, #tpu.memory_space<vmem>> -> memref<125xi32, #tpu.memory_space<vmem>>
      %dma_wait3A_366 = arith.constant 0 : i32
      %dma_wait3A_367 = arith.constant 0 : i32
      %dma_wait3A_368 = tpu.memref_slice %arg2[%dma_wait3A_366, %dma_wait3A_367] : memref<10000x16xf32, #tpu.memory_space<hbm>> -> memref<10000x16xf32, #tpu.memory_space<hbm>>
      tpu.wait_indirect_dma semaphore(%arg20 : memref<!tpu.dma_semaphore, #tpu.memory_space<semaphore_mem>>) src(%dma_wait3A_368 : memref<10000x16xf32, #tpu.memory_space<hbm>>) dst(%arg16 : memref<125x16xf32, #tpu.memory_space<vmem>>)
      %dma_start3A_369 = arith.constant 0 : i32
      %dma_start3A_370 = tpu.memref_slice %arg9[%add3A_362, %dma_start3A_369] : memref<40x125xi32, #tpu.memory_space<vmem>> -> memref<1x125xi32, #tpu.memory_space<vmem>>
      %dma_start3A_371 = tpu.memref_squeeze %dma_start3A_370 : memref<1x125xi32, #tpu.memory_space<vmem>> -> memref<125xi32, #tpu.memory_space<vmem>>
      %dma_start3A_372 = arith.constant 0 : i32
      %dma_start3A_373 = arith.constant 0 : i32
      %dma_start3A_374 = tpu.memref_slice %arg7[%dma_start3A_372, %dma_start3A_373] : memref<10000x16xf32, #tpu.memory_space<vmem_shared>> -> memref<10000x16xf32, #tpu.memory_space<vmem_shared>>
      tpu.enqueue_indirect_dma source(%arg16 : memref<125x16xf32, #tpu.memory_space<vmem>>) target(%dma_start3A_374 : memref<10000x16xf32, #tpu.memory_space<vmem_shared>>) offsets(%dma_start3A_371 : memref<125xi32, #tpu.memory_space<vmem>>) semaphore(%arg21 : memref<!tpu.dma_semaphore, #tpu.memory_space<semaphore_mem>>) {add = true}
      %sub3A_375 = arith.constant 5 : i32
      %sub3A_376 = arith.subi %add3A_362, %sub3A_375 : i32
      %dma_wait3A_377 = arith.constant 0 : i32
      %dma_wait3A_378 = tpu.memref_slice %arg9[%sub3A_376, %dma_wait3A_377] : memref<40x125xi32, #tpu.memory_space<vmem>> -> memref<1x125xi32, #tpu.memory_space<vmem>>
      %dma_wait3A_379 = tpu.memref_squeeze %dma_wait3A_378 : memref<1x125xi32, #tpu.memory_space<vmem>> -> memref<125xi32, #tpu.memory_space<vmem>>
      %dma_wait3A_380 = arith.constant 0 : i32
      %dma_wait3A_381 = arith.constant 0 : i32
      %dma_wait3A_382 = tpu.memref_slice %arg7[%dma_wait3A_380, %dma_wait3A_381] : memref<10000x16xf32, #tpu.memory_space<vmem_shared>> -> memref<10000x16xf32, #tpu.memory_space<vmem_shared>>
      tpu.wait_indirect_dma semaphore(%arg21 : memref<!tpu.dma_semaphore, #tpu.memory_space<semaphore_mem>>) src(%arg11 : memref<125x16xf32, #tpu.memory_space<vmem>>) dst(%dma_wait3A_382 : memref<10000x16xf32, #tpu.memory_space<vmem_shared>>)
      %le3A_383 = arith.constant 2 : i32
      %le3A_384 = arith.cmpi sle, %scan3A_189, %le3A_383 : i32
      %convert_element_type3A_385 = arith.extui %le3A_384 : i1 to i32
      %cond3A_386 = arith.constant 0 : i32
      %cond3A_387 = arith.cmpi ne, %convert_element_type3A_385, %cond3A_386 : i32
      scf.if %cond3A_387 {
        %add3A_475 = arith.constant 5 : i32
        %add3A_476 = arith.addi %add3A_362, %add3A_475 : i32
        %dma_start3A_477 = arith.constant 0 : i32
        %dma_start3A_478 = tpu.memref_slice %arg8[%add3A_476, %dma_start3A_477] : memref<40x125xi32, #tpu.memory_space<vmem>> -> memref<1x125xi32, #tpu.memory_space<vmem>>
        %dma_start3A_479 = tpu.memref_squeeze %dma_start3A_478 : memref<1x125xi32, #tpu.memory_space<vmem>> -> memref<125xi32, #tpu.memory_space<vmem>>
        %dma_start3A_480 = arith.constant 0 : i32
        %dma_start3A_481 = arith.constant 0 : i32
        %dma_start3A_482 = tpu.memref_slice %arg2[%dma_start3A_480, %dma_start3A_481] : memref<10000x16xf32, #tpu.memory_space<hbm>> -> memref<10000x16xf32, #tpu.memory_space<hbm>>
        tpu.enqueue_indirect_dma source(%dma_start3A_482 : memref<10000x16xf32, #tpu.memory_space<hbm>>) target(%arg11 : memref<125x16xf32, #tpu.memory_space<vmem>>) offsets(%dma_start3A_479 : memref<125xi32, #tpu.memory_space<vmem>>) semaphore(%arg20 : memref<!tpu.dma_semaphore, #tpu.memory_space<semaphore_mem>>)
      } else {
      }
      %mul3A_388 = arith.constant 10 : i32
      %mul3A_389 = arith.muli %mul3A_388, %scan3A_189 : i32
      %add3A_390 = arith.constant 7 : i32
      %add3A_391 = arith.addi %mul3A_389, %add3A_390 : i32
      %dma_wait3A_392 = arith.constant 0 : i32
      %dma_wait3A_393 = tpu.memref_slice %arg8[%add3A_391, %dma_wait3A_392] : memref<40x125xi32, #tpu.memory_space<vmem>> -> memref<1x125xi32, #tpu.memory_space<vmem>>
      %dma_wait3A_394 = tpu.memref_squeeze %dma_wait3A_393 : memref<1x125xi32, #tpu.memory_space<vmem>> -> memref<125xi32, #tpu.memory_space<vmem>>
      %dma_wait3A_395 = arith.constant 0 : i32
      %dma_wait3A_396 = arith.constant 0 : i32
      %dma_wait3A_397 = tpu.memref_slice %arg2[%dma_wait3A_395, %dma_wait3A_396] : memref<10000x16xf32, #tpu.memory_space<hbm>> -> memref<10000x16xf32, #tpu.memory_space<hbm>>
      tpu.wait_indirect_dma semaphore(%arg20 : memref<!tpu.dma_semaphore, #tpu.memory_space<semaphore_mem>>) src(%dma_wait3A_397 : memref<10000x16xf32, #tpu.memory_space<hbm>>) dst(%arg17 : memref<125x16xf32, #tpu.memory_space<vmem>>)
      %dma_start3A_398 = arith.constant 0 : i32
      %dma_start3A_399 = tpu.memref_slice %arg9[%add3A_391, %dma_start3A_398] : memref<40x125xi32, #tpu.memory_space<vmem>> -> memref<1x125xi32, #tpu.memory_space<vmem>>
      %dma_start3A_400 = tpu.memref_squeeze %dma_start3A_399 : memref<1x125xi32, #tpu.memory_space<vmem>> -> memref<125xi32, #tpu.memory_space<vmem>>
      %dma_start3A_401 = arith.constant 0 : i32
      %dma_start3A_402 = arith.constant 0 : i32
      %dma_start3A_403 = tpu.memref_slice %arg7[%dma_start3A_401, %dma_start3A_402] : memref<10000x16xf32, #tpu.memory_space<vmem_shared>> -> memref<10000x16xf32, #tpu.memory_space<vmem_shared>>
      tpu.enqueue_indirect_dma source(%arg17 : memref<125x16xf32, #tpu.memory_space<vmem>>) target(%dma_start3A_403 : memref<10000x16xf32, #tpu.memory_space<vmem_shared>>) offsets(%dma_start3A_400 : memref<125xi32, #tpu.memory_space<vmem>>) semaphore(%arg21 : memref<!tpu.dma_semaphore, #tpu.memory_space<semaphore_mem>>) {add = true}
      %sub3A_404 = arith.constant 5 : i32
      %sub3A_405 = arith.subi %add3A_391, %sub3A_404 : i32
      %dma_wait3A_406 = arith.constant 0 : i32
      %dma_wait3A_407 = tpu.memref_slice %arg9[%sub3A_405, %dma_wait3A_406] : memref<40x125xi32, #tpu.memory_space<vmem>> -> memref<1x125xi32, #tpu.memory_space<vmem>>
      %dma_wait3A_408 = tpu.memref_squeeze %dma_wait3A_407 : memref<1x125xi32, #tpu.memory_space<vmem>> -> memref<125xi32, #tpu.memory_space<vmem>>
      %dma_wait3A_409 = arith.constant 0 : i32
      %dma_wait3A_410 = arith.constant 0 : i32
      %dma_wait3A_411 = tpu.memref_slice %arg7[%dma_wait3A_409, %dma_wait3A_410] : memref<10000x16xf32, #tpu.memory_space<vmem_shared>> -> memref<10000x16xf32, #tpu.memory_space<vmem_shared>>
      tpu.wait_indirect_dma semaphore(%arg21 : memref<!tpu.dma_semaphore, #tpu.memory_space<semaphore_mem>>) src(%arg12 : memref<125x16xf32, #tpu.memory_space<vmem>>) dst(%dma_wait3A_411 : memref<10000x16xf32, #tpu.memory_space<vmem_shared>>)
      %le3A_412 = arith.constant 2 : i32
      %le3A_413 = arith.cmpi sle, %scan3A_189, %le3A_412 : i32
      %convert_element_type3A_414 = arith.extui %le3A_413 : i1 to i32
      %cond3A_415 = arith.constant 0 : i32
      %cond3A_416 = arith.cmpi ne, %convert_element_type3A_414, %cond3A_415 : i32
      scf.if %cond3A_416 {
        %add3A_475 = arith.constant 5 : i32
        %add3A_476 = arith.addi %add3A_391, %add3A_475 : i32
        %dma_start3A_477 = arith.constant 0 : i32
        %dma_start3A_478 = tpu.memref_slice %arg8[%add3A_476, %dma_start3A_477] : memref<40x125xi32, #tpu.memory_space<vmem>> -> memref<1x125xi32, #tpu.memory_space<vmem>>
        %dma_start3A_479 = tpu.memref_squeeze %dma_start3A_478 : memref<1x125xi32, #tpu.memory_space<vmem>> -> memref<125xi32, #tpu.memory_space<vmem>>
        %dma_start3A_480 = arith.constant 0 : i32
        %dma_start3A_481 = arith.constant 0 : i32
        %dma_start3A_482 = tpu.memref_slice %arg2[%dma_start3A_480, %dma_start3A_481] : memref<10000x16xf32, #tpu.memory_space<hbm>> -> memref<10000x16xf32, #tpu.memory_space<hbm>>
        tpu.enqueue_indirect_dma source(%dma_start3A_482 : memref<10000x16xf32, #tpu.memory_space<hbm>>) target(%arg12 : memref<125x16xf32, #tpu.memory_space<vmem>>) offsets(%dma_start3A_479 : memref<125xi32, #tpu.memory_space<vmem>>) semaphore(%arg20 : memref<!tpu.dma_semaphore, #tpu.memory_space<semaphore_mem>>)
      } else {
      }
      %mul3A_417 = arith.constant 10 : i32
      %mul3A_418 = arith.muli %mul3A_417, %scan3A_189 : i32
      %add3A_419 = arith.constant 8 : i32
      %add3A_420 = arith.addi %mul3A_418, %add3A_419 : i32
      %dma_wait3A_421 = arith.constant 0 : i32
      %dma_wait3A_422 = tpu.memref_slice %arg8[%add3A_420, %dma_wait3A_421] : memref<40x125xi32, #tpu.memory_space<vmem>> -> memref<1x125xi32, #tpu.memory_space<vmem>>
      %dma_wait3A_423 = tpu.memref_squeeze %dma_wait3A_422 : memref<1x125xi32, #tpu.memory_space<vmem>> -> memref<125xi32, #tpu.memory_space<vmem>>
      %dma_wait3A_424 = arith.constant 0 : i32
      %dma_wait3A_425 = arith.constant 0 : i32
      %dma_wait3A_426 = tpu.memref_slice %arg2[%dma_wait3A_424, %dma_wait3A_425] : memref<10000x16xf32, #tpu.memory_space<hbm>> -> memref<10000x16xf32, #tpu.memory_space<hbm>>
      tpu.wait_indirect_dma semaphore(%arg20 : memref<!tpu.dma_semaphore, #tpu.memory_space<semaphore_mem>>) src(%dma_wait3A_426 : memref<10000x16xf32, #tpu.memory_space<hbm>>) dst(%arg18 : memref<125x16xf32, #tpu.memory_space<vmem>>)
      %dma_start3A_427 = arith.constant 0 : i32
      %dma_start3A_428 = tpu.memref_slice %arg9[%add3A_420, %dma_start3A_427] : memref<40x125xi32, #tpu.memory_space<vmem>> -> memref<1x125xi32, #tpu.memory_space<vmem>>
      %dma_start3A_429 = tpu.memref_squeeze %dma_start3A_428 : memref<1x125xi32, #tpu.memory_space<vmem>> -> memref<125xi32, #tpu.memory_space<vmem>>
      %dma_start3A_430 = arith.constant 0 : i32
      %dma_start3A_431 = arith.constant 0 : i32
      %dma_start3A_432 = tpu.memref_slice %arg7[%dma_start3A_430, %dma_start3A_431] : memref<10000x16xf32, #tpu.memory_space<vmem_shared>> -> memref<10000x16xf32, #tpu.memory_space<vmem_shared>>
      tpu.enqueue_indirect_dma source(%arg18 : memref<125x16xf32, #tpu.memory_space<vmem>>) target(%dma_start3A_432 : memref<10000x16xf32, #tpu.memory_space<vmem_shared>>) offsets(%dma_start3A_429 : memref<125xi32, #tpu.memory_space<vmem>>) semaphore(%arg21 : memref<!tpu.dma_semaphore, #tpu.memory_space<semaphore_mem>>) {add = true}
      %sub3A_433 = arith.constant 5 : i32
      %sub3A_434 = arith.subi %add3A_420, %sub3A_433 : i32
      %dma_wait3A_435 = arith.constant 0 : i32
      %dma_wait3A_436 = tpu.memref_slice %arg9[%sub3A_434, %dma_wait3A_435] : memref<40x125xi32, #tpu.memory_space<vmem>> -> memref<1x125xi32, #tpu.memory_space<vmem>>
      %dma_wait3A_437 = tpu.memref_squeeze %dma_wait3A_436 : memref<1x125xi32, #tpu.memory_space<vmem>> -> memref<125xi32, #tpu.memory_space<vmem>>
      %dma_wait3A_438 = arith.constant 0 : i32
      %dma_wait3A_439 = arith.constant 0 : i32
      %dma_wait3A_440 = tpu.memref_slice %arg7[%dma_wait3A_438, %dma_wait3A_439] : memref<10000x16xf32, #tpu.memory_space<vmem_shared>> -> memref<10000x16xf32, #tpu.memory_space<vmem_shared>>
      tpu.wait_indirect_dma semaphore(%arg21 : memref<!tpu.dma_semaphore, #tpu.memory_space<semaphore_mem>>) src(%arg13 : memref<125x16xf32, #tpu.memory_space<vmem>>) dst(%dma_wait3A_440 : memref<10000x16xf32, #tpu.memory_space<vmem_shared>>)
      %le3A_441 = arith.constant 2 : i32
      %le3A_442 = arith.cmpi sle, %scan3A_189, %le3A_441 : i32
      %convert_element_type3A_443 = arith.extui %le3A_442 : i1 to i32
      %cond3A_444 = arith.constant 0 : i32
      %cond3A_445 = arith.cmpi ne, %convert_element_type3A_443, %cond3A_444 : i32
      scf.if %cond3A_445 {
        %add3A_475 = arith.constant 5 : i32
        %add3A_476 = arith.addi %add3A_420, %add3A_475 : i32
        %dma_start3A_477 = arith.constant 0 : i32
        %dma_start3A_478 = tpu.memref_slice %arg8[%add3A_476, %dma_start3A_477] : memref<40x125xi32, #tpu.memory_space<vmem>> -> memref<1x125xi32, #tpu.memory_space<vmem>>
        %dma_start3A_479 = tpu.memref_squeeze %dma_start3A_478 : memref<1x125xi32, #tpu.memory_space<vmem>> -> memref<125xi32, #tpu.memory_space<vmem>>
        %dma_start3A_480 = arith.constant 0 : i32
        %dma_start3A_481 = arith.constant 0 : i32
        %dma_start3A_482 = tpu.memref_slice %arg2[%dma_start3A_480, %dma_start3A_481] : memref<10000x16xf32, #tpu.memory_space<hbm>> -> memref<10000x16xf32, #tpu.memory_space<hbm>>
        tpu.enqueue_indirect_dma source(%dma_start3A_482 : memref<10000x16xf32, #tpu.memory_space<hbm>>) target(%arg13 : memref<125x16xf32, #tpu.memory_space<vmem>>) offsets(%dma_start3A_479 : memref<125xi32, #tpu.memory_space<vmem>>) semaphore(%arg20 : memref<!tpu.dma_semaphore, #tpu.memory_space<semaphore_mem>>)
      } else {
      }
      %mul3A_446 = arith.constant 10 : i32
      %mul3A_447 = arith.muli %mul3A_446, %scan3A_189 : i32
      %add3A_448 = arith.constant 9 : i32
      %add3A_449 = arith.addi %mul3A_447, %add3A_448 : i32
      %dma_wait3A_450 = arith.constant 0 : i32
      %dma_wait3A_451 = tpu.memref_slice %arg8[%add3A_449, %dma_wait3A_450] : memref<40x125xi32, #tpu.memory_space<vmem>> -> memref<1x125xi32, #tpu.memory_space<vmem>>
      %dma_wait3A_452 = tpu.memref_squeeze %dma_wait3A_451 : memref<1x125xi32, #tpu.memory_space<vmem>> -> memref<125xi32, #tpu.memory_space<vmem>>
      %dma_wait3A_453 = arith.constant 0 : i32
      %dma_wait3A_454 = arith.constant 0 : i32
      %dma_wait3A_455 = tpu.memref_slice %arg2[%dma_wait3A_453, %dma_wait3A_454] : memref<10000x16xf32, #tpu.memory_space<hbm>> -> memref<10000x16xf32, #tpu.memory_space<hbm>>
      tpu.wait_indirect_dma semaphore(%arg20 : memref<!tpu.dma_semaphore, #tpu.memory_space<semaphore_mem>>) src(%dma_wait3A_455 : memref<10000x16xf32, #tpu.memory_space<hbm>>) dst(%arg19 : memref<125x16xf32, #tpu.memory_space<vmem>>)
      %dma_start3A_456 = arith.constant 0 : i32
      %dma_start3A_457 = tpu.memref_slice %arg9[%add3A_449, %dma_start3A_456] : memref<40x125xi32, #tpu.memory_space<vmem>> -> memref<1x125xi32, #tpu.memory_space<vmem>>
      %dma_start3A_458 = tpu.memref_squeeze %dma_start3A_457 : memref<1x125xi32, #tpu.memory_space<vmem>> -> memref<125xi32, #tpu.memory_space<vmem>>
      %dma_start3A_459 = arith.constant 0 : i32
      %dma_start3A_460 = arith.constant 0 : i32
      %dma_start3A_461 = tpu.memref_slice %arg7[%dma_start3A_459, %dma_start3A_460] : memref<10000x16xf32, #tpu.memory_space<vmem_shared>> -> memref<10000x16xf32, #tpu.memory_space<vmem_shared>>
      tpu.enqueue_indirect_dma source(%arg19 : memref<125x16xf32, #tpu.memory_space<vmem>>) target(%dma_start3A_461 : memref<10000x16xf32, #tpu.memory_space<vmem_shared>>) offsets(%dma_start3A_458 : memref<125xi32, #tpu.memory_space<vmem>>) semaphore(%arg21 : memref<!tpu.dma_semaphore, #tpu.memory_space<semaphore_mem>>) {add = true}
      %sub3A_462 = arith.constant 5 : i32
      %sub3A_463 = arith.subi %add3A_449, %sub3A_462 : i32
      %dma_wait3A_464 = arith.constant 0 : i32
      %dma_wait3A_465 = tpu.memref_slice %arg9[%sub3A_463, %dma_wait3A_464] : memref<40x125xi32, #tpu.memory_space<vmem>> -> memref<1x125xi32, #tpu.memory_space<vmem>>
      %dma_wait3A_466 = tpu.memref_squeeze %dma_wait3A_465 : memref<1x125xi32, #tpu.memory_space<vmem>> -> memref<125xi32, #tpu.memory_space<vmem>>
      %dma_wait3A_467 = arith.constant 0 : i32
      %dma_wait3A_468 = arith.constant 0 : i32
      %dma_wait3A_469 = tpu.memref_slice %arg7[%dma_wait3A_467, %dma_wait3A_468] : memref<10000x16xf32, #tpu.memory_space<vmem_shared>> -> memref<10000x16xf32, #tpu.memory_space<vmem_shared>>
      tpu.wait_indirect_dma semaphore(%arg21 : memref<!tpu.dma_semaphore, #tpu.memory_space<semaphore_mem>>) src(%arg14 : memref<125x16xf32, #tpu.memory_space<vmem>>) dst(%dma_wait3A_469 : memref<10000x16xf32, #tpu.memory_space<vmem_shared>>)
      %le3A_470 = arith.constant 2 : i32
      %le3A_471 = arith.cmpi sle, %scan3A_189, %le3A_470 : i32
      %convert_element_type3A_472 = arith.extui %le3A_471 : i1 to i32
      %cond3A_473 = arith.constant 0 : i32
      %cond3A_474 = arith.cmpi ne, %convert_element_type3A_472, %cond3A_473 : i32
      scf.if %cond3A_474 {
        %add3A_475 = arith.constant 5 : i32
        %add3A_476 = arith.addi %add3A_449, %add3A_475 : i32
        %dma_start3A_477 = arith.constant 0 : i32
        %dma_start3A_478 = tpu.memref_slice %arg8[%add3A_476, %dma_start3A_477] : memref<40x125xi32, #tpu.memory_space<vmem>> -> memref<1x125xi32, #tpu.memory_space<vmem>>
        %dma_start3A_479 = tpu.memref_squeeze %dma_start3A_478 : memref<1x125xi32, #tpu.memory_space<vmem>> -> memref<125xi32, #tpu.memory_space<vmem>>
        %dma_start3A_480 = arith.constant 0 : i32
        %dma_start3A_481 = arith.constant 0 : i32
        %dma_start3A_482 = tpu.memref_slice %arg2[%dma_start3A_480, %dma_start3A_481] : memref<10000x16xf32, #tpu.memory_space<hbm>> -> memref<10000x16xf32, #tpu.memory_space<hbm>>
        tpu.enqueue_indirect_dma source(%dma_start3A_482 : memref<10000x16xf32, #tpu.memory_space<hbm>>) target(%arg14 : memref<125x16xf32, #tpu.memory_space<vmem>>) offsets(%dma_start3A_479 : memref<125xi32, #tpu.memory_space<vmem>>) semaphore(%arg20 : memref<!tpu.dma_semaphore, #tpu.memory_space<semaphore_mem>>)
      } else {
      }
    }
    %scan3A_61 = arith.constant 4 : i32
    %dma_wait3A = arith.constant 35 : i32
    %dma_wait3A_62 = arith.constant 0 : i32
    %dma_wait3A_63 = tpu.memref_slice %arg9[%dma_wait3A, %dma_wait3A_62] : memref<40x125xi32, #tpu.memory_space<vmem>> -> memref<1x125xi32, #tpu.memory_space<vmem>>
    %dma_wait3A_64 = tpu.memref_squeeze %dma_wait3A_63 : memref<1x125xi32, #tpu.memory_space<vmem>> -> memref<125xi32, #tpu.memory_space<vmem>>
    %dma_wait3A_65 = arith.constant 0 : i32
    %dma_wait3A_66 = arith.constant 0 : i32
    %dma_wait3A_67 = tpu.memref_slice %arg7[%dma_wait3A_65, %dma_wait3A_66] : memref<10000x16xf32, #tpu.memory_space<vmem_shared>> -> memref<10000x16xf32, #tpu.memory_space<vmem_shared>>
    tpu.wait_indirect_dma semaphore(%arg21 : memref<!tpu.dma_semaphore, #tpu.memory_space<semaphore_mem>>) src(%arg15 : memref<125x16xf32, #tpu.memory_space<vmem>>) dst(%dma_wait3A_67 : memref<10000x16xf32, #tpu.memory_space<vmem_shared>>)
    %dma_wait3A_68 = arith.constant 36 : i32
    %dma_wait3A_69 = arith.constant 0 : i32
    %dma_wait3A_70 = tpu.memref_slice %arg9[%dma_wait3A_68, %dma_wait3A_69] : memref<40x125xi32, #tpu.memory_space<vmem>> -> memref<1x125xi32, #tpu.memory_space<vmem>>
    %dma_wait3A_71 = tpu.memref_squeeze %dma_wait3A_70 : memref<1x125xi32, #tpu.memory_space<vmem>> -> memref<125xi32, #tpu.memory_space<vmem>>
    %dma_wait3A_72 = arith.constant 0 : i32
    %dma_wait3A_73 = arith.constant 0 : i32
    %dma_wait3A_74 = tpu.memref_slice %arg7[%dma_wait3A_72, %dma_wait3A_73] : memref<10000x16xf32, #tpu.memory_space<vmem_shared>> -> memref<10000x16xf32, #tpu.memory_space<vmem_shared>>
    tpu.wait_indirect_dma semaphore(%arg21 : memref<!tpu.dma_semaphore, #tpu.memory_space<semaphore_mem>>) src(%arg16 : memref<125x16xf32, #tpu.memory_space<vmem>>) dst(%dma_wait3A_74 : memref<10000x16xf32, #tpu.memory_space<vmem_shared>>)
    %dma_wait3A_75 = arith.constant 37 : i32
    %dma_wait3A_76 = arith.constant 0 : i32
    %dma_wait3A_77 = tpu.memref_slice %arg9[%dma_wait3A_75, %dma_wait3A_76] : memref<40x125xi32, #tpu.memory_space<vmem>> -> memref<1x125xi32, #tpu.memory_space<vmem>>
    %dma_wait3A_78 = tpu.memref_squeeze %dma_wait3A_77 : memref<1x125xi32, #tpu.memory_space<vmem>> -> memref<125xi32, #tpu.memory_space<vmem>>
    %dma_wait3A_79 = arith.constant 0 : i32
    %dma_wait3A_80 = arith.constant 0 : i32
    %dma_wait3A_81 = tpu.memref_slice %arg7[%dma_wait3A_79, %dma_wait3A_80] : memref<10000x16xf32, #tpu.memory_space<vmem_shared>> -> memref<10000x16xf32, #tpu.memory_space<vmem_shared>>
    tpu.wait_indirect_dma semaphore(%arg21 : memref<!tpu.dma_semaphore, #tpu.memory_space<semaphore_mem>>) src(%arg17 : memref<125x16xf32, #tpu.memory_space<vmem>>) dst(%dma_wait3A_81 : memref<10000x16xf32, #tpu.memory_space<vmem_shared>>)
    %dma_wait3A_82 = arith.constant 38 : i32
    %dma_wait3A_83 = arith.constant 0 : i32
    %dma_wait3A_84 = tpu.memref_slice %arg9[%dma_wait3A_82, %dma_wait3A_83] : memref<40x125xi32, #tpu.memory_space<vmem>> -> memref<1x125xi32, #tpu.memory_space<vmem>>
    %dma_wait3A_85 = tpu.memref_squeeze %dma_wait3A_84 : memref<1x125xi32, #tpu.memory_space<vmem>> -> memref<125xi32, #tpu.memory_space<vmem>>
    %dma_wait3A_86 = arith.constant 0 : i32
    %dma_wait3A_87 = arith.constant 0 : i32
    %dma_wait3A_88 = tpu.memref_slice %arg7[%dma_wait3A_86, %dma_wait3A_87] : memref<10000x16xf32, #tpu.memory_space<vmem_shared>> -> memref<10000x16xf32, #tpu.memory_space<vmem_shared>>
    tpu.wait_indirect_dma semaphore(%arg21 : memref<!tpu.dma_semaphore, #tpu.memory_space<semaphore_mem>>) src(%arg18 : memref<125x16xf32, #tpu.memory_space<vmem>>) dst(%dma_wait3A_88 : memref<10000x16xf32, #tpu.memory_space<vmem_shared>>)
    %dma_wait3A_89 = arith.constant 39 : i32
    %dma_wait3A_90 = arith.constant 0 : i32
    %dma_wait3A_91 = tpu.memref_slice %arg9[%dma_wait3A_89, %dma_wait3A_90] : memref<40x125xi32, #tpu.memory_space<vmem>> -> memref<1x125xi32, #tpu.memory_space<vmem>>
    %dma_wait3A_92 = tpu.memref_squeeze %dma_wait3A_91 : memref<1x125xi32, #tpu.memory_space<vmem>> -> memref<125xi32, #tpu.memory_space<vmem>>
    %dma_wait3A_93 = arith.constant 0 : i32
    %dma_wait3A_94 = arith.constant 0 : i32
    %dma_wait3A_95 = tpu.memref_slice %arg7[%dma_wait3A_93, %dma_wait3A_94] : memref<10000x16xf32, #tpu.memory_space<vmem_shared>> -> memref<10000x16xf32, #tpu.memory_space<vmem_shared>>
    tpu.wait_indirect_dma semaphore(%arg21 : memref<!tpu.dma_semaphore, #tpu.memory_space<semaphore_mem>>) src(%arg19 : memref<125x16xf32, #tpu.memory_space<vmem>>) dst(%dma_wait3A_95 : memref<10000x16xf32, #tpu.memory_space<vmem_shared>>)
    %barrier3A_96 = arith.constant 0 : index
    tpu.barrier barrier_id(%barrier3A_96)
    %mul3A_97 = arith.constant 16 : i32
    %mul3A_98 = arith.muli %mul3A_97, %arg0 : i32
    %mul3A_99 = arith.constant 625 : i32
    %mul3A_100 = arith.muli %mul3A_99, %arg1 : i32
    "tpu.region"() ({
      %run_scoped3A = tpu.sem_alloc : memref<!tpu.dma_semaphore, #tpu.memory_space<semaphore_mem>>
      %dma_start3A_189 = arith.constant 0 : i32
      %dma_start3A_190 = tpu.memref_slice %arg7[%mul3A_100, %dma_start3A_189] : memref<10000x16xf32, #tpu.memory_space<vmem_shared>> -> memref<125x16xf32, #tpu.memory_space<vmem_shared>>
      %dma_start3A_191 = arith.constant 0 : i32
      %dma_start3A_192 = tpu.memref_slice %arg7[%mul3A_100, %dma_start3A_191] : memref<10000x16xf32, #tpu.memory_space<vmem_shared>> -> memref<125x16xf32, #tpu.memory_space<vmem_shared>>
      tpu.enqueue_dma source(%dma_start3A_192 : memref<125x16xf32, #tpu.memory_space<vmem_shared>>) target(%arg10 : memref<125x16xf32, #tpu.memory_space<vmem>>) target_semaphore(%run_scoped3A : memref<!tpu.dma_semaphore, #tpu.memory_space<semaphore_mem>>)
      %dma_wait3A_193 = arith.constant 0 : i32
      %dma_wait3A_194 = tpu.memref_slice %arg7[%mul3A_100, %dma_wait3A_193] : memref<10000x16xf32, #tpu.memory_space<vmem_shared>> -> memref<125x16xf32, #tpu.memory_space<vmem_shared>>
      %dma_wait3A_195 = arith.constant 0 : i32
      %dma_wait3A_196 = tpu.memref_slice %arg7[%mul3A_100, %dma_wait3A_195] : memref<10000x16xf32, #tpu.memory_space<vmem_shared>> -> memref<125x16xf32, #tpu.memory_space<vmem_shared>>
      tpu.wait_dma2 semaphore(%run_scoped3A : memref<!tpu.dma_semaphore, #tpu.memory_space<semaphore_mem>>) src(%dma_wait3A_196 : memref<125x16xf32, #tpu.memory_space<vmem_shared>>) dst(%arg10 : memref<125x16xf32, #tpu.memory_space<vmem>>)
      tpu.yield
    }) : () -> ()
    %mul3A_101 = arith.constant 625 : i32
    %mul3A_102 = arith.muli %mul3A_101, %arg1 : i32
    %add3A_103 = arith.constant 0 : i32
    %add3A_104 = arith.addi %mul3A_102, %add3A_103 : i32
    %dma_start3A_105 = tpu.memref_slice %arg6[%add3A_104, %mul3A_98] : memref<10000x128xf32, #tpu.memory_space<hbm>> -> memref<125x16xf32, #tpu.memory_space<hbm>>
    %dma_start3A_106 = tpu.memref_slice %arg6[%add3A_104, %mul3A_98] : memref<10000x128xf32, #tpu.memory_space<hbm>> -> memref<125x16xf32, #tpu.memory_space<hbm>>
    tpu.enqueue_dma source(%arg10 : memref<125x16xf32, #tpu.memory_space<vmem>>) target(%dma_start3A_106 : memref<125x16xf32, #tpu.memory_space<hbm>>) target_semaphore(%arg20 : memref<!tpu.dma_semaphore, #tpu.memory_space<semaphore_mem>>)
    %mul3A_107 = arith.constant 625 : i32
    %mul3A_108 = arith.muli %mul3A_107, %arg1 : i32
    %add3A_109 = arith.constant 125 : i32
    %add3A_110 = arith.addi %mul3A_108, %add3A_109 : i32
    %dma_start3A_111 = arith.constant 0 : i32
    %dma_start3A_112 = tpu.memref_slice %arg7[%add3A_110, %dma_start3A_111] : memref<10000x16xf32, #tpu.memory_space<vmem_shared>> -> memref<125x16xf32, #tpu.memory_space<vmem_shared>>
    %dma_start3A_113 = arith.constant 0 : i32
    %dma_start3A_114 = tpu.memref_slice %arg7[%add3A_110, %dma_start3A_113] : memref<10000x16xf32, #tpu.memory_space<vmem_shared>> -> memref<125x16xf32, #tpu.memory_space<vmem_shared>>
    tpu.enqueue_dma source(%dma_start3A_114 : memref<125x16xf32, #tpu.memory_space<vmem_shared>>) target(%arg11 : memref<125x16xf32, #tpu.memory_space<vmem>>) target_semaphore(%arg21 : memref<!tpu.dma_semaphore, #tpu.memory_space<semaphore_mem>>)
    %dma_wait3A_115 = arith.constant 0 : i32
    %dma_wait3A_116 = tpu.memref_slice %arg7[%add3A_110, %dma_wait3A_115] : memref<10000x16xf32, #tpu.memory_space<vmem_shared>> -> memref<125x16xf32, #tpu.memory_space<vmem_shared>>
    %dma_wait3A_117 = arith.constant 0 : i32
    %dma_wait3A_118 = tpu.memref_slice %arg7[%add3A_110, %dma_wait3A_117] : memref<10000x16xf32, #tpu.memory_space<vmem_shared>> -> memref<125x16xf32, #tpu.memory_space<vmem_shared>>
    tpu.wait_dma2 semaphore(%arg21 : memref<!tpu.dma_semaphore, #tpu.memory_space<semaphore_mem>>) src(%dma_wait3A_118 : memref<125x16xf32, #tpu.memory_space<vmem_shared>>) dst(%arg11 : memref<125x16xf32, #tpu.memory_space<vmem>>)
    %dma_wait3A_119 = tpu.memref_slice %arg6[%add3A_104, %mul3A_98] : memref<10000x128xf32, #tpu.memory_space<hbm>> -> memref<125x16xf32, #tpu.memory_space<hbm>>
    %dma_wait3A_120 = tpu.memref_slice %arg6[%add3A_104, %mul3A_98] : memref<10000x128xf32, #tpu.memory_space<hbm>> -> memref<125x16xf32, #tpu.memory_space<hbm>>
    tpu.wait_dma2 semaphore(%arg20 : memref<!tpu.dma_semaphore, #tpu.memory_space<semaphore_mem>>) src(%arg10 : memref<125x16xf32, #tpu.memory_space<vmem>>) dst(%dma_wait3A_120 : memref<125x16xf32, #tpu.memory_space<hbm>>)
    %mul3A_121 = arith.constant 625 : i32
    %mul3A_122 = arith.muli %mul3A_121, %arg1 : i32
    %add3A_123 = arith.constant 125 : i32
    %add3A_124 = arith.addi %mul3A_122, %add3A_123 : i32
    %dma_start3A_125 = tpu.memref_slice %arg6[%add3A_124, %mul3A_98] : memref<10000x128xf32, #tpu.memory_space<hbm>> -> memref<125x16xf32, #tpu.memory_space<hbm>>
    %dma_start3A_126 = tpu.memref_slice %arg6[%add3A_124, %mul3A_98] : memref<10000x128xf32, #tpu.memory_space<hbm>> -> memref<125x16xf32, #tpu.memory_space<hbm>>
    tpu.enqueue_dma source(%arg11 : memref<125x16xf32, #tpu.memory_space<vmem>>) target(%dma_start3A_126 : memref<125x16xf32, #tpu.memory_space<hbm>>) target_semaphore(%arg20 : memref<!tpu.dma_semaphore, #tpu.memory_space<semaphore_mem>>)
    %mul3A_127 = arith.constant 625 : i32
    %mul3A_128 = arith.muli %mul3A_127, %arg1 : i32
    %add3A_129 = arith.constant 250 : i32
    %add3A_130 = arith.addi %mul3A_128, %add3A_129 : i32
    %dma_start3A_131 = arith.constant 0 : i32
    %dma_start3A_132 = tpu.memref_slice %arg7[%add3A_130, %dma_start3A_131] : memref<10000x16xf32, #tpu.memory_space<vmem_shared>> -> memref<125x16xf32, #tpu.memory_space<vmem_shared>>
    %dma_start3A_133 = arith.constant 0 : i32
    %dma_start3A_134 = tpu.memref_slice %arg7[%add3A_130, %dma_start3A_133] : memref<10000x16xf32, #tpu.memory_space<vmem_shared>> -> memref<125x16xf32, #tpu.memory_space<vmem_shared>>
    tpu.enqueue_dma source(%dma_start3A_134 : memref<125x16xf32, #tpu.memory_space<vmem_shared>>) target(%arg10 : memref<125x16xf32, #tpu.memory_space<vmem>>) target_semaphore(%arg21 : memref<!tpu.dma_semaphore, #tpu.memory_space<semaphore_mem>>)
    %dma_wait3A_135 = arith.constant 0 : i32
    %dma_wait3A_136 = tpu.memref_slice %arg7[%add3A_130, %dma_wait3A_135] : memref<10000x16xf32, #tpu.memory_space<vmem_shared>> -> memref<125x16xf32, #tpu.memory_space<vmem_shared>>
    %dma_wait3A_137 = arith.constant 0 : i32
    %dma_wait3A_138 = tpu.memref_slice %arg7[%add3A_130, %dma_wait3A_137] : memref<10000x16xf32, #tpu.memory_space<vmem_shared>> -> memref<125x16xf32, #tpu.memory_space<vmem_shared>>
    tpu.wait_dma2 semaphore(%arg21 : memref<!tpu.dma_semaphore, #tpu.memory_space<semaphore_mem>>) src(%dma_wait3A_138 : memref<125x16xf32, #tpu.memory_space<vmem_shared>>) dst(%arg10 : memref<125x16xf32, #tpu.memory_space<vmem>>)
    %dma_wait3A_139 = tpu.memref_slice %arg6[%add3A_124, %mul3A_98] : memref<10000x128xf32, #tpu.memory_space<hbm>> -> memref<125x16xf32, #tpu.memory_space<hbm>>
    %dma_wait3A_140 = tpu.memref_slice %arg6[%add3A_124, %mul3A_98] : memref<10000x128xf32, #tpu.memory_space<hbm>> -> memref<125x16xf32, #tpu.memory_space<hbm>>
    tpu.wait_dma2 semaphore(%arg20 : memref<!tpu.dma_semaphore, #tpu.memory_space<semaphore_mem>>) src(%arg11 : memref<125x16xf32, #tpu.memory_space<vmem>>) dst(%dma_wait3A_140 : memref<125x16xf32, #tpu.memory_space<hbm>>)
    %mul3A_141 = arith.constant 625 : i32
    %mul3A_142 = arith.muli %mul3A_141, %arg1 : i32
    %add3A_143 = arith.constant 250 : i32
    %add3A_144 = arith.addi %mul3A_142, %add3A_143 : i32
    %dma_start3A_145 = tpu.memref_slice %arg6[%add3A_144, %mul3A_98] : memref<10000x128xf32, #tpu.memory_space<hbm>> -> memref<125x16xf32, #tpu.memory_space<hbm>>
    %dma_start3A_146 = tpu.memref_slice %arg6[%add3A_144, %mul3A_98] : memref<10000x128xf32, #tpu.memory_space<hbm>> -> memref<125x16xf32, #tpu.memory_space<hbm>>
    tpu.enqueue_dma source(%arg10 : memref<125x16xf32, #tpu.memory_space<vmem>>) target(%dma_start3A_146 : memref<125x16xf32, #tpu.memory_space<hbm>>) target_semaphore(%arg20 : memref<!tpu.dma_semaphore, #tpu.memory_space<semaphore_mem>>)
    %mul3A_147 = arith.constant 625 : i32
    %mul3A_148 = arith.muli %mul3A_147, %arg1 : i32
    %add3A_149 = arith.constant 375 : i32
    %add3A_150 = arith.addi %mul3A_148, %add3A_149 : i32
    %dma_start3A_151 = arith.constant 0 : i32
    %dma_start3A_152 = tpu.memref_slice %arg7[%add3A_150, %dma_start3A_151] : memref<10000x16xf32, #tpu.memory_space<vmem_shared>> -> memref<125x16xf32, #tpu.memory_space<vmem_shared>>
    %dma_start3A_153 = arith.constant 0 : i32
    %dma_start3A_154 = tpu.memref_slice %arg7[%add3A_150, %dma_start3A_153] : memref<10000x16xf32, #tpu.memory_space<vmem_shared>> -> memref<125x16xf32, #tpu.memory_space<vmem_shared>>
    tpu.enqueue_dma source(%dma_start3A_154 : memref<125x16xf32, #tpu.memory_space<vmem_shared>>) target(%arg11 : memref<125x16xf32, #tpu.memory_space<vmem>>) target_semaphore(%arg21 : memref<!tpu.dma_semaphore, #tpu.memory_space<semaphore_mem>>)
    %dma_wait3A_155 = arith.constant 0 : i32
    %dma_wait3A_156 = tpu.memref_slice %arg7[%add3A_150, %dma_wait3A_155] : memref<10000x16xf32, #tpu.memory_space<vmem_shared>> -> memref<125x16xf32, #tpu.memory_space<vmem_shared>>
    %dma_wait3A_157 = arith.constant 0 : i32
    %dma_wait3A_158 = tpu.memref_slice %arg7[%add3A_150, %dma_wait3A_157] : memref<10000x16xf32, #tpu.memory_space<vmem_shared>> -> memref<125x16xf32, #tpu.memory_space<vmem_shared>>
    tpu.wait_dma2 semaphore(%arg21 : memref<!tpu.dma_semaphore, #tpu.memory_space<semaphore_mem>>) src(%dma_wait3A_158 : memref<125x16xf32, #tpu.memory_space<vmem_shared>>) dst(%arg11 : memref<125x16xf32, #tpu.memory_space<vmem>>)
    %dma_wait3A_159 = tpu.memref_slice %arg6[%add3A_144, %mul3A_98] : memref<10000x128xf32, #tpu.memory_space<hbm>> -> memref<125x16xf32, #tpu.memory_space<hbm>>
    %dma_wait3A_160 = tpu.memref_slice %arg6[%add3A_144, %mul3A_98] : memref<10000x128xf32, #tpu.memory_space<hbm>> -> memref<125x16xf32, #tpu.memory_space<hbm>>
    tpu.wait_dma2 semaphore(%arg20 : memref<!tpu.dma_semaphore, #tpu.memory_space<semaphore_mem>>) src(%arg10 : memref<125x16xf32, #tpu.memory_space<vmem>>) dst(%dma_wait3A_160 : memref<125x16xf32, #tpu.memory_space<hbm>>)
    %mul3A_161 = arith.constant 625 : i32
    %mul3A_162 = arith.muli %mul3A_161, %arg1 : i32
    %add3A_163 = arith.constant 375 : i32
    %add3A_164 = arith.addi %mul3A_162, %add3A_163 : i32
    %dma_start3A_165 = tpu.memref_slice %arg6[%add3A_164, %mul3A_98] : memref<10000x128xf32, #tpu.memory_space<hbm>> -> memref<125x16xf32, #tpu.memory_space<hbm>>
    %dma_start3A_166 = tpu.memref_slice %arg6[%add3A_164, %mul3A_98] : memref<10000x128xf32, #tpu.memory_space<hbm>> -> memref<125x16xf32, #tpu.memory_space<hbm>>
    tpu.enqueue_dma source(%arg11 : memref<125x16xf32, #tpu.memory_space<vmem>>) target(%dma_start3A_166 : memref<125x16xf32, #tpu.memory_space<hbm>>) target_semaphore(%arg20 : memref<!tpu.dma_semaphore, #tpu.memory_space<semaphore_mem>>)
    %mul3A_167 = arith.constant 625 : i32
    %mul3A_168 = arith.muli %mul3A_167, %arg1 : i32
    %add3A_169 = arith.constant 500 : i32
    %add3A_170 = arith.addi %mul3A_168, %add3A_169 : i32
    %dma_start3A_171 = arith.constant 0 : i32
    %dma_start3A_172 = tpu.memref_slice %arg7[%add3A_170, %dma_start3A_171] : memref<10000x16xf32, #tpu.memory_space<vmem_shared>> -> memref<125x16xf32, #tpu.memory_space<vmem_shared>>
    %dma_start3A_173 = arith.constant 0 : i32
    %dma_start3A_174 = tpu.memref_slice %arg7[%add3A_170, %dma_start3A_173] : memref<10000x16xf32, #tpu.memory_space<vmem_shared>> -> memref<125x16xf32, #tpu.memory_space<vmem_shared>>
    tpu.enqueue_dma source(%dma_start3A_174 : memref<125x16xf32, #tpu.memory_space<vmem_shared>>) target(%arg10 : memref<125x16xf32, #tpu.memory_space<vmem>>) target_semaphore(%arg21 : memref<!tpu.dma_semaphore, #tpu.memory_space<semaphore_mem>>)
    %dma_wait3A_175 = arith.constant 0 : i32
    %dma_wait3A_176 = tpu.memref_slice %arg7[%add3A_170, %dma_wait3A_175] : memref<10000x16xf32, #tpu.memory_space<vmem_shared>> -> memref<125x16xf32, #tpu.memory_space<vmem_shared>>
    %dma_wait3A_177 = arith.constant 0 : i32
    %dma_wait3A_178 = tpu.memref_slice %arg7[%add3A_170, %dma_wait3A_177] : memref<10000x16xf32, #tpu.memory_space<vmem_shared>> -> memref<125x16xf32, #tpu.memory_space<vmem_shared>>
    tpu.wait_dma2 semaphore(%arg21 : memref<!tpu.dma_semaphore, #tpu.memory_space<semaphore_mem>>) src(%dma_wait3A_178 : memref<125x16xf32, #tpu.memory_space<vmem_shared>>) dst(%arg10 : memref<125x16xf32, #tpu.memory_space<vmem>>)
    %dma_wait3A_179 = tpu.memref_slice %arg6[%add3A_164, %mul3A_98] : memref<10000x128xf32, #tpu.memory_space<hbm>> -> memref<125x16xf32, #tpu.memory_space<hbm>>
    %dma_wait3A_180 = tpu.memref_slice %arg6[%add3A_164, %mul3A_98] : memref<10000x128xf32, #tpu.memory_space<hbm>> -> memref<125x16xf32, #tpu.memory_space<hbm>>
    tpu.wait_dma2 semaphore(%arg20 : memref<!tpu.dma_semaphore, #tpu.memory_space<semaphore_mem>>) src(%arg11 : memref<125x16xf32, #tpu.memory_space<vmem>>) dst(%dma_wait3A_180 : memref<125x16xf32, #tpu.memory_space<hbm>>)
    %mul3A_181 = arith.constant 625 : i32
    %mul3A_182 = arith.muli %mul3A_181, %arg1 : i32
    %add3A_183 = arith.constant 500 : i32
    %add3A_184 = arith.addi %mul3A_182, %add3A_183 : i32
    %dma_start3A_185 = tpu.memref_slice %arg6[%add3A_184, %mul3A_98] : memref<10000x128xf32, #tpu.memory_space<hbm>> -> memref<125x16xf32, #tpu.memory_space<hbm>>
    %dma_start3A_186 = tpu.memref_slice %arg6[%add3A_184, %mul3A_98] : memref<10000x128xf32, #tpu.memory_space<hbm>> -> memref<125x16xf32, #tpu.memory_space<hbm>>
    tpu.enqueue_dma source(%arg10 : memref<125x16xf32, #tpu.memory_space<vmem>>) target(%dma_start3A_186 : memref<125x16xf32, #tpu.memory_space<hbm>>) target_semaphore(%arg20 : memref<!tpu.dma_semaphore, #tpu.memory_space<semaphore_mem>>)
    %dma_wait3A_187 = tpu.memref_slice %arg6[%add3A_184, %mul3A_98] : memref<10000x128xf32, #tpu.memory_space<hbm>> -> memref<125x16xf32, #tpu.memory_space<hbm>>
    %dma_wait3A_188 = tpu.memref_slice %arg6[%add3A_184, %mul3A_98] : memref<10000x128xf32, #tpu.memory_space<hbm>> -> memref<125x16xf32, #tpu.memory_space<hbm>>
    tpu.wait_dma2 semaphore(%arg20 : memref<!tpu.dma_semaphore, #tpu.memory_space<semaphore_mem>>) src(%arg10 : memref<125x16xf32, #tpu.memory_space<vmem>>) dst(%dma_wait3A_188 : memref<125x16xf32, #tpu.memory_space<hbm>>)
    return
  }
}

#map = affine_map<(d0, d1) -> (0, 0)>
#map1 = affine_map<(d0, d1) -> (0)>
module attributes {stable_mosaic.version = 14 : i64} {
  func.func @_k1_deg(%arg0: i32, %arg1: i32, %arg2: memref<1280x125xi32, #tpu.memory_space<hbm>>, %arg3: memref<125xf32, #tpu.memory_space<hbm>>, %arg4: memref<640xf32, #tpu.memory_space<hbm>>, %arg5: memref<10240xf32, #tpu.memory_space<hbm>>, %arg6: memref<10240xf32, #tpu.memory_space<vmem_shared>>, %arg7: memref<80x125xi32, #tpu.memory_space<vmem>>, %arg8: memref<125xf32, #tpu.memory_space<vmem>>, %arg9: memref<640xf32, #tpu.memory_space<vmem>>) attributes {dimension_semantics = [#tpu.dimension_semantics<core_parallel>, #tpu.dimension_semantics<subcore_parallel>], iteration_bounds = array<i64: 2, 16>, scalar_prefetch = 0 : i64, scratch_operands = 4 : i64, tpu.core_type = #tpu.core_type<sc_vector_subcore>, window_params = [{transform_indices = #map}, {transform_indices = #map1}, {transform_indices = #map1}, {transform_indices = #map1}]} {
    "tpu.region"() ({
      %run_scoped3A = tpu.sem_alloc : memref<!tpu.dma_semaphore, #tpu.memory_space<semaphore_mem>>
      tpu.enqueue_dma source(%arg4 : memref<640xf32, #tpu.memory_space<hbm>>) target(%arg9 : memref<640xf32, #tpu.memory_space<vmem>>) target_semaphore(%run_scoped3A : memref<!tpu.dma_semaphore, #tpu.memory_space<semaphore_mem>>)
      tpu.wait_dma2 semaphore(%run_scoped3A : memref<!tpu.dma_semaphore, #tpu.memory_space<semaphore_mem>>) src(%arg4 : memref<640xf32, #tpu.memory_space<hbm>>) dst(%arg9 : memref<640xf32, #tpu.memory_space<vmem>>)
      tpu.yield
    }) : () -> ()
    %mul3A = arith.constant 640 : i32
    %mul3A_0 = arith.muli %mul3A, %arg1 : i32
    "tpu.region"() ({
      %run_scoped3A = tpu.sem_alloc : memref<!tpu.dma_semaphore, #tpu.memory_space<semaphore_mem>>
      %dma_start3A = tpu.memref_slice %arg6[%mul3A_0] : memref<10240xf32, #tpu.memory_space<vmem_shared>> -> memref<640xf32, #tpu.memory_space<vmem_shared>>
      %dma_start3A_13 = tpu.memref_slice %arg6[%mul3A_0] : memref<10240xf32, #tpu.memory_space<vmem_shared>> -> memref<640xf32, #tpu.memory_space<vmem_shared>>
      tpu.enqueue_dma source(%arg9 : memref<640xf32, #tpu.memory_space<vmem>>) target(%dma_start3A_13 : memref<640xf32, #tpu.memory_space<vmem_shared>>) target_semaphore(%run_scoped3A : memref<!tpu.dma_semaphore, #tpu.memory_space<semaphore_mem>>)
      %dma_wait3A = tpu.memref_slice %arg6[%mul3A_0] : memref<10240xf32, #tpu.memory_space<vmem_shared>> -> memref<640xf32, #tpu.memory_space<vmem_shared>>
      %dma_wait3A_14 = tpu.memref_slice %arg6[%mul3A_0] : memref<10240xf32, #tpu.memory_space<vmem_shared>> -> memref<640xf32, #tpu.memory_space<vmem_shared>>
      tpu.wait_dma2 semaphore(%run_scoped3A : memref<!tpu.dma_semaphore, #tpu.memory_space<semaphore_mem>>) src(%arg9 : memref<640xf32, #tpu.memory_space<vmem>>) dst(%dma_wait3A_14 : memref<640xf32, #tpu.memory_space<vmem_shared>>)
      tpu.yield
    }) : () -> ()
    "tpu.region"() ({
      %run_scoped3A = tpu.sem_alloc : memref<!tpu.dma_semaphore, #tpu.memory_space<semaphore_mem>>
      tpu.enqueue_dma source(%arg3 : memref<125xf32, #tpu.memory_space<hbm>>) target(%arg8 : memref<125xf32, #tpu.memory_space<vmem>>) target_semaphore(%run_scoped3A : memref<!tpu.dma_semaphore, #tpu.memory_space<semaphore_mem>>)
      tpu.wait_dma2 semaphore(%run_scoped3A : memref<!tpu.dma_semaphore, #tpu.memory_space<semaphore_mem>>) src(%arg3 : memref<125xf32, #tpu.memory_space<hbm>>) dst(%arg8 : memref<125xf32, #tpu.memory_space<vmem>>)
      tpu.yield
    }) : () -> ()
    %mul3A_1 = arith.constant 80 : i32
    %mul3A_2 = arith.muli %mul3A_1, %arg1 : i32
    "tpu.region"() ({
      %run_scoped3A = tpu.sem_alloc : memref<!tpu.dma_semaphore, #tpu.memory_space<semaphore_mem>>
      %dma_start3A = arith.constant 0 : i32
      %dma_start3A_13 = tpu.memref_slice %arg2[%mul3A_2, %dma_start3A] : memref<1280x125xi32, #tpu.memory_space<hbm>> -> memref<80x125xi32, #tpu.memory_space<hbm>>
      %dma_start3A_14 = arith.constant 0 : i32
      %dma_start3A_15 = tpu.memref_slice %arg2[%mul3A_2, %dma_start3A_14] : memref<1280x125xi32, #tpu.memory_space<hbm>> -> memref<80x125xi32, #tpu.memory_space<hbm>>
      tpu.enqueue_dma source(%dma_start3A_15 : memref<80x125xi32, #tpu.memory_space<hbm>>) target(%arg7 : memref<80x125xi32, #tpu.memory_space<vmem>>) target_semaphore(%run_scoped3A : memref<!tpu.dma_semaphore, #tpu.memory_space<semaphore_mem>>)
      %dma_wait3A = arith.constant 0 : i32
      %dma_wait3A_16 = tpu.memref_slice %arg2[%mul3A_2, %dma_wait3A] : memref<1280x125xi32, #tpu.memory_space<hbm>> -> memref<80x125xi32, #tpu.memory_space<hbm>>
      %dma_wait3A_17 = arith.constant 0 : i32
      %dma_wait3A_18 = tpu.memref_slice %arg2[%mul3A_2, %dma_wait3A_17] : memref<1280x125xi32, #tpu.memory_space<hbm>> -> memref<80x125xi32, #tpu.memory_space<hbm>>
      tpu.wait_dma2 semaphore(%run_scoped3A : memref<!tpu.dma_semaphore, #tpu.memory_space<semaphore_mem>>) src(%dma_wait3A_18 : memref<80x125xi32, #tpu.memory_space<hbm>>) dst(%arg7 : memref<80x125xi32, #tpu.memory_space<vmem>>)
      tpu.yield
    }) : () -> ()
    %barrier3A = arith.constant 0 : index
    tpu.barrier barrier_id(%barrier3A)
    %scan3A = arith.constant 0 : i32
    %scan3A_3 = arith.constant 0 : i32
    %scan3A_4 = arith.constant 80 : i32
    %scan3A_5 = arith.addi %scan3A_3, %scan3A_4 : i32
    %scan3A_6 = arith.constant 1 : i32
    scf.for %scan3A_13 = %scan3A_3 to %scan3A_5 step %scan3A_6  : i32 {
      "tpu.region"() ({
        %run_scoped3A = tpu.sem_alloc : memref<!tpu.dma_semaphore, #tpu.memory_space<semaphore_mem>>
        %dma_start3A = arith.constant 0 : i32
        %dma_start3A_14 = tpu.memref_slice %arg7[%scan3A_13, %dma_start3A] : memref<80x125xi32, #tpu.memory_space<vmem>> -> memref<1x125xi32, #tpu.memory_space<vmem>>
        %dma_start3A_15 = tpu.memref_squeeze %dma_start3A_14 : memref<1x125xi32, #tpu.memory_space<vmem>> -> memref<125xi32, #tpu.memory_space<vmem>>
        %dma_start3A_16 = arith.constant 0 : i32
        %dma_start3A_17 = tpu.memref_slice %arg6[%dma_start3A_16] : memref<10240xf32, #tpu.memory_space<vmem_shared>> -> memref<10240xf32, #tpu.memory_space<vmem_shared>>
        tpu.enqueue_indirect_dma source(%arg8 : memref<125xf32, #tpu.memory_space<vmem>>) target(%dma_start3A_17 : memref<10240xf32, #tpu.memory_space<vmem_shared>>) offsets(%dma_start3A_15 : memref<125xi32, #tpu.memory_space<vmem>>) semaphore(%run_scoped3A : memref<!tpu.dma_semaphore, #tpu.memory_space<semaphore_mem>>) {add = true}
        %dma_wait3A = arith.constant 0 : i32
        %dma_wait3A_18 = tpu.memref_slice %arg7[%scan3A_13, %dma_wait3A] : memref<80x125xi32, #tpu.memory_space<vmem>> -> memref<1x125xi32, #tpu.memory_space<vmem>>
        %dma_wait3A_19 = tpu.memref_squeeze %dma_wait3A_18 : memref<1x125xi32, #tpu.memory_space<vmem>> -> memref<125xi32, #tpu.memory_space<vmem>>
        %dma_wait3A_20 = arith.constant 0 : i32
        %dma_wait3A_21 = tpu.memref_slice %arg6[%dma_wait3A_20] : memref<10240xf32, #tpu.memory_space<vmem_shared>> -> memref<10240xf32, #tpu.memory_space<vmem_shared>>
        tpu.wait_indirect_dma semaphore(%run_scoped3A : memref<!tpu.dma_semaphore, #tpu.memory_space<semaphore_mem>>) src(%arg8 : memref<125xf32, #tpu.memory_space<vmem>>) dst(%dma_wait3A_21 : memref<10240xf32, #tpu.memory_space<vmem_shared>>)
        tpu.yield
      }) : () -> ()
    }
    %scan3A_7 = arith.constant 80 : i32
    %barrier3A_8 = arith.constant 0 : index
    tpu.barrier barrier_id(%barrier3A_8)
    %mul3A_9 = arith.constant 5120 : i32
    %mul3A_10 = arith.muli %mul3A_9, %arg0 : i32
    %mul3A_11 = arith.constant 320 : i32
    %mul3A_12 = arith.muli %mul3A_11, %arg1 : i32
    %add3A = arith.addi %mul3A_10, %mul3A_12 : i32
    "tpu.region"() ({
      %run_scoped3A = tpu.sem_alloc : memref<!tpu.dma_semaphore, #tpu.memory_space<semaphore_mem>>
      %dma_start3A = arith.constant 0 : i32
      %dma_start3A_13 = tpu.memref_slice %arg9[%dma_start3A] : memref<640xf32, #tpu.memory_space<vmem>> -> memref<320xf32, #tpu.memory_space<vmem>>
      %dma_start3A_14 = tpu.memref_slice %arg6[%add3A] : memref<10240xf32, #tpu.memory_space<vmem_shared>> -> memref<320xf32, #tpu.memory_space<vmem_shared>>
      %dma_start3A_15 = arith.constant 0 : i32
      %dma_start3A_16 = tpu.memref_slice %arg9[%dma_start3A_15] : memref<640xf32, #tpu.memory_space<vmem>> -> memref<320xf32, #tpu.memory_space<vmem>>
      %dma_start3A_17 = tpu.memref_slice %arg6[%add3A] : memref<10240xf32, #tpu.memory_space<vmem_shared>> -> memref<320xf32, #tpu.memory_space<vmem_shared>>
      tpu.enqueue_dma source(%dma_start3A_17 : memref<320xf32, #tpu.memory_space<vmem_shared>>) target(%dma_start3A_16 : memref<320xf32, #tpu.memory_space<vmem>>) target_semaphore(%run_scoped3A : memref<!tpu.dma_semaphore, #tpu.memory_space<semaphore_mem>>)
      %dma_wait3A = arith.constant 0 : i32
      %dma_wait3A_18 = tpu.memref_slice %arg9[%dma_wait3A] : memref<640xf32, #tpu.memory_space<vmem>> -> memref<320xf32, #tpu.memory_space<vmem>>
      %dma_wait3A_19 = tpu.memref_slice %arg6[%add3A] : memref<10240xf32, #tpu.memory_space<vmem_shared>> -> memref<320xf32, #tpu.memory_space<vmem_shared>>
      %dma_wait3A_20 = arith.constant 0 : i32
      %dma_wait3A_21 = tpu.memref_slice %arg9[%dma_wait3A_20] : memref<640xf32, #tpu.memory_space<vmem>> -> memref<320xf32, #tpu.memory_space<vmem>>
      %dma_wait3A_22 = tpu.memref_slice %arg6[%add3A] : memref<10240xf32, #tpu.memory_space<vmem_shared>> -> memref<320xf32, #tpu.memory_space<vmem_shared>>
      tpu.wait_dma2 semaphore(%run_scoped3A : memref<!tpu.dma_semaphore, #tpu.memory_space<semaphore_mem>>) src(%dma_wait3A_22 : memref<320xf32, #tpu.memory_space<vmem_shared>>) dst(%dma_wait3A_21 : memref<320xf32, #tpu.memory_space<vmem>>)
      tpu.yield
    }) : () -> ()
    "tpu.region"() ({
      %run_scoped3A = tpu.sem_alloc : memref<!tpu.dma_semaphore, #tpu.memory_space<semaphore_mem>>
      %dma_start3A = arith.constant 0 : i32
      %dma_start3A_13 = tpu.memref_slice %arg9[%dma_start3A] : memref<640xf32, #tpu.memory_space<vmem>> -> memref<320xf32, #tpu.memory_space<vmem>>
      %dma_start3A_14 = tpu.memref_slice %arg5[%add3A] : memref<10240xf32, #tpu.memory_space<hbm>> -> memref<320xf32, #tpu.memory_space<hbm>>
      %dma_start3A_15 = tpu.memref_slice %arg5[%add3A] : memref<10240xf32, #tpu.memory_space<hbm>> -> memref<320xf32, #tpu.memory_space<hbm>>
      %dma_start3A_16 = arith.constant 0 : i32
      %dma_start3A_17 = tpu.memref_slice %arg9[%dma_start3A_16] : memref<640xf32, #tpu.memory_space<vmem>> -> memref<320xf32, #tpu.memory_space<vmem>>
      tpu.enqueue_dma source(%dma_start3A_17 : memref<320xf32, #tpu.memory_space<vmem>>) target(%dma_start3A_15 : memref<320xf32, #tpu.memory_space<hbm>>) target_semaphore(%run_scoped3A : memref<!tpu.dma_semaphore, #tpu.memory_space<semaphore_mem>>)
      %dma_wait3A = arith.constant 0 : i32
      %dma_wait3A_18 = tpu.memref_slice %arg9[%dma_wait3A] : memref<640xf32, #tpu.memory_space<vmem>> -> memref<320xf32, #tpu.memory_space<vmem>>
      %dma_wait3A_19 = tpu.memref_slice %arg5[%add3A] : memref<10240xf32, #tpu.memory_space<hbm>> -> memref<320xf32, #tpu.memory_space<hbm>>
      %dma_wait3A_20 = tpu.memref_slice %arg5[%add3A] : memref<10240xf32, #tpu.memory_space<hbm>> -> memref<320xf32, #tpu.memory_space<hbm>>
      %dma_wait3A_21 = arith.constant 0 : i32
      %dma_wait3A_22 = tpu.memref_slice %arg9[%dma_wait3A_21] : memref<640xf32, #tpu.memory_space<vmem>> -> memref<320xf32, #tpu.memory_space<vmem>>
      tpu.wait_dma2 semaphore(%run_scoped3A : memref<!tpu.dma_semaphore, #tpu.memory_space<semaphore_mem>>) src(%dma_wait3A_22 : memref<320xf32, #tpu.memory_space<vmem>>) dst(%dma_wait3A_20 : memref<320xf32, #tpu.memory_space<hbm>>)
      tpu.yield
    }) : () -> ()
    return
  }
}

module attributes {stable_mosaic.version = 14 : i64} {
  func.func @_mm_scale_body(%arg0: i32, %arg1: memref<1000x500xf32, #tpu.memory_space<vmem>>, %arg2: memref<500x128xf32, #tpu.memory_space<vmem>>, %arg3: memref<1000x1xf32, #tpu.memory_space<vmem>>, %arg4: memref<2x1000x64xf32, #tpu.memory_space<vmem>>) attributes {dimension_semantics = [#tpu.dimension_semantics<arbitrary>], iteration_bounds = array<i64: 10>, scalar_prefetch = 0 : i64, scratch_operands = 0 : i64, tpu.core_type = #tpu.core_type<tc>, window_params = [{transform_indices = @transform_0, window_bounds = array<i64: 1000, 500>}, {pipeline_mode = #tpu.pipeline_mode<synchronous>, transform_indices = @transform_1, window_bounds = array<i64: 500, 128>}, {transform_indices = @transform_2, window_bounds = array<i64: 1000, 1>}, {transform_indices = @transform_3, window_bounds = array<i64: 2, 1000, 64>}]} {
    %get3A = arith.constant 0 : index
    %get3A_0 = arith.constant 0 : index
    %get3A_1 = vector.load %arg3[%get3A, %get3A_0] : memref<1000x1xf32, #tpu.memory_space<vmem>>, vector<1000x1xf32>
    %add3A = arith.constant 1.000000e+00 : f32
    %add3A_2 = vector.broadcast %add3A : f32 to vector<1000x1xf32>
    %add3A_3 = arith.addf %get3A_1, %add3A_2 : vector<1000x1xf32>
    %rsqrt3A = math.rsqrt %add3A_3 : vector<1000x1xf32>
    %get3A_4 = arith.constant 0 : index
    %get3A_5 = arith.constant 0 : index
    %get3A_6 = vector.load %arg1[%get3A_4, %get3A_5] : memref<1000x500xf32, #tpu.memory_space<vmem>>, vector<1000x500xf32>
    %get3A_7 = arith.constant 0 : index
    %get3A_8 = arith.constant 0 : index
    %get3A_9 = vector.load %arg2[%get3A_7, %get3A_8] : memref<500x128xf32, #tpu.memory_space<vmem>>, vector<500x128xf32>
    %dot_general3A = arith.constant dense<0.000000e+00> : vector<1000x128xf32>
    %dot_general3A_10 = tpu.matmul %get3A_6, %get3A_9, %dot_general3A {dimension_numbers = #tpu.dot_dimension_numbers<[1], [0], [0], [1], [0, 0, 1, 1], [], []>, transpose_lhs_hint = false} : vector<1000x500xf32>, vector<500x128xf32>, vector<1000x128xf32> -> vector<1000x128xf32>
    %mul3A = vector.broadcast %rsqrt3A : vector<1000x1xf32> to vector<1000x128xf32>
    %mul3A_11 = arith.mulf %dot_general3A_10, %mul3A : vector<1000x128xf32>
    %slice3A = vector.extract_strided_slice %mul3A_11 {offsets = [0, 0], sizes = [1000, 64], strides = [1, 1]} : vector<1000x128xf32> to vector<1000x64xf32>
    %slice3A_12 = vector.extract_strided_slice %mul3A_11 {offsets = [0, 64], sizes = [1000, 64], strides = [1, 1]} : vector<1000x128xf32> to vector<1000x64xf32>
    %stack3A = vector.shape_cast %slice3A : vector<1000x64xf32> to vector<1x1000x64xf32>
    %stack3A_13 = vector.shape_cast %slice3A_12 : vector<1000x64xf32> to vector<1x1000x64xf32>
    %stack3A_14 = tpu.concatenate %stack3A, %stack3A_13 in 0 : vector<1x1000x64xf32>, vector<1x1000x64xf32> -> vector<2x1000x64xf32>
    %swap3A = arith.constant 0 : index
    %swap3A_15 = arith.constant 0 : index
    %swap3A_16 = arith.constant 0 : index
    %swap3A_17 = vector.load %arg4[%swap3A, %swap3A_15, %swap3A_16] : memref<2x1000x64xf32, #tpu.memory_space<vmem>>, vector<2x1000x64xf32>
    tpu.vector_store %arg4[%swap3A, %swap3A_15, %swap3A_16], %stack3A_14 {strides = array<i32>} : memref<2x1000x64xf32, #tpu.memory_space<vmem>>, vector<2x1000x64xf32>,
    return
  }
  func.func @transform_0(%arg0: i32) -> (i32, i32) {
    %c0_i32 = arith.constant 0 : i32
    %c0_i32_0 = arith.constant 0 : i32
    return %arg0, %c0_i32 : i32, i32
  }
  func.func @transform_1(%arg0: i32) -> (i32, i32) {
    %c0_i32 = arith.constant 0 : i32
    %c0_i32_0 = arith.constant 0 : i32
    %c0_i32_1 = arith.constant 0 : i32
    return %c0_i32, %c0_i32_0 : i32, i32
  }
  func.func @transform_2(%arg0: i32) -> (i32, i32) {
    %c0_i32 = arith.constant 0 : i32
    %c0_i32_0 = arith.constant 0 : i32
    return %arg0, %c0_i32 : i32, i32
  }
  func.func @transform_3(%arg0: i32) -> (i32, i32, i32) {
    %c0_i32 = arith.constant 0 : i32
    %c0_i32_0 = arith.constant 0 : i32
    %c0_i32_1 = arith.constant 0 : i32
    return %c0_i32, %arg0, %c0_i32_0 : i32, i32, i32
  }
}

module attributes {stable_mosaic.version = 14 : i64} {
  func.func @_layer2_body(%arg0: i32, %arg1: memref<1000x128xf32, #tpu.memory_space<vmem>>, %arg2: memref<2x1000x64xf32, #tpu.memory_space<vmem>>, %arg3: memref<1000x1xf32, #tpu.memory_space<vmem>>, %arg4: memref<1x128xf32, #tpu.memory_space<vmem>>, %arg5: memref<128x16xf32, #tpu.memory_space<vmem>>, %arg6: memref<1000x16xf32, #tpu.memory_space<vmem>>) attributes {dimension_semantics = [#tpu.dimension_semantics<arbitrary>], iteration_bounds = array<i64: 10>, scalar_prefetch = 0 : i64, scratch_operands = 0 : i64, tpu.core_type = #tpu.core_type<tc>, window_params = [{transform_indices = @transform_0, window_bounds = array<i64: 1000, 128>}, {transform_indices = @transform_1, window_bounds = array<i64: 2, 1000, 64>}, {transform_indices = @transform_2, window_bounds = array<i64: 1000, 1>}, {pipeline_mode = #tpu.pipeline_mode<synchronous>, transform_indices = @transform_3, window_bounds = array<i64: 1, 128>}, {pipeline_mode = #tpu.pipeline_mode<synchronous>, transform_indices = @transform_4, window_bounds = array<i64: 128, 16>}, {transform_indices = @transform_5, window_bounds = array<i64: 1000, 16>}]} {
    %get3A = arith.constant 0 : index
    %get3A_0 = arith.constant 0 : index
    %get3A_1 = vector.load %arg3[%get3A, %get3A_0] : memref<1000x1xf32, #tpu.memory_space<vmem>>, vector<1000x1xf32>
    %add3A = arith.constant 1.000000e+00 : f32
    %add3A_2 = vector.broadcast %add3A : f32 to vector<1000x1xf32>
    %add3A_3 = arith.addf %get3A_1, %add3A_2 : vector<1000x1xf32>
    %rsqrt3A = math.rsqrt %add3A_3 : vector<1000x1xf32>
    %get3A_4 = arith.constant 0 : index
    %get3A_5 = arith.constant 0 : index
    %get3A_6 = arith.constant 0 : index
    %get3A_7 = vector.load %arg2[%get3A_4, %get3A_5, %get3A_6] : memref<2x1000x64xf32, #tpu.memory_space<vmem>>, vector<2x1000x64xf32>
    %get3A_8 = arith.constant 0 : index
    %get3A_9 = arith.constant 0 : index
    %get3A_10 = vector.load %arg1[%get3A_8, %get3A_9] : memref<1000x128xf32, #tpu.memory_space<vmem>>, vector<1000x128xf32>
    %slice3A = vector.extract_strided_slice %get3A_7 {offsets = [0, 0, 0], sizes = [1, 1000, 64], strides = [1, 1, 1]} : vector<2x1000x64xf32> to vector<1x1000x64xf32>
    %squeeze3A = vector.shape_cast %slice3A : vector<1x1000x64xf32> to vector<1000x64xf32>
    %slice3A_11 = vector.extract_strided_slice %get3A_7 {offsets = [1, 0, 0], sizes = [1, 1000, 64], strides = [1, 1, 1]} : vector<2x1000x64xf32> to vector<1x1000x64xf32>
    %squeeze3A_12 = vector.shape_cast %slice3A_11 : vector<1x1000x64xf32> to vector<1000x64xf32>
    %concatenate3A = tpu.concatenate %squeeze3A, %squeeze3A_12 in 1 : vector<1000x64xf32>, vector<1000x64xf32> -> vector<1000x128xf32>
    %add3A_13 = arith.addf %get3A_10, %concatenate3A : vector<1000x128xf32>
    %mul3A = vector.broadcast %rsqrt3A : vector<1000x1xf32> to vector<1000x128xf32>
    %mul3A_14 = arith.mulf %add3A_13, %mul3A : vector<1000x128xf32>
    %get3A_15 = arith.constant 0 : index
    %get3A_16 = arith.constant 0 : index
    %get3A_17 = vector.load %arg4[%get3A_15, %get3A_16] : memref<1x128xf32, #tpu.memory_space<vmem>>, vector<1x128xf32>
    %add3A_18 = vector.broadcast %get3A_17 : vector<1x128xf32> to vector<1000x128xf32>
    %add3A_19 = arith.addf %mul3A_14, %add3A_18 : vector<1000x128xf32>
    %max3A = arith.constant 0.000000e+00 : f32
    %max3A_20 = vector.broadcast %max3A : f32 to vector<1000x128xf32>
    %max3A_21 = arith.maximumf %add3A_19, %max3A_20 : vector<1000x128xf32>
    %get3A_22 = arith.constant 0 : index
    %get3A_23 = arith.constant 0 : index
    %get3A_24 = vector.load %arg5[%get3A_22, %get3A_23] : memref<128x16xf32, #tpu.memory_space<vmem>>, vector<128x16xf32>
    %dot_general3A = arith.constant dense<0.000000e+00> : vector<1000x16xf32>
    %dot_general3A_25 = tpu.matmul %max3A_21, %get3A_24, %dot_general3A {dimension_numbers = #tpu.dot_dimension_numbers<[1], [0], [0], [1], [0, 0, 1, 1], [], []>, transpose_lhs_hint = false} : vector<1000x128xf32>, vector<128x16xf32>, vector<1000x16xf32> -> vector<1000x16xf32>
    %mul3A_26 = vector.broadcast %rsqrt3A : vector<1000x1xf32> to vector<1000x16xf32>
    %mul3A_27 = arith.mulf %dot_general3A_25, %mul3A_26 : vector<1000x16xf32>
    %swap3A = arith.constant 0 : index
    %swap3A_28 = arith.constant 0 : index
    %swap3A_29 = vector.load %arg6[%swap3A, %swap3A_28] : memref<1000x16xf32, #tpu.memory_space<vmem>>, vector<1000x16xf32>
    tpu.vector_store %arg6[%swap3A, %swap3A_28], %mul3A_27 {strides = array<i32>} : memref<1000x16xf32, #tpu.memory_space<vmem>>, vector<1000x16xf32>,
    return
  }
  func.func @transform_0(%arg0: i32) -> (i32, i32) {
    %c0_i32 = arith.constant 0 : i32
    %c0_i32_0 = arith.constant 0 : i32
    return %arg0, %c0_i32 : i32, i32
  }
  func.func @transform_1(%arg0: i32) -> (i32, i32, i32) {
    %c0_i32 = arith.constant 0 : i32
    %c0_i32_0 = arith.constant 0 : i32
    %c0_i32_1 = arith.constant 0 : i32
    return %c0_i32, %arg0, %c0_i32_0 : i32, i32, i32
  }
  func.func @transform_2(%arg0: i32) -> (i32, i32) {
    %c0_i32 = arith.constant 0 : i32
    %c0_i32_0 = arith.constant 0 : i32
    return %arg0, %c0_i32 : i32, i32
  }
  func.func @transform_3(%arg0: i32) -> (i32, i32) {
    %c0_i32 = arith.constant 0 : i32
    %c0_i32_0 = arith.constant 0 : i32
    %c0_i32_1 = arith.constant 0 : i32
    return %c0_i32, %c0_i32_0 : i32, i32
  }
  func.func @transform_4(%arg0: i32) -> (i32, i32) {
    %c0_i32 = arith.constant 0 : i32
    %c0_i32_0 = arith.constant 0 : i32
    %c0_i32_1 = arith.constant 0 : i32
    return %c0_i32, %c0_i32_0 : i32, i32
  }
  func.func @transform_5(%arg0: i32) -> (i32, i32) {
    %c0_i32 = arith.constant 0 : i32
    %c0_i32_0 = arith.constant 0 : i32
    return %arg0, %c0_i32 : i32, i32
  }
}

module attributes {stable_mosaic.version = 14 : i64} {
  func.func @_final_body(%arg0: i32, %arg1: memref<2000x128xf32, #tpu.memory_space<vmem>>, %arg2: memref<2000x16xf32, #tpu.memory_space<vmem>>, %arg3: memref<2000x1xf32, #tpu.memory_space<vmem>>, %arg4: memref<1x16xf32, #tpu.memory_space<vmem>>, %arg5: memref<2000x3xf32, #tpu.memory_space<vmem>>) attributes {dimension_semantics = [#tpu.dimension_semantics<arbitrary>], iteration_bounds = array<i64: 5>, scalar_prefetch = 0 : i64, scratch_operands = 0 : i64, tpu.core_type = #tpu.core_type<tc>, window_params = [{transform_indices = @transform_0, window_bounds = array<i64: 2000, 128>}, {transform_indices = @transform_1, window_bounds = array<i64: 2000, 16>}, {transform_indices = @transform_2, window_bounds = array<i64: 2000, 1>}, {pipeline_mode = #tpu.pipeline_mode<synchronous>, transform_indices = @transform_3, window_bounds = array<i64: 1, 16>}, {transform_indices = @transform_4, window_bounds = array<i64: 2000, 3>}]} {
    %get3A = arith.constant 0 : index
    %get3A_0 = arith.constant 0 : index
    %get3A_1 = vector.load %arg3[%get3A, %get3A_0] : memref<2000x1xf32, #tpu.memory_space<vmem>>, vector<2000x1xf32>
    %add3A = arith.constant 1.000000e+00 : f32
    %add3A_2 = vector.broadcast %add3A : f32 to vector<2000x1xf32>
    %add3A_3 = arith.addf %get3A_1, %add3A_2 : vector<2000x1xf32>
    %rsqrt3A = math.rsqrt %add3A_3 : vector<2000x1xf32>
    %get3A_4 = arith.constant 0 : index
    %get3A_5 = arith.constant 0 : index
    %get3A_6 = vector.load %arg1[%get3A_4, %get3A_5] : memref<2000x128xf32, #tpu.memory_space<vmem>>, vector<2000x128xf32>
    %slice3A = vector.extract_strided_slice %get3A_6 {offsets = [0, 0], sizes = [2000, 16], strides = [1, 1]} : vector<2000x128xf32> to vector<2000x16xf32>
    %slice3A_7 = vector.extract_strided_slice %get3A_6 {offsets = [0, 16], sizes = [2000, 16], strides = [1, 1]} : vector<2000x128xf32> to vector<2000x16xf32>
    %add3A_8 = arith.addf %slice3A, %slice3A_7 : vector<2000x16xf32>
    %get3A_9 = arith.constant 0 : index
    %get3A_10 = arith.constant 0 : index
    %get3A_11 = vector.load %arg2[%get3A_9, %get3A_10] : memref<2000x16xf32, #tpu.memory_space<vmem>>, vector<2000x16xf32>
    %add3A_12 = arith.addf %add3A_8, %get3A_11 : vector<2000x16xf32>
    %mul3A = vector.broadcast %rsqrt3A : vector<2000x1xf32> to vector<2000x16xf32>
    %mul3A_13 = arith.mulf %add3A_12, %mul3A : vector<2000x16xf32>
    %get3A_14 = arith.constant 0 : index
    %get3A_15 = arith.constant 0 : index
    %get3A_16 = vector.load %arg4[%get3A_14, %get3A_15] : memref<1x16xf32, #tpu.memory_space<vmem>>, vector<1x16xf32>
    %add3A_17 = vector.broadcast %get3A_16 : vector<1x16xf32> to vector<2000x16xf32>
    %add3A_18 = arith.addf %mul3A_13, %add3A_17 : vector<2000x16xf32>
    %slice3A_19 = vector.extract_strided_slice %add3A_18 {offsets = [0, 0], sizes = [2000, 3], strides = [1, 1]} : vector<2000x16xf32> to vector<2000x3xf32>
    %swap3A = arith.constant 0 : index
    %swap3A_20 = arith.constant 0 : index
    %swap3A_21 = vector.load %arg5[%swap3A, %swap3A_20] : memref<2000x3xf32, #tpu.memory_space<vmem>>, vector<2000x3xf32>
    tpu.vector_store %arg5[%swap3A, %swap3A_20], %slice3A_19 {strides = array<i32>} : memref<2000x3xf32, #tpu.memory_space<vmem>>, vector<2000x3xf32>,
    return
  }
  func.func @transform_0(%arg0: i32) -> (i32, i32) {
    %c0_i32 = arith.constant 0 : i32
    %c0_i32_0 = arith.constant 0 : i32
    return %arg0, %c0_i32 : i32, i32
  }
  func.func @transform_1(%arg0: i32) -> (i32, i32) {
    %c0_i32 = arith.constant 0 : i32
    %c0_i32_0 = arith.constant 0 : i32
    return %arg0, %c0_i32 : i32, i32
  }
  func.func @transform_2(%arg0: i32) -> (i32, i32) {
    %c0_i32 = arith.constant 0 : i32
    %c0_i32_0 = arith.constant 0 : i32
    return %arg0, %c0_i32 : i32, i32
  }
  func.func @transform_3(%arg0: i32) -> (i32, i32) {
    %c0_i32 = arith.constant 0 : i32
    %c0_i32_0 = arith.constant 0 : i32
    %c0_i32_1 = arith.constant 0 : i32
    return %c0_i32, %c0_i32_0 : i32, i32
  }
  func.func @transform_4(%arg0: i32) -> (i32, i32) {
    %c0_i32 = arith.constant 0 : i32
    %c0_i32_0 = arith.constant 0 : i32
    return %arg0, %c0_i32 : i32, i32
  }
}

</mosaic_0001>

<sc_bundles>
// kernel: kernel.11.cloned.1.call-start
scs
__scs_entry_jumppad:
0x0: {  	(pc) =	sbr.rel $0x88, $3  }
0x1: {  	(tag) =	ssettag $0x0;
	lr =	simm.s32 $0x1  }
0x2: {  	[smem:$0x3F9B] =	sst lr;
	_ =	strace $0xD0000000  }
0x3: {  	_ = 	snop  }
0x4: {  	_ = 	snop  }
0x5: {  	_ = 	snop  }
0x6: {  	_ = 	snop  }
0x7: {  	_ = 	snop  }
__scs_overlays_trampoline_lowered:
0x8: {  	[smem:$0x3FAA] =	sst s0  }
0x9: {  	[smem:$0x3FAB] =	sst s1  }
0xa: {  	[smem:$0x3FAC] =	sst s2  }
0xb: {  	[smem:$0x3FAD] =	sst s3  }
0xc: {  	[smem:$0x3FAE] =	sst s4  }
0xd: {  	[smem:$0x3FAF] =	sst s5  }
0xe: {  	[smem:$0x3FB0] =	sst s6  }
0xf: {  	[smem:$0x3FB1] =	sst s7  }
0x10: {  	[smem:$0x3FB2] =	sst s8  }
0x11: {  	[smem:$0x3FB3] =	sst s9;
	s0 =	simm.s32 @!p0 $0x0  }
0x12: {  	s1 =	sld [smem:$0x3F99];
	s0 =	simm.s32 @p0 $0x1  }
0x13: {  	[smem:$0x3FB4] =	sst s0;
	s0 =	simm.s32 @!p1 $0x0  }
0x14: {  	s2 =	sld [smem:$0x3F98];
	s0 =	simm.s32 @p1 $0x1  }
0x15: {  	[smem:$0x3FB5] =	sst s0;
	s0 =	simm.s32 @!p2 $0x0  }
0x16: {  	s3 =	sld [smem:$0x3FDB];
	s0 =	simm.s32 @p2 $0x1  }
0x17: {  	s4 =	simm.s32 $0x1BF5;
	[smem:$0x3FB7] =	sst s0  }
0x18: {  	s0 =	sld [smem:$0x3F9A];
	_ =	swait.ge [sflag:s4], $0x0  }
0x19: {  	s7 =	sld [smem:$0x3F9B]  }
0x1a: {  	s8 =	sadd.s32 $0xFFFFE003, lr  }
0x1b: {  	s9 =	sadd.s32 $0xFFFFFEF7, lr;
	s5 =	simm.s32 $0xFFFFFFFF;
	p2 =	slt.u32 s8, $0xFFFFF086  }
0x1c: {  	p1 =	slt.u32 s9, $0xF7A;
	s5 =	simm.s32 @!p2 $0x0  }
0x1d: {  	s5 =	simm.s32 @p1 $0x1;
	p0 =	seq.s32 s7, s2  }
0x1e: {  	s7 =	smul.u32 @!p0 $0xF7A, s2;
	p2 =	seq.s32 @!p0 s5, $0x0  }
0x1f: {  	s9 =	smul.u32 $0xF7A, s1;
	s8 =	simm.s32 @!p0 $0x1BF5;
	p2 =	por !p2, p0  }
0x20: {  	[sflag:s8] =	ssyncset.s32 @!p0 $0xFFFFF086;
	s6 =	sadd.s32 @!p0 s3, s7;
	s7 =	simm.s32 @!p0 $0x108  }
0x21: {  	s3 =	sadd.s32 s3, s9;
	s6 =	sadd.s32 @!p0 $0x88, s6;
	s7 =	simm.s32 @p2 $0x1082  }
0x22: {  	[simem:s7], [sflag:s8] =	dma.local @!p0 [hbm:s6], $0xF7A  }
0x23: {  	s9 =	sor.u32 $0xD0000000, s2;
	s6 =	simm.s32 $0x108;
	_ =	swait.ge @!p0 [sflag:s8], $0x0  }
0x24: {  	s3 =	sadd.s32 $0x88, s3;
	s6 =	simm.s32 @!p1 $0x1082;
	[sflag:s4] =	ssyncset.s32 $0xFFFFF086  }
0x25: {  	[simem:s6], [sflag:s4] =	dma.local [hbm:s3], $0xF7A  }
0x26: {  	[smem:$0x3F9B] =	sst s1;
	(tag) =	ssettag s2;
	_ =	strace s9  }
0x27: {  	s1 =	sld [smem:$0x3FAB]  }
0x28: {  	s2 =	sld [smem:$0x3FAC]  }
0x29: {  	s4 =	sld [smem:$0x3FAE]  }
0x2a: {  	p0 =	seq.s32 s5, $0x0;
	s5 =	sld [smem:$0x3FAF]  }
0x2b: {  	s6 =	sld [smem:$0x3FB0]  }
0x2c: {  	s7 =	sld [smem:$0x3FB1]  }
0x2d: {  	s3 =	simm.s32 $0x108;
	s8 =	sld [smem:$0x3FB2]  }
0x2e: {  	s3 =	simm.s32 @!p0 $0x1082;
	s9 =	sld [smem:$0x3FB3]  }
0x2f: {  	lr =	sadd.s32 s0, s3;
	s0 =	sld [smem:$0x3FAA]  }
0x30: {  	s3 =	sld [smem:$0x3FAD]  }
0x31: {  	[smem:$0x3FB6] =	sst s10  }
0x32: {  	s10 =	sld [smem:$0x3FB4];
	_ =	sdelay $0x3  }
0x33: {  	p0 =	seq.s32 s10, $0x1;
	s10 =	sld [smem:$0x3FB6];
	_ =	sdelay $0x3  }
0x34: {  	[smem:$0x3FB6] =	sst s10  }
0x35: {  	s10 =	sld [smem:$0x3FB5];
	_ =	sdelay $0x3  }
0x36: {  	p1 =	seq.s32 s10, $0x1;
	s10 =	sld [smem:$0x3FB6];
	_ =	sdelay $0x3  }
0x37: {  	[smem:$0x3FB6] =	sst s10  }
0x38: {  	s10 =	sld [smem:$0x3FB7]  }
0x39: {  	_ = 	snop;
	(pc) =	sbr.ind lr, $3  }
0x3a: {  	_ = 	snop  }
0x3b: {  	_ = 	snop  }
0x3c: {  	p2 =	seq.s32 s10, $0x1;
	s10 =	sld [smem:$0x3FB6]  }
0x3d: {  	_ =	shalt  }
0x3e: {  	_ =	shalt  }
0x3f: {  	_ =	shalt  }
0x40: {  	_ =	shalt  }
0x41: {  	_ =	shalt  }
0x42: {  	_ =	shalt  }
0x43: {  	_ =	shalt  }
0x44: {  	_ =	shalt  }
0x45: {  	_ =	shalt  }
0x46: {  	_ =	shalt  }
0x47: {  	_ =	shalt  }
0x48: {  	_ =	shalt  }
0x49: {  	_ =	shalt  }
0x4a: {  	_ =	shalt  }
0x4b: {  	_ =	shalt  }
0x4c: {  	_ =	shalt  }
0x4d: {  	_ =	shalt  }
0x4e: {  	_ =	shalt  }
0x4f: {  	_ =	shalt  }
0x50: {  	_ =	shalt  }
0x51: {  	_ =	shalt  }
0x52: {  	_ =	shalt  }
0x53: {  	_ =	shalt  }
0x54: {  	_ =	shalt  }
0x55: {  	_ =	shalt  }
0x56: {  	_ =	shalt  }
0x57: {  	_ =	shalt  }
0x58: {  	_ =	shalt  }
0x59: {  	_ =	shalt  }
0x5a: {  	_ =	shalt  }
0x5b: {  	_ =	shalt  }
0x5c: {  	_ =	shalt  }
0x5d: {  	_ =	shalt  }
0x5e: {  	_ =	shalt  }
0x5f: {  	_ =	shalt  }
0x60: {  	_ =	shalt  }
0x61: {  	_ =	shalt  }
0x62: {  	_ =	shalt  }
0x63: {  	_ =	shalt  }
0x64: {  	_ =	shalt  }
0x65: {  	_ =	shalt  }
0x66: {  	_ =	shalt  }
0x67: {  	_ =	shalt  }
0x68: {  	_ =	shalt  }
0x69: {  	_ =	shalt  }
0x6a: {  	_ =	shalt  }
0x6b: {  	_ =	shalt  }
0x6c: {  	_ =	shalt  }
0x6d: {  	_ =	shalt  }
0x6e: {  	_ =	shalt  }
0x6f: {  	_ =	shalt  }
0x70: {  	_ =	shalt  }
0x71: {  	_ =	shalt  }
0x72: {  	_ =	shalt  }
0x73: {  	_ =	shalt  }
0x74: {  	_ =	shalt  }
0x75: {  	_ =	shalt  }
0x76: {  	_ =	shalt  }
0x77: {  	_ =	shalt  }
0x78: {  	_ =	shalt  }
0x79: {  	_ =	shalt  }
0x7a: {  	_ =	shalt  }
0x7b: {  	_ =	shalt  }
0x7c: {  	_ =	shalt  }
0x7d: {  	_ =	shalt  }
0x7e: {  	_ =	shalt  }
0x7f: {  	_ =	shalt  }
0x80: {  	_ =	shalt  }
0x81: {  	_ =	shalt  }
0x82: {  	_ =	shalt  }
0x83: {  	_ =	shalt  }
0x84: {  	_ =	shalt  }
0x85: {  	_ =	shalt  }
0x86: {  	_ =	shalt  }
0x87: {  	_ =	shalt  }
.Lfunc_end0:
.L_simem_size_0:
called_computation.1_lowered:
.L_overlay_start_0:
0x88: {  	s2 =	sld [smem:$0x3FD9]  }
0x89: {  	s3 =	sld [smem:$0x3FFE];
	_ =	sdelay $0x1  }
0x8a: {  	s1 =	srdreg.scid  }
0x8b: {  	s0 =	sand.u32 $0x1, s1  }
0x8c: {  	s17 =	sshll.u32 s0, $0xA;
	s2 =	sadd.s32 s3, s2  }
0x8d: {  	s2 =	sadd.s32 s2, s17  }
0x8e: {  	[smem:$0x3FC2] =	sst s2  }
0x8f: {  	_ = 	snop  }
0x90: {  	s2 =	sld [smem:$0x3FD0];
	(tm) =	ssettm $0x1  }
0x91: {  	s18 =	sld [smem:$0x3FFB];
	_ =	sdelay $0x3  }
0x92: {  	_ =	strace s18  }
0x93: {  	s3 =	sld [smem:$0x3FFC];
	_ =	sdelay $0x3  }
0x94: {  	_ =	strace s3  }
0x95: {  	s3 =	sld [smem:$0x3FFD];
	_ =	sdelay $0x3  }
0x96: {  	_ =	strace s3  }
0x97: {  	_ =	strace $0x8FFFFFFF  }
0x98: {  	s19 =	sld [smem:$0x3FDB];
	_ =	sdelay $0x1  }
0x99: {  	s4 =	simm.s32 $_scs_section_size  }
0x9a: {  	s5 =	simm.s32 $_size__tile_overlayer_lowered;
	s6 =	simm.s32 $_tile_overlayer_lowered  }
0x9b: {  	s22 =	simm.s32 $0x1BFF;
	s21 =	sshll.u32 s6, $0x1;
	s3 =	sadd.s32 s4, s19  }
0x9c: {  	s7 =	simm.s32 $0x0;
	s20 =	sshll.u32 s5, $0x1;
	s5 =	sadd.s32 s21, s3  }
0x9d: {  	[timem:s7], [sflag:s22] =	dma.local [hbm:s5], s20  }
0x9e: {  	_ =	swait.ge [sflag:s22], s20  }
0x9f: {  	s4 =	ssub.s32 $0x0, s20;
	[sflag:s22] =	ssyncset.done $0x0  }
0xa0: {  	[sflag:s22] =	ssyncadd.s32 s4;
	_ =	sdelay $0x1  }
0xa1: {  	s23 =	simm.s32 $0x1B8B  }
0xa2: {  	_ =	swait.ge [sflag:s23], $0x1  }
0xa3: {  	[sflag:s23] =	ssyncset.done $0x0  }
0xa4: {  	s25 =	simm.s32 $0x1B8E;
	s24 =	sld [smem:$0x3FFE];
	[sflag:s23] =	ssyncadd.s32 $0xFFFFFFFF  }
0xa5: {  	s26 =	simm.s32 $execute0_lowered;
	[smem:$0x3FD2] =	sst s25  }
0xa6: {  	s5 =	sshll.u32 s26, $0x1;
	_ =	strace $0x80000049;
	[dreg:$0x1] =	wrdreg $0xFFFFFFFF  }
0xa7: {  	s28 =	simm.s32 $_size_execute0_lowered;
	s3 =	sadd.s32 s3, s5;
	[dreg:$0x0] =	wrdreg $0x0  }
0xa8: {  	s5 =	sshll.u32 s28, $0x1;
	[dreg:$0x2] =	wrdreg s3  }
0xa9: {  	[dreg:$0x3] =	wrdreg s5  }
0xaa: {  	[dreg:$0x4] =	wrdreg $0xC0  }
0xab: {  	_ =	task [dreg:s7], $0x5FFFF  }
0xac: {  	[dreg:$0x1] =	wrdreg $0xFFFFFFFF  }
0xad: {  	[dreg:$0x0] =	wrdreg $0x60  }
0xae: {  	[dreg:$0x2] =	wrdreg s24  }
0xaf: {  	[dreg:$0x3] =	wrdreg s2  }
0xb0: {  	[dreg:$0x4] =	wrdreg $0x0  }
0xb1: {  	[dreg:$0x5] =	wrdreg $0x9  }
0xb2: {  	_ =	task.clear_ibuf [dreg:s7], $0x6FFFF;
	_ =	strace $0x90000049  }
0xb3: {  	s29 =	simm.s32 $0x9;
	_ =	strace $0x8000004B  }
0xb4: {  	_ =	swait.ge [sflag:s29], $0x1  }
0xb5: {  	[sflag:s29] =	ssyncadd.s32 $0xFFFFFFFF  }
0xb6: {  	_ =	strace $0x9000004B  }
0xb7: {  	_ =	sfence  }
0xb8: {  	s30 =	sld [smem:$0x0];
	_ =	sdelay $0x2  }
0xb9: {  	s31 =	sshll.u32 s1, $0xD;
	s1 =	sshrl.u32 s1, $0x2  }
0xba: {  	s3 =	sand.u32 $0x4000, s31;
	s1 =	sadd.s32 s1, s30  }
0xbb: {  	s0 =	sor.u32 s3, s0;
	s1 =	sshll.u32 s1, $0x11  }
0xbc: {  	s0 =	sor.u32 s1, s0  }
0xbd: {  	s0 =	sadd.s32 $0x8F2B, s0  }
0xbe: {  	[sflag:s0] =	ssyncadd.remote.s32 $0x1  }
0xbf: {  	_ =	sfence.sel $0xFFFF  }
0xc0: {  	[dreg:$0x0] =	wrdreg $0xFFFFFFFF;
	(pc) =	sbr.abs _section_cstart, $3  }
0xc1: {  	[dreg:$0x1] =	wrdreg $0xFFFFFFFF  }
0xc2: {  	_ =	task.clear_ibuf [dreg:s7], $0x2FFFF;
	_ =	strace $0x9FFFFFFF  }
0xc3: {  	(tm) =	ssettm $0x7FFFFFFF  }
tec
execute0_lowered:
.L_overlay_start_1:
0x0: {  	(tag) =	ssettag $0x1  }
0x1: {  	s0 =	rddreg [dreg:$0x0]  }
0x2: {  	s2 =	rddreg [dreg:$0x2];
	s16 =	stileid.u32  }
0x3: {  	s1 =	srdreg.scid;
	s4 =	simm.s32 $0x0;
	s5 =	smul.u32 $0x500, s16  }
0x4: {  	s28 =	simm.s32 $0x12AC0;
	s30 =	simm.s32 $0x14A00;
	s8 =	smul.u32 $0x271, s16  }
0x5: {  	s31 =	simm.s32 $0x1;
	s29 =	simm.s32 $0x80;
	s7 =	smul.u32 $0x27100, s16  }
0x6: {  	s1 =	sand.u32 $0x1, s1;
	[smem:$0x7FF] =	sst s4;
	s16 =	smul.u32 $0x13880, s16  }
0x7: {  	s3 =	smul.u32 $0x13880, s1;
	_ =	strace $0x8000004A;
	s6 =	ssub.s32 $0x2, s1  }
0x8: {  	s1 =	sshll.u32 s1, $0x6;
	s10 =	sadd.s32 s5, s0;
	s13 =	sshrl.u32 s6, $0x1  }
0x9: {  	s14 =	sshrl.u32 s7, $0x2;
	s12 =	sadd.s32 $0x7D, s8;
	s16 =	sor.u32 s1, s16  }
0xa: {  	s3 =	sadd.s32 s3, s0;
	s0 =	sadd.s32 $0x7B000, s0;
	s11 =	ssub.s32 s6, s13  }
0xb: {  	s5 =	sadd.s32 s14, s2;
	s15 =	sshll.u32 s12, $0x6;
	s13 =	sadd.s32 $0xFA, s8  }
0xc: {  	s14 =	sadd.s32 $0x177, s8;
	s12 =	sshll.u32 s12, $0x7;
	s19 =	sshrl.u32 s16, $0x3  }
0xd: {  	s6 =	sadd.s32 s15, s2;
	s17 =	sshll.u32 s13, $0x6;
	s9 =	sshll.u32 s14, $0x6  }
0xe: {  	s15 =	sadd.s32 $0x1F4, s8;
	s12 =	sor.u32 s1, s12;
	s21 =	sadd.s32 s0, s19  }
0xf: {  	s23 =	sshll.u32 s13, $0x7;
	s24 =	sshll.u32 s14, $0x7;
	s19 =	simm.s32 $0xEC40  }
0x10: {  	s7 =	sadd.s32 s17, s2;
	s8 =	sadd.s32 s9, s2;
	s18 =	sshll.u32 s15, $0x6  }
0x11: {  	s17 =	sadd.s32 $0xA2400, s10;
	s10 =	sadd.s32 $0xC00, s10;
	s20 =	sshrl.u32 s12, $0x3  }
0x12: {  	s12 =	sadd.s32 $0x53E00, s3;
	[dreg:$0x6] =	wrdreg s21;
	s25 =	sshll.u32 s15, $0x7  }
0x13: {  	s3 =	sor.u32 s1, s23;
	s21 =	simm.s32 $0x9C40;
	[dreg:$0x4] =	wrdreg s17  }
0x14: {  	s23 =	simm.s32 $0x7D;
	s9 =	sadd.s32 s18, s2;
	[dreg:$0x5] =	wrdreg s10  }
0x15: {  	s22 =	sadd.s32 s0, s20;
	s10 =	sor.u32 s1, s24;
	s1 =	sor.u32 s1, s25  }
0x16: {  	s3 =	sshrl.u32 s3, $0x3;
	s18 =	smax.u32 s11, $0x1;
	s20 =	simm.s32 $0x3  }
0x17: {  	s25 =	simm.s32 $0x10B80;
	s24 =	simm.s32 $0x2;
	[dreg:$0x7] =	wrdreg s22  }
.Ltmp0:
0x18: {  	s10 =	sshrl.u32 s10, $0x3;
	s3 =	sadd.s32 s0, s3;
	(pc) =	sbr.rel .LBB2_1-.Ltmp0, $4  }
0x19: {  	s1 =	sshrl.u32 s1, $0x3;
	s22 =	simm.s32 $0x1C700;
	[dreg:$0x8] =	wrdreg s3  }
0x1a: {  	s26 =	sadd.s32 s0, s10;
	s0 =	sadd.s32 s0, s1;
	s3 =	simm.s32 $0x18880  }
0x1b: {  	s1 =	simm.s32 $0x1A7C0;
	s10 =	simm.s32 $0x0;
	[dreg:$0x9] =	wrdreg s26  }
0x1c: {  	[dreg:$0xa] =	wrdreg s0;
	s0 =	simm.s32 $0x16940;
	s26 =	simm.s32 $0x40  }
.LBB2_4:
0x1d: {  	_ =	swait.ge [sflag:s31], $0x1F40  }
0x1e: {  	[sflag:s31] =	ssyncset.done $0x0  }
0x1f: {  	[sflag:s31] =	ssyncadd.s32 $0xFFFFE0C0  }
0x20: {  	[spmem:s2] =	stream.indirect.scatter.add.f32 [tilespmem:s22], [sflag:$0x2], $0x40, s14, s23, $0xb8;
	[tilespmem:$0x1E640] =	vst v63  }
0x21: {  	_ =	swait.ge [sflag:s24], $0x1F40  }
0x22: {  	[sflag:s24] =	ssyncset.done $0x0  }
0x23: {  	[sflag:s24] =	ssyncadd.s32 $0xFFFFE0C0  }
0x24: {  	_ =	swait.ge [sflag:s24], $0x1F40  }
0x25: {  	[sflag:s24] =	ssyncset.done $0x0  }
0x26: {  	[sflag:s24] =	ssyncadd.s32 $0xFFFFE0C0  }
0x27: {  	_ =	swait.ge [sflag:s24], $0x1F40  }
0x28: {  	[sflag:s24] =	ssyncset.done $0x0  }
0x29: {  	[sflag:s24] =	ssyncadd.s32 $0xFFFFE0C0  }
0x2a: {  	_ =	swait.ge [sflag:s24], $0x1F40  }
0x2b: {  	[sflag:s24] =	ssyncset.done $0x0  }
0x2c: {  	[sflag:s24] =	ssyncadd.s32 $0xFFFFE0C0  }
0x2d: {  	_ =	swait.ge [sflag:s24], $0x1F40  }
0x2e: {  	[sflag:s24] =	ssyncset.done $0x0  }
0x2f: {  	[sflag:s24] =	ssyncadd.s32 $0xFFFFE0C0  }
0x30: {  	[bflag:$0x0] =	sbarrier.arrive $0xFFFF  }
0x31: {  	[tilespmem:s19], [sflag:$0x3] =	stream.linear.gather [spmem:s5], $0x1F40, $0x38;
	[tilespmem:$0x1E640] =	vst v63  }
0x32: {  	_ =	swait.ge [sflag:s20], $0x1F40  }
0x33: {  	[sflag:s20] =	ssyncset.done $0x0  }
0x34: {  	s11 =	rddreg [dreg:$0x6];
	[sflag:s20] =	ssyncadd.s32 $0xFFFFE0C0  }
0x35: {  	[hbm4b:s11+s26] =	stream.strided.scatter [tilespmem:s19], [sflag:$0x1], $0x1F40, s29, s26, $0x38;
	[tilespmem:$0x1E640] =	vst v63  }
0x36: {  	_ = 	snop  }
0x37: {  	[tilespmem:s25], [sflag:$0x2] =	stream.linear.gather [spmem:s6], $0x1F40, $0x38;
	[tilespmem:$0x1E640] =	vst v63  }
0x38: {  	_ =	swait.ge [sflag:s24], $0x1F40  }
0x39: {  	[sflag:s24] =	ssyncset.done $0x0  }
0x3a: {  	[sflag:s24] =	ssyncadd.s32 $0xFFFFE0C0  }
0x3b: {  	_ =	swait.ge [sflag:s31], $0x1F40  }
0x3c: {  	[sflag:s31] =	ssyncset.done $0x0  }
0x3d: {  	s14 =	rddreg [dreg:$0x7];
	[sflag:s31] =	ssyncadd.s32 $0xFFFFE0C0  }
0x3e: {  	[hbm4b:s14+s26] =	stream.strided.scatter [tilespmem:s25], [sflag:$0x1], $0x1F40, s29, s26, $0x38;
	[tilespmem:$0x1E640] =	vst v63  }
0x3f: {  	_ = 	snop  }
0x40: {  	[tilespmem:s19], [sflag:$0x2] =	stream.linear.gather [spmem:s7], $0x1F40, $0x38;
	[tilespmem:$0x1E640] =	vst v63  }
0x41: {  	_ =	swait.ge [sflag:s24], $0x1F40  }
0x42: {  	[sflag:s24] =	ssyncset.done $0x0  }
0x43: {  	[sflag:s24] =	ssyncadd.s32 $0xFFFFE0C0  }
0x44: {  	_ =	swait.ge [sflag:s31], $0x1F40  }
0x45: {  	[sflag:s31] =	ssyncset.done $0x0  }
0x46: {  	s15 =	rddreg [dreg:$0x8];
	[sflag:s31] =	ssyncadd.s32 $0xFFFFE0C0  }
0x47: {  	[hbm4b:s15+s26] =	stream.strided.scatter [tilespmem:s19], [sflag:$0x1], $0x1F40, s29, s26, $0x38;
	[tilespmem:$0x1E640] =	vst v63  }
0x48: {  	_ = 	snop  }
0x49: {  	[tilespmem:s25], [sflag:$0x2] =	stream.linear.gather [spmem:s8], $0x1F40, $0x38;
	[tilespmem:$0x1E640] =	vst v63  }
0x4a: {  	_ =	swait.ge [sflag:s24], $0x1F40  }
0x4b: {  	[sflag:s24] =	ssyncset.done $0x0  }
0x4c: {  	[sflag:s24] =	ssyncadd.s32 $0xFFFFE0C0  }
0x4d: {  	_ =	swait.ge [sflag:s31], $0x1F40  }
0x4e: {  	[sflag:s31] =	ssyncset.done $0x0  }
0x4f: {  	s16 =	rddreg [dreg:$0x9];
	[sflag:s31] =	ssyncadd.s32 $0xFFFFE0C0  }
0x50: {  	[hbm4b:s16+s26] =	stream.strided.scatter [tilespmem:s25], [sflag:$0x1], $0x1F40, s29, s26, $0x38;
	[tilespmem:$0x1E640] =	vst v63  }
0x51: {  	_ = 	snop  }
0x52: {  	[tilespmem:s19], [sflag:$0x2] =	stream.linear.gather [spmem:s9], $0x1F40, $0x38;
	[tilespmem:$0x1E640] =	vst v63  }
0x53: {  	_ =	swait.ge [sflag:s24], $0x1F40  }
0x54: {  	[sflag:s24] =	ssyncset.done $0x0  }
0x55: {  	[sflag:s24] =	ssyncadd.s32 $0xFFFFE0C0  }
0x56: {  	s10 =	sadd.s32 $0x1, s10;
	_ =	swait.ge [sflag:s31], $0x1F40  }
0x57: {  	p0 =	sne.s32 s10, s18;
	[sflag:s31] =	ssyncset.done $0x0  }
.Ltmp1:
0x58: {  	s17 =	rddreg [dreg:$0xa];
	[sflag:s31] =	ssyncadd.s32 $0xFFFFE0C0;
	(pc) =	sbr.rel @!p0 .LBB2_5-.Ltmp1, $4  }
0x59: {  	[hbm4b:s17+s26] =	stream.strided.scatter [tilespmem:s19], [sflag:$0x1], $0x1F40, s29, s26, $0x38;
	[tilespmem:$0x1E640] =	vst v63  }
0x5a: {  	_ =	swait.ge [sflag:s31], $0x1F40  }
0x5b: {  	[sflag:s31] =	ssyncset.done $0x0  }
0x5c: {  	[sflag:s31] =	ssyncadd.s32 $0xFFFFE0C0  }
.LBB2_1:
0x5d: {  	s11 =	rddreg [dreg:$0x1]  }
0x5e: {  	[tilespmem:s19], [sflag:$0x3] =	stream.linear.gather [hbm4b:s11+s4], $0x1F40, $0x38;
	[tilespmem:$0x1E640] =	vst v63  }
0x5f: {  	_ =	swait.ge [sflag:s20], $0x1F40  }
0x60: {  	[sflag:s20] =	ssyncset.done $0x0  }
0x61: {  	[sflag:s20] =	ssyncadd.s32 $0xFFFFE0C0  }
0x62: {  	[spmem:s5] =	stream.linear.scatter [tilespmem:s19], [sflag:$0x3], $0x1F40, $0x38;
	[tilespmem:$0x1E640] =	vst v63  }
0x63: {  	_ =	swait.ge [sflag:s20], $0x1F40  }
0x64: {  	[sflag:s20] =	ssyncset.done $0x0  }
0x65: {  	[sflag:s20] =	ssyncadd.s32 $0xFFFFE0C0  }
0x66: {  	[spmem:s6] =	stream.linear.scatter [tilespmem:s19], [sflag:$0x3], $0x1F40, $0x38;
	[tilespmem:$0x1E640] =	vst v63  }
0x67: {  	_ =	swait.ge [sflag:s20], $0x1F40  }
0x68: {  	[sflag:s20] =	ssyncset.done $0x0  }
0x69: {  	[sflag:s20] =	ssyncadd.s32 $0xFFFFE0C0  }
0x6a: {  	[spmem:s7] =	stream.linear.scatter [tilespmem:s19], [sflag:$0x3], $0x1F40, $0x38;
	[tilespmem:$0x1E640] =	vst v63  }
0x6b: {  	_ =	swait.ge [sflag:s20], $0x1F40  }
0x6c: {  	[sflag:s20] =	ssyncset.done $0x0  }
0x6d: {  	[sflag:s20] =	ssyncadd.s32 $0xFFFFE0C0  }
0x6e: {  	[spmem:s8] =	stream.linear.scatter [tilespmem:s19], [sflag:$0x3], $0x1F40, $0x38;
	[tilespmem:$0x1E640] =	vst v63  }
0x6f: {  	_ =	swait.ge [sflag:s20], $0x1F40  }
0x70: {  	[sflag:s20] =	ssyncset.done $0x0  }
0x71: {  	[sflag:s20] =	ssyncadd.s32 $0xFFFFE0C0  }
0x72: {  	[spmem:s9] =	stream.linear.scatter [tilespmem:s19], [sflag:$0x3], $0x1F40, $0x38;
	[tilespmem:$0x1E640] =	vst v63  }
0x73: {  	_ =	swait.ge [sflag:s20], $0x1F40  }
0x74: {  	[sflag:s20] =	ssyncset.done $0x0  }
0x75: {  	s13 =	rddreg [dreg:$0x4];
	[sflag:s20] =	ssyncadd.s32 $0xFFFFE0C0  }
0x76: {  	[tilespmem:s21], [sflag:$0x3] =	stream.linear.gather [hbm4b:s13+s4], $0x2800, $0x38;
	[tilespmem:$0x1E640] =	vst v63  }
0x77: {  	_ =	swait.ge [sflag:s20], $0x2800  }
0x78: {  	[sflag:s20] =	ssyncset.done $0x0  }
0x79: {  	s13 =	simm.s32 $0xC440;
	s14 =	rddreg [dreg:$0x5];
	[sflag:s20] =	ssyncadd.s32 $0xFFFFD800  }
0x7a: {  	[tilespmem:s13], [sflag:$0x3] =	stream.linear.gather [hbm4b:s14+s4], $0x2800, $0x38;
	[tilespmem:$0x1E640] =	vst v63  }
0x7b: {  	_ =	swait.ge [sflag:s20], $0x2800  }
0x7c: {  	[sflag:s20] =	ssyncset.done $0x0  }
0x7d: {  	[sflag:s20] =	ssyncadd.s32 $0xFFFFD800  }
0x7e: {  	[bflag:$0x0] =	sbarrier.arrive $0xFFFF  }
0x7f: {  	[tilespmem:s19], [sflag:$0x1] =	stream.indirect.gather [hbm4b:s12+s23], $0x40, s21, s23, $0xb8;
	[tilespmem:$0x1E640] =	vst v63  }
0x80: {  	s15 =	simm.s32 $0x9CC0  }
0x81: {  	[tilespmem:s25], [sflag:$0x1] =	stream.indirect.gather [hbm4b:s12+s23], $0x40, s15, s23, $0xb8;
	[tilespmem:$0x1E640] =	vst v63  }
0x82: {  	s16 =	simm.s32 $0x9D40  }
0x83: {  	[tilespmem:s28], [sflag:$0x1] =	stream.indirect.gather [hbm4b:s12+s23], $0x40, s16, s23, $0xb8;
	[tilespmem:$0x1E640] =	vst v63  }
0x84: {  	s17 =	simm.s32 $0x9DC0;
	s11 =	simm.s32 $0x0  }
0x85: {  	[tilespmem:s30], [sflag:$0x1] =	stream.indirect.gather [hbm4b:s12+s23], $0x40, s17, s23, $0xb8;
	[tilespmem:$0x1E640] =	vst v63  }
.LBB2_2:
0x86: {  	_ =	swait.ge [sflag:s31], $0x1F40  }
0x87: {  	s13 =	sshra.s32 s11, $0x2;
	[sflag:s31] =	ssyncset.done $0x0  }
0x88: {  	p0 =	seq.s32 s11, $0x0;
	s14 =	sadd.s32 $0xC440, s13;
	[sflag:s31] =	ssyncadd.s32 $0xFFFFE0C0  }
0x89: {  	[spmem:s2] =	stream.indirect.scatter.add.f32 [tilespmem:s19], [sflag:$0x2], $0x40, s14, s23, $0xb8;
	[tilespmem:$0x1E640] =	vst v63  }
0x8a: {  	s14 =	simm.s32 @!p0 $0x2  }
0x8b: {  	_ =	swait.ge @!p0 [sflag:s14], $0x1F40  }
0x8c: {  	[sflag:s14] =	ssyncset.done @!p0 $0x0  }
0x8d: {  	s15 =	sadd.s32 $0x9E40, s13;
	[sflag:s14] =	ssyncadd.s32 @!p0 $0xFFFFE0C0  }
0x8e: {  	[tilespmem:s0], [sflag:$0x1] =	stream.indirect.gather [hbm4b:s12+s23], $0x40, s15, s23, $0xb8;
	[tilespmem:$0x1E640] =	vst v63  }
0x8f: {  	_ =	swait.ge [sflag:s31], $0x1F40  }
0x90: {  	[sflag:s31] =	ssyncset.done $0x0  }
0x91: {  	s17 =	sadd.s32 $0xC4C0, s13;
	[sflag:s31] =	ssyncadd.s32 $0xFFFFE0C0  }
0x92: {  	[spmem:s2] =	stream.indirect.scatter.add.f32 [tilespmem:s25], [sflag:$0x2], $0x40, s17, s23, $0xb8;
	[tilespmem:$0x1E640] =	vst v63  }
0x93: {  	_ =	swait.ge @!p0 [sflag:s14], $0x1F40  }
0x94: {  	[sflag:s14] =	ssyncset.done @!p0 $0x0  }
0x95: {  	s16 =	sadd.s32 $0x9EC0, s13;
	[sflag:s14] =	ssyncadd.s32 @!p0 $0xFFFFE0C0  }
0x96: {  	[tilespmem:s3], [sflag:$0x1] =	stream.indirect.gather [hbm4b:s12+s23], $0x40, s16, s23, $0xb8;
	[tilespmem:$0x1E640] =	vst v63  }
0x97: {  	_ =	swait.ge [sflag:s31], $0x1F40  }
0x98: {  	[sflag:s31] =	ssyncset.done $0x0  }
0x99: {  	s17 =	sadd.s32 $0xC540, s13;
	[sflag:s31] =	ssyncadd.s32 $0xFFFFE0C0  }
0x9a: {  	[spmem:s2] =	stream.indirect.scatter.add.f32 [tilespmem:s28], [sflag:$0x2], $0x40, s17, s23, $0xb8;
	[tilespmem:$0x1E640] =	vst v63  }
0x9b: {  	_ =	swait.ge @!p0 [sflag:s14], $0x1F40  }
0x9c: {  	[sflag:s14] =	ssyncset.done @!p0 $0x0  }
0x9d: {  	s16 =	sadd.s32 $0x9F40, s13;
	[sflag:s14] =	ssyncadd.s32 @!p0 $0xFFFFE0C0  }
0x9e: {  	[tilespmem:s1], [sflag:$0x1] =	stream.indirect.gather [hbm4b:s12+s23], $0x40, s16, s23, $0xb8;
	[tilespmem:$0x1E640] =	vst v63  }
0x9f: {  	_ =	swait.ge [sflag:s31], $0x1F40  }
0xa0: {  	[sflag:s31] =	ssyncset.done $0x0  }
0xa1: {  	s17 =	sadd.s32 $0xC5C0, s13;
	[sflag:s31] =	ssyncadd.s32 $0xFFFFE0C0  }
0xa2: {  	[spmem:s2] =	stream.indirect.scatter.add.f32 [tilespmem:s30], [sflag:$0x2], $0x40, s17, s23, $0xb8;
	[tilespmem:$0x1E640] =	vst v63  }
0xa3: {  	_ =	swait.ge @!p0 [sflag:s14], $0x1F40  }
0xa4: {  	[sflag:s14] =	ssyncset.done @!p0 $0x0  }
0xa5: {  	s15 =	sadd.s32 $0x9FC0, s13;
	[sflag:s14] =	ssyncadd.s32 @!p0 $0xFFFFE0C0  }
0xa6: {  	[tilespmem:s22], [sflag:$0x1] =	stream.indirect.gather [hbm4b:s12+s23], $0x40, s15, s23, $0xb8;
	[tilespmem:$0x1E640] =	vst v63  }
0xa7: {  	_ =	swait.ge [sflag:s31], $0x1F40  }
0xa8: {  	[sflag:s31] =	ssyncset.done $0x0  }
0xa9: {  	s16 =	sadd.s32 $0xC640, s13;
	[sflag:s31] =	ssyncadd.s32 $0xFFFFE0C0  }
0xaa: {  	[spmem:s2] =	stream.indirect.scatter.add.f32 [tilespmem:s0], [sflag:$0x2], $0x40, s16, s23, $0xb8;
	[tilespmem:$0x1E640] =	vst v63  }
0xab: {  	_ =	swait.ge [sflag:s24], $0x1F40  }
0xac: {  	p0 =	seq.s32 s11, $0x9000;
	[sflag:s24] =	ssyncset.done $0x0  }
0xad: {  	s14 =	simm.s32 @p0 $0x1;
	[sflag:s24] =	ssyncadd.s32 $0xFFFFE0C0  }
0xae: {  	_ =	swait.ge @p0 [sflag:s14], $0x1F40  }
0xaf: {  	[sflag:s14] =	ssyncset.done @p0 $0x0  }
0xb0: {  	[sflag:s14] =	ssyncadd.s32 @p0 $0xFFFFE0C0;
	s14 =	sshra.s32 @p0 s11, $0x2  }
0xb1: {  	s15 =	simm.s32 @p0 $0x7D;
	s16 =	simm.s32 @p0 $0x18880;
	s14 =	sadd.s32 @p0 $0xC6C0, s14  }
0xb2: {  	[spmem:s2] =	stream.indirect.scatter.add.f32 @p0 [tilespmem:s16], [sflag:$0x2], $0x40, s14, s15, $0xb8;
	[tilespmem:$0x1E640] =	vst v63  }
0xb3: {  	s14 =	simm.s32 @p0 $0x2  }
0xb4: {  	_ =	swait.ge @p0 [sflag:s14], $0x1F40  }
0xb5: {  	[sflag:s14] =	ssyncset.done @p0 $0x0  }
0xb6: {  	[sflag:s14] =	ssyncadd.s32 @p0 $0xFFFFE0C0;
	s14 =	sshra.s32 @!p0 s11, $0x2  }
0xb7: {  	s17 =	simm.s32 @!p0 $0xEC40;
	s16 =	simm.s32 @!p0 $0x7D;
	s15 =	sadd.s32 @!p0 $0xA040, s14  }
0xb8: {  	[tilespmem:s17], [sflag:$0x1] =	stream.indirect.gather @!p0 [hbm4b:s12+s16], $0x40, s15, s16, $0xb8;
	[tilespmem:$0x1E640] =	vst v63  }
0xb9: {  	s15 =	simm.s32 @!p0 $0x1  }
0xba: {  	_ =	swait.ge @!p0 [sflag:s15], $0x1F40  }
0xbb: {  	[sflag:s15] =	ssyncset.done @!p0 $0x0  }
0xbc: {  	s17 =	simm.s32 @!p0 $0x18880;
	[sflag:s15] =	ssyncadd.s32 @!p0 $0xFFFFE0C0;
	s15 =	sadd.s32 @!p0 $0xC6C0, s14  }
0xbd: {  	[spmem:s2] =	stream.indirect.scatter.add.f32 @!p0 [tilespmem:s17], [sflag:$0x2], $0x40, s15, s16, $0xb8;
	[tilespmem:$0x1E640] =	vst v63  }
0xbe: {  	s15 =	simm.s32 @!p0 $0x2  }
0xbf: {  	_ =	swait.ge @!p0 [sflag:s15], $0x1F40  }
0xc0: {  	[sflag:s15] =	ssyncset.done @!p0 $0x0  }
0xc1: {  	s14 =	sadd.s32 @!p0 $0xA0C0, s14;
	[sflag:s15] =	ssyncadd.s32 @!p0 $0xFFFFE0C0;
	s15 =	simm.s32 @!p0 $0x10B80  }
0xc2: {  	[tilespmem:s15], [sflag:$0x1] =	stream.indirect.gather @!p0 [hbm4b:s12+s16], $0x40, s14, s16, $0xb8;
	[tilespmem:$0x1E640] =	vst v63  }
0xc3: {  	_ =	swait.ge [sflag:s31], $0x1F40  }
0xc4: {  	[sflag:s31] =	ssyncset.done $0x0  }
.Ltmp2:
0xc5: {  	s17 =	sadd.s32 $0xC740, s13;
	[sflag:s31] =	ssyncadd.s32 $0xFFFFE0C0;
	(pc) =	sbr.rel @p0 .LBB2_4-.Ltmp2, $4  }
0xc6: {  	[spmem:s2] =	stream.indirect.scatter.add.f32 [tilespmem:s1], [sflag:$0x2], $0x40, s17, s23, $0xb8;
	[tilespmem:$0x1E640] =	vst v63  }
0xc7: {  	_ =	swait.ge [sflag:s24], $0x1F40  }
0xc8: {  	[sflag:s24] =	ssyncset.done $0x0  }
0xc9: {  	s14 =	sadd.s32 $0xC7C0, s13;
	[sflag:s24] =	ssyncadd.s32 $0xFFFFE0C0  }
0xca: {  	s15 =	sadd.s32 $0xA140, s13  }
0xcb: {  	[tilespmem:s28], [sflag:$0x1] =	stream.indirect.gather [hbm4b:s12+s23], $0x40, s15, s23, $0xb8;
	[tilespmem:$0x1E640] =	vst v63  }
0xcc: {  	_ =	swait.ge [sflag:s31], $0x1F40  }
0xcd: {  	[sflag:s31] =	ssyncset.done $0x0  }
0xce: {  	[sflag:s31] =	ssyncadd.s32 $0xFFFFE0C0  }
0xcf: {  	[spmem:s2] =	stream.indirect.scatter.add.f32 [tilespmem:s22], [sflag:$0x2], $0x40, s14, s23, $0xb8;
	[tilespmem:$0x1E640] =	vst v63  }
.Ltmp3:
0xd0: {  	_ = 	snop;
	(pc) =	sbr.rel .LBB2_2-.Ltmp3, $4  }
0xd1: {  	_ =	swait.ge [sflag:s24], $0x1F40  }
0xd2: {  	[sflag:s24] =	ssyncset.done $0x0  }
0xd3: {  	s17 =	sadd.s32 $0xA1C0, s13;
	s11 =	sadd.s32 $0x1000, s11;
	[sflag:s24] =	ssyncadd.s32 $0xFFFFE0C0  }
0xd4: {  	[tilespmem:s30], [sflag:$0x1] =	stream.indirect.gather [hbm4b:s12+s23], $0x40, s17, s23, $0xb8;
	[tilespmem:$0x1E640] =	vst v63  }
.LBB2_5:
0xd5: {  	_ =	sfence.sel $0x180000  }
0xd6: {  	[bflag:$0x0] =	sbarrier.arrive $0xFFFF  }
0xd7: {  	_ =	strace $0x9000004A  }
0xd8: {  	s0 =	stileid.u32;
	[bflag:$0x2] =	sbarrier.arrive $0xFFFF  }
0xd9: {  	p0 =	sne.s32 s0, $0x0;
	s0 =	rddreg [dreg:$0x3]  }
0xda: {  	s0 =	sadd.s32 @!p0 $0x100000, s0  }
0xdb: {  	[sflag:s0] =	ssyncadd.tile.s32 @!p0 $0x1;
	_ =	shalt  }
.Lfunc_end2:
_tile_overlayer_lowered:
.L_overlay_start_2:
0xdc: {  	(tag) =	ssettag $0x2  }
0xdd: {  	s0 =	rddreg [dreg:$0x0];
	s2 =	stileid.u32  }
0xde: {  	s1 =	rddreg [dreg:$0x1];
	p0 =	sne.s32 s2, $0x0  }
0xdf: {  	s3 =	rddreg [dreg:$0x2];
	[bflag:$0x3] =	sbarrier.arrive $0xFFFF;
	s2 =	simm.s32 @!p0 $0x1C03  }
0xe0: {  	[timem:s3], [sflag:s2] =	dma.local @!p0 [hbm:s0], s1  }
0xe1: {  	s0 =	simm.s32 @!p0 $0x3  }
0xe2: {  	_ =	swait.ge @!p0 [sflag:s0], s1  }
0xe3: {  	s1 =	ssub.s32 @!p0 $0x0, s1;
	[sflag:s0] =	ssyncset.done @!p0 $0x0  }
0xe4: {  	[sflag:s0] =	ssyncadd.s32 @!p0 s1  }
0xe5: {  	[bflag:$0x3] =	sbarrier.arrive $0xFFFF  }
0xe6: {  	_ =	shalt  }

// kernel: kernel.14.cloned.1.call-start
scs
__scs_entry_jumppad:
0x0: {  	(pc) =	sbr.rel $0x88, $3  }
0x1: {  	(tag) =	ssettag $0x0;
	lr =	simm.s32 $0x1  }
0x2: {  	[smem:$0x3F9B] =	sst lr;
	_ =	strace $0xD0000000  }
0x3: {  	_ = 	snop  }
0x4: {  	_ = 	snop  }
0x5: {  	_ = 	snop  }
0x6: {  	_ = 	snop  }
0x7: {  	_ = 	snop  }
__scs_overlays_trampoline_lowered:
0x8: {  	[smem:$0x3FAA] =	sst s0  }
0x9: {  	[smem:$0x3FAB] =	sst s1  }
0xa: {  	[smem:$0x3FAC] =	sst s2  }
0xb: {  	[smem:$0x3FAD] =	sst s3  }
0xc: {  	[smem:$0x3FAE] =	sst s4  }
0xd: {  	[smem:$0x3FAF] =	sst s5  }
0xe: {  	[smem:$0x3FB0] =	sst s6  }
0xf: {  	[smem:$0x3FB1] =	sst s7  }
0x10: {  	[smem:$0x3FB2] =	sst s8  }
0x11: {  	[smem:$0x3FB3] =	sst s9;
	s0 =	simm.s32 @!p0 $0x0  }
0x12: {  	s1 =	sld [smem:$0x3F99];
	s0 =	simm.s32 @p0 $0x1  }
0x13: {  	[smem:$0x3FB4] =	sst s0;
	s0 =	simm.s32 @!p1 $0x0  }
0x14: {  	s2 =	sld [smem:$0x3F98];
	s0 =	simm.s32 @p1 $0x1  }
0x15: {  	[smem:$0x3FB5] =	sst s0;
	s0 =	simm.s32 @!p2 $0x0  }
0x16: {  	s3 =	sld [smem:$0x3FDB];
	s0 =	simm.s32 @p2 $0x1  }
0x17: {  	s4 =	simm.s32 $0x1BF5;
	[smem:$0x3FB7] =	sst s0  }
0x18: {  	s0 =	sld [smem:$0x3F9A];
	_ =	swait.ge [sflag:s4], $0x0  }
0x19: {  	s7 =	sld [smem:$0x3F9B]  }
0x1a: {  	s8 =	sadd.s32 $0xFFFFE003, lr  }
0x1b: {  	s9 =	sadd.s32 $0xFFFFFEF7, lr;
	s5 =	simm.s32 $0xFFFFFFFF;
	p2 =	slt.u32 s8, $0xFFFFF086  }
0x1c: {  	p1 =	slt.u32 s9, $0xF7A;
	s5 =	simm.s32 @!p2 $0x0  }
0x1d: {  	s5 =	simm.s32 @p1 $0x1;
	p0 =	seq.s32 s7, s2  }
0x1e: {  	s7 =	smul.u32 @!p0 $0xF7A, s2;
	p2 =	seq.s32 @!p0 s5, $0x0  }
0x1f: {  	s9 =	smul.u32 $0xF7A, s1;
	s8 =	simm.s32 @!p0 $0x1BF5;
	p2 =	por !p2, p0  }
0x20: {  	[sflag:s8] =	ssyncset.s32 @!p0 $0xFFFFF086;
	s6 =	sadd.s32 @!p0 s3, s7;
	s7 =	simm.s32 @!p0 $0x108  }
0x21: {  	s3 =	sadd.s32 s3, s9;
	s6 =	sadd.s32 @!p0 $0x88, s6;
	s7 =	simm.s32 @p2 $0x1082  }
0x22: {  	[simem:s7], [sflag:s8] =	dma.local @!p0 [hbm:s6], $0xF7A  }
0x23: {  	s9 =	sor.u32 $0xD0000000, s2;
	s6 =	simm.s32 $0x108;
	_ =	swait.ge @!p0 [sflag:s8], $0x0  }
0x24: {  	s3 =	sadd.s32 $0x88, s3;
	s6 =	simm.s32 @!p1 $0x1082;
	[sflag:s4] =	ssyncset.s32 $0xFFFFF086  }
0x25: {  	[simem:s6], [sflag:s4] =	dma.local [hbm:s3], $0xF7A  }
0x26: {  	[smem:$0x3F9B] =	sst s1;
	(tag) =	ssettag s2;
	_ =	strace s9  }
0x27: {  	s1 =	sld [smem:$0x3FAB]  }
0x28: {  	s2 =	sld [smem:$0x3FAC]  }
0x29: {  	s4 =	sld [smem:$0x3FAE]  }
0x2a: {  	p0 =	seq.s32 s5, $0x0;
	s5 =	sld [smem:$0x3FAF]  }
0x2b: {  	s6 =	sld [smem:$0x3FB0]  }
0x2c: {  	s7 =	sld [smem:$0x3FB1]  }
0x2d: {  	s3 =	simm.s32 $0x108;
	s8 =	sld [smem:$0x3FB2]  }
0x2e: {  	s3 =	simm.s32 @!p0 $0x1082;
	s9 =	sld [smem:$0x3FB3]  }
0x2f: {  	lr =	sadd.s32 s0, s3;
	s0 =	sld [smem:$0x3FAA]  }
0x30: {  	s3 =	sld [smem:$0x3FAD]  }
0x31: {  	[smem:$0x3FB6] =	sst s10  }
0x32: {  	s10 =	sld [smem:$0x3FB4];
	_ =	sdelay $0x3  }
0x33: {  	p0 =	seq.s32 s10, $0x1;
	s10 =	sld [smem:$0x3FB6];
	_ =	sdelay $0x3  }
0x34: {  	[smem:$0x3FB6] =	sst s10  }
0x35: {  	s10 =	sld [smem:$0x3FB5];
	_ =	sdelay $0x3  }
0x36: {  	p1 =	seq.s32 s10, $0x1;
	s10 =	sld [smem:$0x3FB6];
	_ =	sdelay $0x3  }
0x37: {  	[smem:$0x3FB6] =	sst s10  }
0x38: {  	s10 =	sld [smem:$0x3FB7]  }
0x39: {  	_ = 	snop;
	(pc) =	sbr.ind lr, $3  }
0x3a: {  	_ = 	snop  }
0x3b: {  	_ = 	snop  }
0x3c: {  	p2 =	seq.s32 s10, $0x1;
	s10 =	sld [smem:$0x3FB6]  }
0x3d: {  	_ =	shalt  }
0x3e: {  	_ =	shalt  }
0x3f: {  	_ =	shalt  }
0x40: {  	_ =	shalt  }
0x41: {  	_ =	shalt  }
0x42: {  	_ =	shalt  }
0x43: {  	_ =	shalt  }
0x44: {  	_ =	shalt  }
0x45: {  	_ =	shalt  }
0x46: {  	_ =	shalt  }
0x47: {  	_ =	shalt  }
0x48: {  	_ =	shalt  }
0x49: {  	_ =	shalt  }
0x4a: {  	_ =	shalt  }
0x4b: {  	_ =	shalt  }
0x4c: {  	_ =	shalt  }
0x4d: {  	_ =	shalt  }
0x4e: {  	_ =	shalt  }
0x4f: {  	_ =	shalt  }
0x50: {  	_ =	shalt  }
0x51: {  	_ =	shalt  }
0x52: {  	_ =	shalt  }
0x53: {  	_ =	shalt  }
0x54: {  	_ =	shalt  }
0x55: {  	_ =	shalt  }
0x56: {  	_ =	shalt  }
0x57: {  	_ =	shalt  }
0x58: {  	_ =	shalt  }
0x59: {  	_ =	shalt  }
0x5a: {  	_ =	shalt  }
0x5b: {  	_ =	shalt  }
0x5c: {  	_ =	shalt  }
0x5d: {  	_ =	shalt  }
0x5e: {  	_ =	shalt  }
0x5f: {  	_ =	shalt  }
0x60: {  	_ =	shalt  }
0x61: {  	_ =	shalt  }
0x62: {  	_ =	shalt  }
0x63: {  	_ =	shalt  }
0x64: {  	_ =	shalt  }
0x65: {  	_ =	shalt  }
0x66: {  	_ =	shalt  }
0x67: {  	_ =	shalt  }
0x68: {  	_ =	shalt  }
0x69: {  	_ =	shalt  }
0x6a: {  	_ =	shalt  }
0x6b: {  	_ =	shalt  }
0x6c: {  	_ =	shalt  }
0x6d: {  	_ =	shalt  }
0x6e: {  	_ =	shalt  }
0x6f: {  	_ =	shalt  }
0x70: {  	_ =	shalt  }
0x71: {  	_ =	shalt  }
0x72: {  	_ =	shalt  }
0x73: {  	_ =	shalt  }
0x74: {  	_ =	shalt  }
0x75: {  	_ =	shalt  }
0x76: {  	_ =	shalt  }
0x77: {  	_ =	shalt  }
0x78: {  	_ =	shalt  }
0x79: {  	_ =	shalt  }
0x7a: {  	_ =	shalt  }
0x7b: {  	_ =	shalt  }
0x7c: {  	_ =	shalt  }
0x7d: {  	_ =	shalt  }
0x7e: {  	_ =	shalt  }
0x7f: {  	_ =	shalt  }
0x80: {  	_ =	shalt  }
0x81: {  	_ =	shalt  }
0x82: {  	_ =	shalt  }
0x83: {  	_ =	shalt  }
0x84: {  	_ =	shalt  }
0x85: {  	_ =	shalt  }
0x86: {  	_ =	shalt  }
0x87: {  	_ =	shalt  }
.Lfunc_end0:
.L_simem_size_0:
called_computation.2_lowered:
.L_overlay_start_0:
0x88: {  	s2 =	sld [smem:$0x3FD9]  }
0x89: {  	s3 =	sld [smem:$0x3FFE];
	_ =	sdelay $0x1  }
0x8a: {  	s1 =	srdreg.scid  }
0x8b: {  	s0 =	sand.u32 $0x1, s1  }
0x8c: {  	s17 =	sshll.u32 s0, $0xA;
	s2 =	sadd.s32 s3, s2  }
0x8d: {  	s2 =	sadd.s32 s2, s17  }
0x8e: {  	[smem:$0x3FC2] =	sst s2  }
0x8f: {  	_ = 	snop  }
0x90: {  	s2 =	sld [smem:$0x3FD0];
	(tm) =	ssettm $0x1  }
0x91: {  	s18 =	sld [smem:$0x3FFB];
	_ =	sdelay $0x3  }
0x92: {  	_ =	strace s18  }
0x93: {  	s3 =	sld [smem:$0x3FFC];
	_ =	sdelay $0x3  }
0x94: {  	_ =	strace s3  }
0x95: {  	s3 =	sld [smem:$0x3FFD];
	_ =	sdelay $0x3  }
0x96: {  	_ =	strace s3  }
0x97: {  	_ =	strace $0x8FFFFFFF  }
0x98: {  	s19 =	sld [smem:$0x3FDB];
	_ =	sdelay $0x1  }
0x99: {  	s4 =	simm.s32 $_scs_section_size  }
0x9a: {  	s5 =	simm.s32 $_size__tile_overlayer_lowered;
	s6 =	simm.s32 $_tile_overlayer_lowered  }
0x9b: {  	s22 =	simm.s32 $0x1BFF;
	s21 =	sshll.u32 s6, $0x1;
	s3 =	sadd.s32 s4, s19  }
0x9c: {  	s7 =	simm.s32 $0x0;
	s20 =	sshll.u32 s5, $0x1;
	s5 =	sadd.s32 s21, s3  }
0x9d: {  	[timem:s7], [sflag:s22] =	dma.local [hbm:s5], s20  }
0x9e: {  	_ =	swait.ge [sflag:s22], s20  }
0x9f: {  	s4 =	ssub.s32 $0x0, s20;
	[sflag:s22] =	ssyncset.done $0x0  }
0xa0: {  	[sflag:s22] =	ssyncadd.s32 s4;
	_ =	sdelay $0x1  }
0xa1: {  	s23 =	simm.s32 $0x1B8B  }
0xa2: {  	_ =	swait.ge [sflag:s23], $0x1  }
0xa3: {  	[sflag:s23] =	ssyncset.done $0x0  }
0xa4: {  	s25 =	simm.s32 $0x1B8E;
	s24 =	sld [smem:$0x3FFE];
	[sflag:s23] =	ssyncadd.s32 $0xFFFFFFFF  }
0xa5: {  	s26 =	simm.s32 $execute0_lowered;
	[smem:$0x3FD2] =	sst s25  }
0xa6: {  	s5 =	sshll.u32 s26, $0x1;
	_ =	strace $0x8000004C;
	[dreg:$0x1] =	wrdreg $0xFFFFFFFF  }
0xa7: {  	s28 =	simm.s32 $_size_execute0_lowered;
	s3 =	sadd.s32 s3, s5;
	[dreg:$0x0] =	wrdreg $0x0  }
0xa8: {  	s5 =	sshll.u32 s28, $0x1;
	[dreg:$0x2] =	wrdreg s3  }
0xa9: {  	[dreg:$0x3] =	wrdreg s5  }
0xaa: {  	[dreg:$0x4] =	wrdreg $0xC0  }
0xab: {  	_ =	task [dreg:s7], $0x5FFFF  }
0xac: {  	[dreg:$0x1] =	wrdreg $0xFFFFFFFF  }
0xad: {  	[dreg:$0x0] =	wrdreg $0x60  }
0xae: {  	[dreg:$0x2] =	wrdreg s24  }
0xaf: {  	[dreg:$0x3] =	wrdreg s2  }
0xb0: {  	[dreg:$0x4] =	wrdreg $0x0  }
0xb1: {  	[dreg:$0x5] =	wrdreg $0x9  }
0xb2: {  	_ =	task.clear_ibuf [dreg:s7], $0x6FFFF;
	_ =	strace $0x9000004C  }
0xb3: {  	s29 =	simm.s32 $0x9;
	_ =	strace $0x8000004E  }
0xb4: {  	_ =	swait.ge [sflag:s29], $0x1  }
0xb5: {  	[sflag:s29] =	ssyncadd.s32 $0xFFFFFFFF  }
0xb6: {  	_ =	strace $0x9000004E  }
0xb7: {  	_ =	sfence  }
0xb8: {  	s30 =	sld [smem:$0x0];
	_ =	sdelay $0x2  }
0xb9: {  	s31 =	sshll.u32 s1, $0xD;
	s1 =	sshrl.u32 s1, $0x2  }
0xba: {  	s3 =	sand.u32 $0x4000, s31;
	s1 =	sadd.s32 s1, s30  }
0xbb: {  	s0 =	sor.u32 s3, s0;
	s1 =	sshll.u32 s1, $0x11  }
0xbc: {  	s0 =	sor.u32 s1, s0  }
0xbd: {  	s0 =	sadd.s32 $0x8F2B, s0  }
0xbe: {  	[sflag:s0] =	ssyncadd.remote.s32 $0x1  }
0xbf: {  	_ =	sfence.sel $0xFFFF  }
0xc0: {  	[dreg:$0x0] =	wrdreg $0xFFFFFFFF;
	(pc) =	sbr.abs _section_cstart, $3  }
0xc1: {  	[dreg:$0x1] =	wrdreg $0xFFFFFFFF  }
0xc2: {  	_ =	task.clear_ibuf [dreg:s7], $0x2FFFF;
	_ =	strace $0x9FFFFFFF  }
0xc3: {  	(tm) =	ssettm $0x7FFFFFFF  }
tec
execute0_lowered:
.L_overlay_start_1:
0x0: {  	(tag) =	ssettag $0x1  }
0x1: {  	s0 =	rddreg [dreg:$0x0];
	s1 =	srdreg.scid  }
0x2: {  	s3 =	rddreg [dreg:$0x2];
	s4 =	stileid.u32;
	s5 =	simm.s32 $0x0  }
0x3: {  	s28 =	simm.s32 $0x5EB0;
	s30 =	simm.s32 $0x6680;
	s6 =	smul.u32 $0x28, s4  }
0x4: {  	s29 =	simm.s32 $0x9560;
	s31 =	simm.s32 $0x2;
	s7 =	smul.u32 $0x9C40, s4  }
0x5: {  	s1 =	sand.u32 $0x1, s1;
	[smem:$0x7FF] =	sst s5;
	s10 =	smul.u32 $0x271, s4  }
0x6: {  	s5 =	sadd.s32 $0x5C00, s0;
	s2 =	smul.u32 $0x280, s1;
	s14 =	ssub.s32 $0x2, s1  }
0x7: {  	_ =	strace $0x8000004D;
	s1 =	sshll.u32 s1, $0x4;
	s8 =	sshrl.u32 s14, $0x1  }
0x8: {  	s15 =	sshrl.u32 s7, $0x2;
	s12 =	sadd.s32 $0x7D, s10;
	s13 =	sadd.s32 $0xFA, s10  }
0x9: {  	s2 =	sadd.s32 s6, s2;
	s11 =	ssub.s32 s14, s8;
	s17 =	sadd.s32 s15, s3  }
0xa: {  	s16 =	sshll.u32 s12, $0x4;
	s18 =	sshll.u32 s13, $0x4;
	s14 =	sadd.s32 $0x177, s10  }
0xb: {  	s15 =	sadd.s32 $0x1F4, s10;
	s12 =	sshll.u32 s12, $0x7;
	s22 =	sshll.u32 s13, $0x7  }
0xc: {  	s13 =	simm.s32 $0x0;
	s2 =	sshll.u32 s2, $0x4;
	s7 =	sadd.s32 s16, s3  }
0xd: {  	s8 =	sadd.s32 s18, s3;
	s9 =	sshll.u32 s14, $0x4;
	s16 =	smul.u32 $0x13880, s4  }
0xe: {  	s10 =	sshll.u32 s15, $0x4;
	s12 =	sor.u32 s1, s12;
	s23 =	sshll.u32 s14, $0x7  }
0xf: {  	s24 =	sshll.u32 s15, $0x7;
	s26 =	smax.u32 s11, $0x1;
	[dreg:$0x4] =	wrdreg s17  }
0x10: {  	s11 =	simm.s32 $0x10;
	s2 =	sadd.s32 s2, s0;
	[dreg:$0x10] =	wrdreg s26  }
0x11: {  	s0 =	sadd.s32 $0xAC00, s0;
	s9 =	sadd.s32 s9, s3;
	[dreg:$0x5] =	wrdreg s7  }
0x12: {  	s10 =	sadd.s32 s10, s3;
	s12 =	sshrl.u32 s12, $0x3;
	[dreg:$0x6] =	wrdreg s8  }
0x13: {  	s26 =	simm.s32 $0x8D90;
	s16 =	sor.u32 s1, s16;
	[dreg:$0x7] =	wrdreg s9  }
0x14: {  	s19 =	sadd.s32 $0xA2400, s2;
	s2 =	sadd.s32 $0xC00, s2;
	[dreg:$0x8] =	wrdreg s10  }
0x15: {  	s21 =	sadd.s32 s0, s12;
	s12 =	sor.u32 s1, s23;
	[dreg:$0x9] =	wrdreg s19  }
0x16: {  	s23 =	simm.s32 $0x7D;
	s16 =	sshrl.u32 s16, $0x3;
	[dreg:$0xa] =	wrdreg s2  }
0x17: {  	[dreg:$0xc] =	wrdreg s21;
	s2 =	sor.u32 s1, s22;
	s1 =	sor.u32 s1, s24  }
0x18: {  	s12 =	sshrl.u32 s12, $0x3;
	s19 =	simm.s32 $0x4F10;
	s22 =	simm.s32 $0x7DF0  }
0x19: {  	s24 =	simm.s32 $0x85C0;
	s20 =	sadd.s32 s0, s16;
	s2 =	sshrl.u32 s2, $0x3  }
.Ltmp0:
0x1a: {  	s1 =	sshrl.u32 s1, $0x3;
	s25 =	sadd.s32 s0, s12;
	(pc) =	sbr.rel .LBB2_1-.Ltmp0, $4  }
0x1b: {  	s12 =	simm.s32 $0x80;
	[dreg:$0xb] =	wrdreg s20;
	s2 =	sadd.s32 s0, s2  }
0x1c: {  	[dreg:$0xe] =	wrdreg s25;
	s0 =	sadd.s32 s0, s1;
	s20 =	simm.s32 $0x3  }
0x1d: {  	s25 =	simm.s32 $0x56E0;
	s1 =	simm.s32 $0x1;
	[dreg:$0xd] =	wrdreg s2  }
0x1e: {  	[dreg:$0xf] =	wrdreg s0;
	s0 =	simm.s32 $0x6E50;
	s2 =	simm.s32 $0x7620  }
.LBB2_4:
0x1f: {  	_ =	swait.ge [sflag:s31], $0x7D0  }
0x20: {  	[sflag:s31] =	ssyncset.done $0x0  }
0x21: {  	[sflag:s31] =	ssyncadd.s32 $0xFFFFF830  }
0x22: {  	_ =	swait.ge [sflag:s31], $0x7D0  }
0x23: {  	[sflag:s31] =	ssyncset.done $0x0  }
0x24: {  	[sflag:s31] =	ssyncadd.s32 $0xFFFFF830  }
0x25: {  	_ =	swait.ge [sflag:s31], $0x7D0  }
0x26: {  	[sflag:s31] =	ssyncset.done $0x0  }
0x27: {  	[sflag:s31] =	ssyncadd.s32 $0xFFFFF830  }
0x28: {  	_ =	swait.ge [sflag:s31], $0x7D0  }
0x29: {  	[sflag:s31] =	ssyncset.done $0x0  }
0x2a: {  	[sflag:s31] =	ssyncadd.s32 $0xFFFFF830  }
0x2b: {  	_ =	swait.ge [sflag:s31], $0x7D0  }
0x2c: {  	[sflag:s31] =	ssyncset.done $0x0  }
0x2d: {  	[sflag:s31] =	ssyncadd.s32 $0xFFFFF830  }
0x2e: {  	[bflag:$0x0] =	sbarrier.arrive $0xFFFF  }
0x2f: {  	s17 =	rddreg [dreg:$0x4]  }
0x30: {  	[tilespmem:s19], [sflag:$0x3] =	stream.linear.gather [spmem:s17], $0x7D0, $0x38;
	[tilespmem:$0x9D30] =	vst v63  }
0x31: {  	_ =	swait.ge [sflag:s20], $0x7D0  }
0x32: {  	[sflag:s20] =	ssyncset.done $0x0  }
0x33: {  	s4 =	rddreg [dreg:$0xb];
	[sflag:s20] =	ssyncadd.s32 $0xFFFFF830  }
0x34: {  	[hbm4b:s4+s11] =	stream.strided.scatter [tilespmem:s19], [sflag:$0x1], $0x7D0, s12, s11, $0x38;
	[tilespmem:$0x9D30] =	vst v63  }
0x35: {  	s7 =	rddreg [dreg:$0x5]  }
0x36: {  	[tilespmem:s25], [sflag:$0x2] =	stream.linear.gather [spmem:s7], $0x7D0, $0x38;
	[tilespmem:$0x9D30] =	vst v63  }
0x37: {  	_ =	swait.ge [sflag:s31], $0x7D0  }
0x38: {  	[sflag:s31] =	ssyncset.done $0x0  }
0x39: {  	[sflag:s31] =	ssyncadd.s32 $0xFFFFF830  }
0x3a: {  	_ =	swait.ge [sflag:s1], $0x7D0  }
0x3b: {  	[sflag:s1] =	ssyncset.done $0x0  }
0x3c: {  	s14 =	rddreg [dreg:$0xc];
	[sflag:s1] =	ssyncadd.s32 $0xFFFFF830  }
0x3d: {  	[hbm4b:s14+s11] =	stream.strided.scatter [tilespmem:s25], [sflag:$0x1], $0x7D0, s12, s11, $0x38;
	[tilespmem:$0x9D30] =	vst v63  }
0x3e: {  	s8 =	rddreg [dreg:$0x6]  }
0x3f: {  	[tilespmem:s19], [sflag:$0x2] =	stream.linear.gather [spmem:s8], $0x7D0, $0x38;
	[tilespmem:$0x9D30] =	vst v63  }
0x40: {  	_ =	swait.ge [sflag:s31], $0x7D0  }
0x41: {  	[sflag:s31] =	ssyncset.done $0x0  }
0x42: {  	[sflag:s31] =	ssyncadd.s32 $0xFFFFF830  }
0x43: {  	_ =	swait.ge [sflag:s1], $0x7D0  }
0x44: {  	[sflag:s1] =	ssyncset.done $0x0  }
0x45: {  	s15 =	rddreg [dreg:$0xd];
	[sflag:s1] =	ssyncadd.s32 $0xFFFFF830  }
0x46: {  	[hbm4b:s15+s11] =	stream.strided.scatter [tilespmem:s19], [sflag:$0x1], $0x7D0, s12, s11, $0x38;
	[tilespmem:$0x9D30] =	vst v63  }
0x47: {  	s9 =	rddreg [dreg:$0x7]  }
0x48: {  	[tilespmem:s25], [sflag:$0x2] =	stream.linear.gather [spmem:s9], $0x7D0, $0x38;
	[tilespmem:$0x9D30] =	vst v63  }
0x49: {  	_ =	swait.ge [sflag:s31], $0x7D0  }
0x4a: {  	[sflag:s31] =	ssyncset.done $0x0  }
0x4b: {  	[sflag:s31] =	ssyncadd.s32 $0xFFFFF830  }
0x4c: {  	_ =	swait.ge [sflag:s1], $0x7D0  }
0x4d: {  	[sflag:s1] =	ssyncset.done $0x0  }
0x4e: {  	s16 =	rddreg [dreg:$0xe];
	[sflag:s1] =	ssyncadd.s32 $0xFFFFF830  }
0x4f: {  	[hbm4b:s16+s11] =	stream.strided.scatter [tilespmem:s25], [sflag:$0x1], $0x7D0, s12, s11, $0x38;
	[tilespmem:$0x9D30] =	vst v63  }
0x50: {  	s10 =	rddreg [dreg:$0x8]  }
0x51: {  	[tilespmem:s19], [sflag:$0x2] =	stream.linear.gather [spmem:s10], $0x7D0, $0x38;
	[tilespmem:$0x9D30] =	vst v63  }
0x52: {  	_ =	swait.ge [sflag:s31], $0x7D0  }
0x53: {  	[sflag:s31] =	ssyncset.done $0x0  }
0x54: {  	[sflag:s31] =	ssyncadd.s32 $0xFFFFF830  }
0x55: {  	_ =	swait.ge [sflag:s1], $0x7D0  }
0x56: {  	[sflag:s1] =	ssyncset.done $0x0  }
0x57: {  	s18 =	rddreg [dreg:$0xf];
	[sflag:s1] =	ssyncadd.s32 $0xFFFFF830  }
0x58: {  	[hbm4b:s18+s11] =	stream.strided.scatter [tilespmem:s19], [sflag:$0x1], $0x7D0, s12, s11, $0x38;
	[tilespmem:$0x9D30] =	vst v63  }
0x59: {  	_ =	swait.ge [sflag:s1], $0x7D0  }
0x5a: {  	s13 =	sadd.s32 $0x1, s13;
	s21 =	rddreg [dreg:$0x10]  }
0x5b: {  	p0 =	sne.s32 s13, s21  }
.Ltmp1:
0x5c: {  	_ = 	snop;
	(pc) =	sbr.rel @!p0 .LBB2_5-.Ltmp1, $3  }
0x5d: {  	_ =	sdelay $0x1  }
0x5e: {  	[sflag:s1] =	ssyncset.done $0x0  }
0x5f: {  	[sflag:s1] =	ssyncadd.s32 $0xFFFFF830  }
.LBB2_1:
0x60: {  	s4 =	rddreg [dreg:$0x1];
	s6 =	simm.s32 $0x0  }
0x61: {  	[tilespmem:s19], [sflag:$0x3] =	stream.linear.gather [hbm4b:s4+s6], $0x7D0, $0x38;
	[tilespmem:$0x9D30] =	vst v63  }
0x62: {  	_ =	swait.ge [sflag:s20], $0x7D0  }
0x63: {  	[sflag:s20] =	ssyncset.done $0x0  }
0x64: {  	[sflag:s20] =	ssyncadd.s32 $0xFFFFF830  }
0x65: {  	[spmem:s17] =	stream.linear.scatter [tilespmem:s19], [sflag:$0x3], $0x7D0, $0x38;
	[tilespmem:$0x9D30] =	vst v63  }
0x66: {  	_ =	swait.ge [sflag:s20], $0x7D0  }
0x67: {  	[sflag:s20] =	ssyncset.done $0x0  }
0x68: {  	[sflag:s20] =	ssyncadd.s32 $0xFFFFF830  }
0x69: {  	[spmem:s7] =	stream.linear.scatter [tilespmem:s19], [sflag:$0x3], $0x7D0, $0x38;
	[tilespmem:$0x9D30] =	vst v63  }
0x6a: {  	_ =	swait.ge [sflag:s20], $0x7D0  }
0x6b: {  	[sflag:s20] =	ssyncset.done $0x0  }
0x6c: {  	[sflag:s20] =	ssyncadd.s32 $0xFFFFF830  }
0x6d: {  	[spmem:s8] =	stream.linear.scatter [tilespmem:s19], [sflag:$0x3], $0x7D0, $0x38;
	[tilespmem:$0x9D30] =	vst v63  }
0x6e: {  	_ =	swait.ge [sflag:s20], $0x7D0  }
0x6f: {  	[sflag:s20] =	ssyncset.done $0x0  }
0x70: {  	[sflag:s20] =	ssyncadd.s32 $0xFFFFF830  }
0x71: {  	[spmem:s9] =	stream.linear.scatter [tilespmem:s19], [sflag:$0x3], $0x7D0, $0x38;
	[tilespmem:$0x9D30] =	vst v63  }
0x72: {  	_ =	swait.ge [sflag:s20], $0x7D0  }
0x73: {  	[sflag:s20] =	ssyncset.done $0x0  }
0x74: {  	[sflag:s20] =	ssyncadd.s32 $0xFFFFF830  }
0x75: {  	[spmem:s10] =	stream.linear.scatter [tilespmem:s19], [sflag:$0x3], $0x7D0, $0x38;
	[tilespmem:$0x9D30] =	vst v63  }
0x76: {  	_ =	swait.ge [sflag:s20], $0x7D0  }
0x77: {  	[sflag:s20] =	ssyncset.done $0x0  }
0x78: {  	s10 =	simm.s32 $0x2710;
	s9 =	rddreg [dreg:$0x9];
	[sflag:s20] =	ssyncadd.s32 $0xFFFFF830  }
0x79: {  	[tilespmem:s10], [sflag:$0x3] =	stream.linear.gather [hbm4b:s9+s6], $0x1400, $0x38;
	[tilespmem:$0x9D30] =	vst v63  }
0x7a: {  	_ =	swait.ge [sflag:s20], $0x1400  }
0x7b: {  	[sflag:s20] =	ssyncset.done $0x0  }
0x7c: {  	s15 =	simm.s32 $0x3B10;
	s14 =	rddreg [dreg:$0xa];
	[sflag:s20] =	ssyncadd.s32 $0xFFFFEC00  }
0x7d: {  	[tilespmem:s15], [sflag:$0x3] =	stream.linear.gather [hbm4b:s14+s6], $0x1400, $0x38;
	[tilespmem:$0x9D30] =	vst v63  }
0x7e: {  	_ =	swait.ge [sflag:s20], $0x1400  }
0x7f: {  	[sflag:s20] =	ssyncset.done $0x0  }
0x80: {  	[sflag:s20] =	ssyncadd.s32 $0xFFFFEC00  }
0x81: {  	[bflag:$0x0] =	sbarrier.arrive $0xFFFF  }
0x82: {  	[tilespmem:s19], [sflag:$0x1] =	stream.indirect.gather [hbm4b:s5+s23], $0x10, s10, s23, $0xb8;
	[tilespmem:$0x9D30] =	vst v63  }
0x83: {  	s16 =	simm.s32 $0x2790  }
0x84: {  	[tilespmem:s25], [sflag:$0x1] =	stream.indirect.gather [hbm4b:s5+s23], $0x10, s16, s23, $0xb8;
	[tilespmem:$0x9D30] =	vst v63  }
0x85: {  	s17 =	simm.s32 $0x2810  }
0x86: {  	[tilespmem:s28], [sflag:$0x1] =	stream.indirect.gather [hbm4b:s5+s23], $0x10, s17, s23, $0xb8;
	[tilespmem:$0x9D30] =	vst v63  }
0x87: {  	s18 =	simm.s32 $0x2890  }
0x88: {  	[tilespmem:s30], [sflag:$0x1] =	stream.indirect.gather [hbm4b:s5+s23], $0x10, s18, s23, $0xb8;
	[tilespmem:$0x9D30] =	vst v63  }
0x89: {  	s21 =	simm.s32 $0x2910;
	s14 =	simm.s32 $0x0  }
0x8a: {  	[tilespmem:s0], [sflag:$0x1] =	stream.indirect.gather [hbm4b:s5+s23], $0x10, s21, s23, $0xb8;
	[tilespmem:$0x9D30] =	vst v63  }
.LBB2_2:
0x8b: {  	_ =	swait.ge [sflag:s1], $0x7D0  }
0x8c: {  	s15 =	sshra.s32 s14, $0x2;
	[sflag:s1] =	ssyncset.done $0x0  }
0x8d: {  	p0 =	seq.s32 s14, $0x0;
	s16 =	sadd.s32 $0x3B10, s15;
	[sflag:s1] =	ssyncadd.s32 $0xFFFFF830  }
0x8e: {  	[spmem:s3] =	stream.indirect.scatter.add.f32 [tilespmem:s19], [sflag:$0x2], $0x10, s16, s23, $0xb8;
	[tilespmem:$0x9D30] =	vst v63  }
0x8f: {  	s16 =	simm.s32 @!p0 $0x2  }
0x90: {  	_ =	swait.ge @!p0 [sflag:s16], $0x7D0  }
0x91: {  	[sflag:s16] =	ssyncset.done @!p0 $0x0  }
0x92: {  	s21 =	sadd.s32 $0x2990, s15;
	[sflag:s16] =	ssyncadd.s32 @!p0 $0xFFFFF830  }
0x93: {  	[tilespmem:s2], [sflag:$0x1] =	stream.indirect.gather [hbm4b:s5+s23], $0x10, s21, s23, $0xb8;
	[tilespmem:$0x9D30] =	vst v63  }
0x94: {  	_ =	swait.ge [sflag:s1], $0x7D0  }
0x95: {  	[sflag:s1] =	ssyncset.done $0x0  }
0x96: {  	s9 =	sadd.s32 $0x3B90, s15;
	[sflag:s1] =	ssyncadd.s32 $0xFFFFF830  }
0x97: {  	[spmem:s3] =	stream.indirect.scatter.add.f32 [tilespmem:s25], [sflag:$0x2], $0x10, s9, s23, $0xb8;
	[tilespmem:$0x9D30] =	vst v63  }
0x98: {  	_ =	swait.ge @!p0 [sflag:s16], $0x7D0  }
0x99: {  	[sflag:s16] =	ssyncset.done @!p0 $0x0  }
0x9a: {  	s10 =	sadd.s32 $0x2A10, s15;
	[sflag:s16] =	ssyncadd.s32 @!p0 $0xFFFFF830  }
0x9b: {  	[tilespmem:s22], [sflag:$0x1] =	stream.indirect.gather [hbm4b:s5+s23], $0x10, s10, s23, $0xb8;
	[tilespmem:$0x9D30] =	vst v63  }
0x9c: {  	_ =	swait.ge [sflag:s1], $0x7D0  }
0x9d: {  	[sflag:s1] =	ssyncset.done $0x0  }
0x9e: {  	s17 =	sadd.s32 $0x3C10, s15;
	[sflag:s1] =	ssyncadd.s32 $0xFFFFF830  }
0x9f: {  	[spmem:s3] =	stream.indirect.scatter.add.f32 [tilespmem:s28], [sflag:$0x2], $0x10, s17, s23, $0xb8;
	[tilespmem:$0x9D30] =	vst v63  }
0xa0: {  	_ =	swait.ge @!p0 [sflag:s16], $0x7D0  }
0xa1: {  	[sflag:s16] =	ssyncset.done @!p0 $0x0  }
0xa2: {  	s18 =	sadd.s32 $0x2A90, s15;
	[sflag:s16] =	ssyncadd.s32 @!p0 $0xFFFFF830  }
0xa3: {  	[tilespmem:s24], [sflag:$0x1] =	stream.indirect.gather [hbm4b:s5+s23], $0x10, s18, s23, $0xb8;
	[tilespmem:$0x9D30] =	vst v63  }
0xa4: {  	_ =	swait.ge [sflag:s1], $0x7D0  }
0xa5: {  	[sflag:s1] =	ssyncset.done $0x0  }
0xa6: {  	s4 =	sadd.s32 $0x3C90, s15;
	[sflag:s1] =	ssyncadd.s32 $0xFFFFF830  }
0xa7: {  	[spmem:s3] =	stream.indirect.scatter.add.f32 [tilespmem:s30], [sflag:$0x2], $0x10, s4, s23, $0xb8;
	[tilespmem:$0x9D30] =	vst v63  }
0xa8: {  	_ =	swait.ge @!p0 [sflag:s16], $0x7D0  }
0xa9: {  	[sflag:s16] =	ssyncset.done @!p0 $0x0  }
0xaa: {  	s6 =	sadd.s32 $0x2B10, s15;
	[sflag:s16] =	ssyncadd.s32 @!p0 $0xFFFFF830  }
0xab: {  	[tilespmem:s26], [sflag:$0x1] =	stream.indirect.gather [hbm4b:s5+s23], $0x10, s6, s23, $0xb8;
	[tilespmem:$0x9D30] =	vst v63  }
0xac: {  	_ =	swait.ge [sflag:s1], $0x7D0  }
0xad: {  	[sflag:s1] =	ssyncset.done $0x0  }
0xae: {  	s7 =	sadd.s32 $0x3D10, s15;
	[sflag:s1] =	ssyncadd.s32 $0xFFFFF830  }
0xaf: {  	[spmem:s3] =	stream.indirect.scatter.add.f32 [tilespmem:s0], [sflag:$0x2], $0x10, s7, s23, $0xb8;
	[tilespmem:$0x9D30] =	vst v63  }
0xb0: {  	_ =	swait.ge @!p0 [sflag:s16], $0x7D0  }
0xb1: {  	[sflag:s16] =	ssyncset.done @!p0 $0x0  }
0xb2: {  	s8 =	sadd.s32 $0x2B90, s15;
	[sflag:s16] =	ssyncadd.s32 @!p0 $0xFFFFF830  }
0xb3: {  	[tilespmem:s29], [sflag:$0x1] =	stream.indirect.gather [hbm4b:s5+s23], $0x10, s8, s23, $0xb8;
	[tilespmem:$0x9D30] =	vst v63  }
0xb4: {  	_ =	swait.ge [sflag:s1], $0x7D0  }
0xb5: {  	[sflag:s1] =	ssyncset.done $0x0  }
0xb6: {  	s9 =	sadd.s32 $0x3D90, s15;
	[sflag:s1] =	ssyncadd.s32 $0xFFFFF830  }
0xb7: {  	[spmem:s3] =	stream.indirect.scatter.add.f32 [tilespmem:s2], [sflag:$0x2], $0x10, s9, s23, $0xb8;
	[tilespmem:$0x9D30] =	vst v63  }
0xb8: {  	_ =	swait.ge [sflag:s31], $0x7D0  }
0xb9: {  	p0 =	seq.s32 s14, $0x3C00;
	[sflag:s31] =	ssyncset.done $0x0  }
0xba: {  	s16 =	simm.s32 @p0 $0x1;
	[sflag:s31] =	ssyncadd.s32 $0xFFFFF830  }
0xbb: {  	_ =	swait.ge @p0 [sflag:s16], $0x7D0  }
0xbc: {  	s21 =	sshra.s32 @p0 s14, $0x2;
	s18 =	simm.s32 @p0 $0x7D;
	[sflag:s16] =	ssyncset.done @p0 $0x0  }
0xbd: {  	s4 =	simm.s32 @p0 $0x7DF0;
	s17 =	sadd.s32 @p0 $0x3E10, s21;
	[sflag:s16] =	ssyncadd.s32 @p0 $0xFFFFF830  }
0xbe: {  	[spmem:s3] =	stream.indirect.scatter.add.f32 @p0 [tilespmem:s4], [sflag:$0x2], $0x10, s17, s18, $0xb8;
	[tilespmem:$0x9D30] =	vst v63  }
0xbf: {  	s4 =	simm.s32 @p0 $0x2  }
0xc0: {  	_ =	swait.ge @p0 [sflag:s4], $0x7D0  }
0xc1: {  	s7 =	simm.s32 @!p0 $0x7D;
	s17 =	sshra.s32 @!p0 s14, $0x2;
	[sflag:s4] =	ssyncset.done @p0 $0x0  }
0xc2: {  	s8 =	simm.s32 @!p0 $0x4F10;
	s6 =	sadd.s32 @!p0 $0x2C10, s17;
	[sflag:s4] =	ssyncadd.s32 @p0 $0xFFFFF830  }
0xc3: {  	[tilespmem:s8], [sflag:$0x1] =	stream.indirect.gather @!p0 [hbm4b:s5+s7], $0x10, s6, s7, $0xb8;
	[tilespmem:$0x9D30] =	vst v63  }
0xc4: {  	s6 =	simm.s32 @!p0 $0x1  }
0xc5: {  	_ =	swait.ge @!p0 [sflag:s6], $0x7D0  }
0xc6: {  	[sflag:s6] =	ssyncset.done @!p0 $0x0  }
0xc7: {  	s9 =	simm.s32 @!p0 $0x7DF0;
	s8 =	sadd.s32 @!p0 $0x3E10, s17;
	[sflag:s6] =	ssyncadd.s32 @!p0 $0xFFFFF830  }
0xc8: {  	[spmem:s3] =	stream.indirect.scatter.add.f32 @!p0 [tilespmem:s9], [sflag:$0x2], $0x10, s8, s7, $0xb8;
	[tilespmem:$0x9D30] =	vst v63  }
0xc9: {  	s8 =	simm.s32 @!p0 $0x2  }
0xca: {  	_ =	swait.ge @!p0 [sflag:s8], $0x7D0  }
0xcb: {  	[sflag:s8] =	ssyncset.done @!p0 $0x0  }
0xcc: {  	s10 =	simm.s32 @!p0 $0x56E0;
	s9 =	sadd.s32 @!p0 $0x2C90, s17;
	[sflag:s8] =	ssyncadd.s32 @!p0 $0xFFFFF830  }
0xcd: {  	[tilespmem:s10], [sflag:$0x1] =	stream.indirect.gather @!p0 [hbm4b:s5+s7], $0x10, s9, s7, $0xb8;
	[tilespmem:$0x9D30] =	vst v63  }
0xce: {  	_ =	swait.ge [sflag:s1], $0x7D0  }
0xcf: {  	[sflag:s1] =	ssyncset.done $0x0  }
0xd0: {  	s10 =	sadd.s32 $0x3E90, s15;
	[sflag:s1] =	ssyncadd.s32 $0xFFFFF830  }
0xd1: {  	[spmem:s3] =	stream.indirect.scatter.add.f32 [tilespmem:s24], [sflag:$0x2], $0x10, s10, s23, $0xb8;
	[tilespmem:$0x9D30] =	vst v63  }
0xd2: {  	_ =	swait.ge [sflag:s31], $0x7D0  }
0xd3: {  	[sflag:s31] =	ssyncset.done $0x0  }
0xd4: {  	[sflag:s31] =	ssyncadd.s32 $0xFFFFF830  }
0xd5: {  	_ =	swait.ge @p0 [sflag:s16], $0x7D0  }
0xd6: {  	[sflag:s16] =	ssyncset.done @p0 $0x0  }
0xd7: {  	s9 =	sadd.s32 @p0 $0x3F10, s21;
	s10 =	simm.s32 @p0 $0x8D90;
	[sflag:s16] =	ssyncadd.s32 @p0 $0xFFFFF830  }
0xd8: {  	[spmem:s3] =	stream.indirect.scatter.add.f32 @p0 [tilespmem:s10], [sflag:$0x2], $0x10, s9, s18, $0xb8;
	[tilespmem:$0x9D30] =	vst v63  }
0xd9: {  	_ =	swait.ge @p0 [sflag:s4], $0x7D0  }
0xda: {  	[sflag:s4] =	ssyncset.done @p0 $0x0  }
0xdb: {  	s9 =	simm.s32 @!p0 $0x5EB0;
	[sflag:s4] =	ssyncadd.s32 @p0 $0xFFFFF830;
	s4 =	sadd.s32 @!p0 $0x2D10, s17  }
0xdc: {  	[tilespmem:s9], [sflag:$0x1] =	stream.indirect.gather @!p0 [hbm4b:s5+s7], $0x10, s4, s7, $0xb8;
	[tilespmem:$0x9D30] =	vst v63  }
0xdd: {  	_ =	swait.ge @!p0 [sflag:s6], $0x7D0  }
0xde: {  	[sflag:s6] =	ssyncset.done @!p0 $0x0  }
0xdf: {  	s4 =	sadd.s32 @!p0 $0x3F10, s17;
	[sflag:s6] =	ssyncadd.s32 @!p0 $0xFFFFF830;
	s6 =	simm.s32 @!p0 $0x8D90  }
0xe0: {  	[spmem:s3] =	stream.indirect.scatter.add.f32 @!p0 [tilespmem:s6], [sflag:$0x2], $0x10, s4, s7, $0xb8;
	[tilespmem:$0x9D30] =	vst v63  }
0xe1: {  	_ =	swait.ge @!p0 [sflag:s8], $0x7D0  }
0xe2: {  	[sflag:s8] =	ssyncset.done @!p0 $0x0  }
0xe3: {  	s4 =	sadd.s32 @!p0 $0x2D90, s17;
	s6 =	simm.s32 @!p0 $0x6680;
	[sflag:s8] =	ssyncadd.s32 @!p0 $0xFFFFF830  }
0xe4: {  	[tilespmem:s6], [sflag:$0x1] =	stream.indirect.gather @!p0 [hbm4b:s5+s7], $0x10, s4, s7, $0xb8;
	[tilespmem:$0x9D30] =	vst v63  }
0xe5: {  	_ =	swait.ge [sflag:s1], $0x7D0  }
0xe6: {  	[sflag:s1] =	ssyncset.done $0x0  }
.Ltmp2:
0xe7: {  	s21 =	sadd.s32 $0x3F90, s15;
	[sflag:s1] =	ssyncadd.s32 $0xFFFFF830;
	(pc) =	sbr.rel @p0 .LBB2_4-.Ltmp2, $4  }
0xe8: {  	[spmem:s3] =	stream.indirect.scatter.add.f32 [tilespmem:s29], [sflag:$0x2], $0x10, s21, s23, $0xb8;
	[tilespmem:$0x9D30] =	vst v63  }
0xe9: {  	_ =	swait.ge [sflag:s31], $0x7D0  }
0xea: {  	[sflag:s31] =	ssyncset.done $0x0  }
0xeb: {  	[sflag:s31] =	ssyncadd.s32 $0xFFFFF830  }
.Ltmp3:
0xec: {  	(pc) =	sbr.rel .LBB2_2-.Ltmp3, $3  }
0xed: {  	_ =	sdelay $0x1  }
0xee: {  	s4 =	sadd.s32 $0x2E10, s15;
	s14 =	sadd.s32 $0x1400, s14  }
0xef: {  	[tilespmem:s0], [sflag:$0x1] =	stream.indirect.gather [hbm4b:s5+s23], $0x10, s4, s23, $0xb8;
	[tilespmem:$0x9D30] =	vst v63  }
.LBB2_5:
0xf0: {  	_ =	sfence.sel $0x180000  }
0xf1: {  	[bflag:$0x0] =	sbarrier.arrive $0xFFFF  }
0xf2: {  	_ =	strace $0x9000004D  }
0xf3: {  	s0 =	stileid.u32;
	[bflag:$0x2] =	sbarrier.arrive $0xFFFF  }
0xf4: {  	p0 =	sne.s32 s0, $0x0;
	s0 =	rddreg [dreg:$0x3]  }
0xf5: {  	s0 =	sadd.s32 @!p0 $0x100000, s0  }
0xf6: {  	[sflag:s0] =	ssyncadd.tile.s32 @!p0 $0x1;
	_ =	shalt  }
.Lfunc_end2:
_tile_overlayer_lowered:
.L_overlay_start_2:
0xf7: {  	(tag) =	ssettag $0x2  }
0xf8: {  	s0 =	rddreg [dreg:$0x0];
	s2 =	stileid.u32  }
0xf9: {  	s1 =	rddreg [dreg:$0x1];
	p0 =	sne.s32 s2, $0x0  }
0xfa: {  	s3 =	rddreg [dreg:$0x2];
	[bflag:$0x3] =	sbarrier.arrive $0xFFFF;
	s2 =	simm.s32 @!p0 $0x1C03  }
0xfb: {  	[timem:s3], [sflag:s2] =	dma.local @!p0 [hbm:s0], s1  }
0xfc: {  	s0 =	simm.s32 @!p0 $0x3  }
0xfd: {  	_ =	swait.ge @!p0 [sflag:s0], s1  }
0xfe: {  	s1 =	ssub.s32 @!p0 $0x0, s1;
	[sflag:s0] =	ssyncset.done @!p0 $0x0  }
0xff: {  	[sflag:s0] =	ssyncadd.s32 @!p0 s1  }
0x100: {  	[bflag:$0x3] =	sbarrier.arrive $0xFFFF  }
0x101: {  	_ =	shalt  }

// kernel: kernel.8.cloned.1.call-start
scs
__scs_entry_jumppad:
0x0: {  	(pc) =	sbr.rel $0x88, $3  }
0x1: {  	(tag) =	ssettag $0x0;
	lr =	simm.s32 $0x1  }
0x2: {  	[smem:$0x3F9B] =	sst lr;
	_ =	strace $0xD0000000  }
0x3: {  	_ = 	snop  }
0x4: {  	_ = 	snop  }
0x5: {  	_ = 	snop  }
0x6: {  	_ = 	snop  }
0x7: {  	_ = 	snop  }
__scs_overlays_trampoline_lowered:
0x8: {  	[smem:$0x3FAA] =	sst s0  }
0x9: {  	[smem:$0x3FAB] =	sst s1  }
0xa: {  	[smem:$0x3FAC] =	sst s2  }
0xb: {  	[smem:$0x3FAD] =	sst s3  }
0xc: {  	[smem:$0x3FAE] =	sst s4  }
0xd: {  	[smem:$0x3FAF] =	sst s5  }
0xe: {  	[smem:$0x3FB0] =	sst s6  }
0xf: {  	[smem:$0x3FB1] =	sst s7  }
0x10: {  	[smem:$0x3FB2] =	sst s8  }
0x11: {  	[smem:$0x3FB3] =	sst s9;
	s0 =	simm.s32 @!p0 $0x0  }
0x12: {  	s1 =	sld [smem:$0x3F99];
	s0 =	simm.s32 @p0 $0x1  }
0x13: {  	[smem:$0x3FB4] =	sst s0;
	s0 =	simm.s32 @!p1 $0x0  }
0x14: {  	s2 =	sld [smem:$0x3F98];
	s0 =	simm.s32 @p1 $0x1  }
0x15: {  	[smem:$0x3FB5] =	sst s0;
	s0 =	simm.s32 @!p2 $0x0  }
0x16: {  	s3 =	sld [smem:$0x3FDB];
	s0 =	simm.s32 @p2 $0x1  }
0x17: {  	s4 =	simm.s32 $0x1BF5;
	[smem:$0x3FB7] =	sst s0  }
0x18: {  	s0 =	sld [smem:$0x3F9A];
	_ =	swait.ge [sflag:s4], $0x0  }
0x19: {  	s7 =	sld [smem:$0x3F9B]  }
0x1a: {  	s8 =	sadd.s32 $0xFFFFE003, lr  }
0x1b: {  	s9 =	sadd.s32 $0xFFFFFEF7, lr;
	s5 =	simm.s32 $0xFFFFFFFF;
	p2 =	slt.u32 s8, $0xFFFFF086  }
0x1c: {  	p1 =	slt.u32 s9, $0xF7A;
	s5 =	simm.s32 @!p2 $0x0  }
0x1d: {  	s5 =	simm.s32 @p1 $0x1;
	p0 =	seq.s32 s7, s2  }
0x1e: {  	s7 =	smul.u32 @!p0 $0xF7A, s2;
	p2 =	seq.s32 @!p0 s5, $0x0  }
0x1f: {  	s9 =	smul.u32 $0xF7A, s1;
	s8 =	simm.s32 @!p0 $0x1BF5;
	p2 =	por !p2, p0  }
0x20: {  	[sflag:s8] =	ssyncset.s32 @!p0 $0xFFFFF086;
	s6 =	sadd.s32 @!p0 s3, s7;
	s7 =	simm.s32 @!p0 $0x108  }
0x21: {  	s3 =	sadd.s32 s3, s9;
	s6 =	sadd.s32 @!p0 $0x88, s6;
	s7 =	simm.s32 @p2 $0x1082  }
0x22: {  	[simem:s7], [sflag:s8] =	dma.local @!p0 [hbm:s6], $0xF7A  }
0x23: {  	s9 =	sor.u32 $0xD0000000, s2;
	s6 =	simm.s32 $0x108;
	_ =	swait.ge @!p0 [sflag:s8], $0x0  }
0x24: {  	s3 =	sadd.s32 $0x88, s3;
	s6 =	simm.s32 @!p1 $0x1082;
	[sflag:s4] =	ssyncset.s32 $0xFFFFF086  }
0x25: {  	[simem:s6], [sflag:s4] =	dma.local [hbm:s3], $0xF7A  }
0x26: {  	[smem:$0x3F9B] =	sst s1;
	(tag) =	ssettag s2;
	_ =	strace s9  }
0x27: {  	s1 =	sld [smem:$0x3FAB]  }
0x28: {  	s2 =	sld [smem:$0x3FAC]  }
0x29: {  	s4 =	sld [smem:$0x3FAE]  }
0x2a: {  	p0 =	seq.s32 s5, $0x0;
	s5 =	sld [smem:$0x3FAF]  }
0x2b: {  	s6 =	sld [smem:$0x3FB0]  }
0x2c: {  	s7 =	sld [smem:$0x3FB1]  }
0x2d: {  	s3 =	simm.s32 $0x108;
	s8 =	sld [smem:$0x3FB2]  }
0x2e: {  	s3 =	simm.s32 @!p0 $0x1082;
	s9 =	sld [smem:$0x3FB3]  }
0x2f: {  	lr =	sadd.s32 s0, s3;
	s0 =	sld [smem:$0x3FAA]  }
0x30: {  	s3 =	sld [smem:$0x3FAD]  }
0x31: {  	[smem:$0x3FB6] =	sst s10  }
0x32: {  	s10 =	sld [smem:$0x3FB4];
	_ =	sdelay $0x3  }
0x33: {  	p0 =	seq.s32 s10, $0x1;
	s10 =	sld [smem:$0x3FB6];
	_ =	sdelay $0x3  }
0x34: {  	[smem:$0x3FB6] =	sst s10  }
0x35: {  	s10 =	sld [smem:$0x3FB5];
	_ =	sdelay $0x3  }
0x36: {  	p1 =	seq.s32 s10, $0x1;
	s10 =	sld [smem:$0x3FB6];
	_ =	sdelay $0x3  }
0x37: {  	[smem:$0x3FB6] =	sst s10  }
0x38: {  	s10 =	sld [smem:$0x3FB7]  }
0x39: {  	_ = 	snop;
	(pc) =	sbr.ind lr, $3  }
0x3a: {  	_ = 	snop  }
0x3b: {  	_ = 	snop  }
0x3c: {  	p2 =	seq.s32 s10, $0x1;
	s10 =	sld [smem:$0x3FB6]  }
0x3d: {  	_ =	shalt  }
0x3e: {  	_ =	shalt  }
0x3f: {  	_ =	shalt  }
0x40: {  	_ =	shalt  }
0x41: {  	_ =	shalt  }
0x42: {  	_ =	shalt  }
0x43: {  	_ =	shalt  }
0x44: {  	_ =	shalt  }
0x45: {  	_ =	shalt  }
0x46: {  	_ =	shalt  }
0x47: {  	_ =	shalt  }
0x48: {  	_ =	shalt  }
0x49: {  	_ =	shalt  }
0x4a: {  	_ =	shalt  }
0x4b: {  	_ =	shalt  }
0x4c: {  	_ =	shalt  }
0x4d: {  	_ =	shalt  }
0x4e: {  	_ =	shalt  }
0x4f: {  	_ =	shalt  }
0x50: {  	_ =	shalt  }
0x51: {  	_ =	shalt  }
0x52: {  	_ =	shalt  }
0x53: {  	_ =	shalt  }
0x54: {  	_ =	shalt  }
0x55: {  	_ =	shalt  }
0x56: {  	_ =	shalt  }
0x57: {  	_ =	shalt  }
0x58: {  	_ =	shalt  }
0x59: {  	_ =	shalt  }
0x5a: {  	_ =	shalt  }
0x5b: {  	_ =	shalt  }
0x5c: {  	_ =	shalt  }
0x5d: {  	_ =	shalt  }
0x5e: {  	_ =	shalt  }
0x5f: {  	_ =	shalt  }
0x60: {  	_ =	shalt  }
0x61: {  	_ =	shalt  }
0x62: {  	_ =	shalt  }
0x63: {  	_ =	shalt  }
0x64: {  	_ =	shalt  }
0x65: {  	_ =	shalt  }
0x66: {  	_ =	shalt  }
0x67: {  	_ =	shalt  }
0x68: {  	_ =	shalt  }
0x69: {  	_ =	shalt  }
0x6a: {  	_ =	shalt  }
0x6b: {  	_ =	shalt  }
0x6c: {  	_ =	shalt  }
0x6d: {  	_ =	shalt  }
0x6e: {  	_ =	shalt  }
0x6f: {  	_ =	shalt  }
0x70: {  	_ =	shalt  }
0x71: {  	_ =	shalt  }
0x72: {  	_ =	shalt  }
0x73: {  	_ =	shalt  }
0x74: {  	_ =	shalt  }
0x75: {  	_ =	shalt  }
0x76: {  	_ =	shalt  }
0x77: {  	_ =	shalt  }
0x78: {  	_ =	shalt  }
0x79: {  	_ =	shalt  }
0x7a: {  	_ =	shalt  }
0x7b: {  	_ =	shalt  }
0x7c: {  	_ =	shalt  }
0x7d: {  	_ =	shalt  }
0x7e: {  	_ =	shalt  }
0x7f: {  	_ =	shalt  }
0x80: {  	_ =	shalt  }
0x81: {  	_ =	shalt  }
0x82: {  	_ =	shalt  }
0x83: {  	_ =	shalt  }
0x84: {  	_ =	shalt  }
0x85: {  	_ =	shalt  }
0x86: {  	_ =	shalt  }
0x87: {  	_ =	shalt  }
.Lfunc_end0:
.L_simem_size_0:
called_computation_lowered:
.L_overlay_start_0:
0x88: {  	s2 =	sld [smem:$0x3FD9]  }
0x89: {  	s3 =	sld [smem:$0x3FFE];
	_ =	sdelay $0x1  }
0x8a: {  	s1 =	srdreg.scid  }
0x8b: {  	s0 =	sand.u32 $0x1, s1  }
0x8c: {  	s17 =	sshll.u32 s0, $0xA;
	s2 =	sadd.s32 s3, s2  }
0x8d: {  	s2 =	sadd.s32 s2, s17  }
0x8e: {  	[smem:$0x3FC2] =	sst s2  }
0x8f: {  	_ = 	snop  }
0x90: {  	s2 =	sld [smem:$0x3FD0];
	(tm) =	ssettm $0x1  }
0x91: {  	s18 =	sld [smem:$0x3FFB];
	_ =	sdelay $0x3  }
0x92: {  	_ =	strace s18  }
0x93: {  	s3 =	sld [smem:$0x3FFC];
	_ =	sdelay $0x3  }
0x94: {  	_ =	strace s3  }
0x95: {  	s3 =	sld [smem:$0x3FFD];
	_ =	sdelay $0x3  }
0x96: {  	_ =	strace s3  }
0x97: {  	_ =	strace $0x8FFFFFFF  }
0x98: {  	s19 =	sld [smem:$0x3FDB];
	_ =	sdelay $0x1  }
0x99: {  	s4 =	simm.s32 $_scs_section_size  }
0x9a: {  	s5 =	simm.s32 $_size__tile_overlayer_lowered;
	s6 =	simm.s32 $_tile_overlayer_lowered  }
0x9b: {  	s22 =	simm.s32 $0x1BFF;
	s21 =	sshll.u32 s6, $0x1;
	s3 =	sadd.s32 s4, s19  }
0x9c: {  	s7 =	simm.s32 $0x0;
	s20 =	sshll.u32 s5, $0x1;
	s5 =	sadd.s32 s21, s3  }
0x9d: {  	[timem:s7], [sflag:s22] =	dma.local [hbm:s5], s20  }
0x9e: {  	_ =	swait.ge [sflag:s22], s20  }
0x9f: {  	s4 =	ssub.s32 $0x0, s20;
	[sflag:s22] =	ssyncset.done $0x0  }
0xa0: {  	[sflag:s22] =	ssyncadd.s32 s4;
	_ =	sdelay $0x1  }
0xa1: {  	s23 =	simm.s32 $0x1B8B  }
0xa2: {  	_ =	swait.ge [sflag:s23], $0x1  }
0xa3: {  	[sflag:s23] =	ssyncset.done $0x0  }
0xa4: {  	s25 =	simm.s32 $0x1B8E;
	s24 =	sld [smem:$0x3FFE];
	[sflag:s23] =	ssyncadd.s32 $0xFFFFFFFF  }
0xa5: {  	s26 =	simm.s32 $execute0_lowered;
	[smem:$0x3FD2] =	sst s25  }
0xa6: {  	s5 =	sshll.u32 s26, $0x1;
	_ =	strace $0x80000046;
	[dreg:$0x1] =	wrdreg $0xFFFFFFFF  }
0xa7: {  	s28 =	simm.s32 $_size_execute0_lowered;
	s3 =	sadd.s32 s3, s5;
	[dreg:$0x0] =	wrdreg $0x0  }
0xa8: {  	s5 =	sshll.u32 s28, $0x1;
	[dreg:$0x2] =	wrdreg s3  }
0xa9: {  	[dreg:$0x3] =	wrdreg s5  }
0xaa: {  	[dreg:$0x4] =	wrdreg $0xC0  }
0xab: {  	_ =	task [dreg:s7], $0x5FFFF  }
0xac: {  	[dreg:$0x1] =	wrdreg $0xFFFFFFFF  }
0xad: {  	[dreg:$0x0] =	wrdreg $0x60  }
0xae: {  	[dreg:$0x2] =	wrdreg s24  }
0xaf: {  	[dreg:$0x3] =	wrdreg s2  }
0xb0: {  	[dreg:$0x4] =	wrdreg $0x0  }
0xb1: {  	[dreg:$0x5] =	wrdreg $0x9  }
0xb2: {  	_ =	task.clear_ibuf [dreg:s7], $0x6FFFF;
	_ =	strace $0x90000046  }
0xb3: {  	s29 =	simm.s32 $0x9;
	_ =	strace $0x80000048  }
0xb4: {  	_ =	swait.ge [sflag:s29], $0x1  }
0xb5: {  	[sflag:s29] =	ssyncadd.s32 $0xFFFFFFFF  }
0xb6: {  	_ =	strace $0x90000048  }
0xb7: {  	_ =	sfence  }
0xb8: {  	s30 =	sld [smem:$0x0];
	_ =	sdelay $0x2  }
0xb9: {  	s31 =	sshll.u32 s1, $0xD;
	s1 =	sshrl.u32 s1, $0x2  }
0xba: {  	s3 =	sand.u32 $0x4000, s31;
	s1 =	sadd.s32 s1, s30  }
0xbb: {  	s0 =	sor.u32 s3, s0;
	s1 =	sshll.u32 s1, $0x11  }
0xbc: {  	s0 =	sor.u32 s1, s0  }
0xbd: {  	s0 =	sadd.s32 $0x8F2B, s0  }
0xbe: {  	[sflag:s0] =	ssyncadd.remote.s32 $0x1  }
0xbf: {  	_ =	sfence.sel $0xFFFF  }
0xc0: {  	[dreg:$0x0] =	wrdreg $0xFFFFFFFF;
	(pc) =	sbr.abs _section_cstart, $3  }
0xc1: {  	[dreg:$0x1] =	wrdreg $0xFFFFFFFF  }
0xc2: {  	_ =	task.clear_ibuf [dreg:s7], $0x2FFFF;
	_ =	strace $0x9FFFFFFF  }
0xc3: {  	(tm) =	ssettm $0x7FFFFFFF  }
tec
execute0_lowered:
.L_overlay_start_1:
0x0: {  	(tag) =	ssettag $0x1  }
0x1: {  	s5 =	rddreg [dreg:$0x0]  }
0x2: {  	s9 =	rddreg [dreg:$0x1]  }
0x3: {  	s2 =	rddreg [dreg:$0x2]  }
0x4: {  	s0 =	rddreg [dreg:$0x3]  }
0x5: {  	s1 =	stileid.u32;
	s3 =	simm.s32 $0x0;
	s6 =	srdreg.scid  }
0x6: {  	s13 =	simm.s32 $0x2A80;
	s14 =	simm.s32 $0x280;
	s4 =	smul.u32 $0x500, s1  }
0x7: {  	s15 =	simm.s32 $0x7D;
	s16 =	simm.s32 $0x0;
	s7 =	smul.u32 $0xA00, s1  }
0x8: {  	[smem:$0x7FF] =	sst s3;
	s6 =	sand.u32 $0x1, s6;
	s11 =	smul.u32 $0x140, s1  }
0x9: {  	_ =	strace $0x80000047;
	s8 =	smul.u32 $0x1400, s6;
	s6 =	ssub.s32 $0x2, s6  }
0xa: {  	s10 =	sadd.s32 s4, s5;
	s4 =	sadd.s32 $0x5E00, s5;
	s12 =	sshrl.u32 s6, $0x1  }
0xb: {  	s5 =	sadd.s32 $0x5C00, s5;
	s30 =	sshrl.u32 s7, $0x2;
	s12 =	ssub.s32 s6, s12  }
0xc: {  	s8 =	sadd.s32 s11, s8;
	s6 =	sadd.s32 s30, s2;
	s7 =	sadd.s32 $0xC00, s10  }
0xd: {  	s11 =	simm.s32 $0x2B00;
	s31 =	sshrl.u32 s8, $0x3;
	s8 =	sadd.s32 s8, s2  }
0xe: {  	s10 =	smax.u32 s12, $0x1;
	s12 =	simm.s32 $0x1;
	s9 =	sadd.s32 s9, s31  }
.LBB2_1:
0xf: {  	[tilespmem:s11], [sflag:$0x1] =	stream.linear.gather [hbm4b:s5+s3], $0x280, $0x38;
	[tilespmem:$0x2D80] =	vst v63  }
0x10: {  	_ =	swait.ge [sflag:s12], $0x280  }
0x11: {  	[sflag:s12] =	ssyncset.done $0x0  }
0x12: {  	[sflag:s12] =	ssyncadd.s32 $0xFFFFFD80  }
0x13: {  	[spmem:s6] =	stream.linear.scatter [tilespmem:s11], [sflag:$0x1], $0x280, $0x38;
	[tilespmem:$0x2D80] =	vst v63  }
0x14: {  	_ =	swait.ge [sflag:s12], $0x280  }
0x15: {  	[sflag:s12] =	ssyncset.done $0x0  }
0x16: {  	[sflag:s12] =	ssyncadd.s32 $0xFFFFFD80  }
0x17: {  	[tilespmem:s13], [sflag:$0x1] =	stream.linear.gather [hbm4b:s4+s3], $0x80, $0x38;
	[tilespmem:$0x2D80] =	vst v63  }
0x18: {  	_ =	swait.ge [sflag:s12], $0x80  }
0x19: {  	[sflag:s12] =	ssyncset.done $0x0  }
0x1a: {  	[sflag:s12] =	ssyncadd.s32 $0xFFFFFF80  }
0x1b: {  	[tilespmem:s14], [sflag:$0x1] =	stream.linear.gather [hbm4b:s7+s3], $0x2800, $0x38;
	[tilespmem:$0x2D80] =	vst v63  }
0x1c: {  	_ =	swait.ge [sflag:s12], $0x2800  }
0x1d: {  	[sflag:s12] =	ssyncset.done $0x0  }
0x1e: {  	[sflag:s12] =	ssyncadd.s32 $0xFFFFD800  }
0x1f: {  	s17 =	simm.s32 $0x280;
	[bflag:$0x0] =	sbarrier.arrive $0xFFFF  }
0x20: {  	[spmem:s2] =	stream.indirect.scatter.add.f32 [tilespmem:s13], [sflag:$0x1], $0x1, s17, s15, $0xb8;
	[tilespmem:$0x2D80] =	vst v63  }
0x21: {  	s17 =	simm.s32 $0x200;
	_ =	swait.ge [sflag:s12], $0x7D  }
.LBB2_2:
0x22: {  	s18 =	sshra.s32 s17, $0x2;
	[sflag:s12] =	ssyncset.done $0x0;
	p0 =	sne.s32 s17, $0x9E00  }
.Ltmp0:
0x23: {  	s18 =	sadd.s32 $0x280, s18;
	[sflag:s12] =	ssyncadd.s32 $0xFFFFFF83;
	(pc) =	sbr.rel @p0 .LBB2_2-.Ltmp0, $3  }
0x24: {  	[spmem:s2] =	stream.indirect.scatter.add.f32 [tilespmem:s13], [sflag:$0x1], $0x1, s18, s15, $0xb8;
	[tilespmem:$0x2D80] =	vst v63  }
0x25: {  	s17 =	sadd.s32 $0x200, s17;
	_ =	sdelay $0x1  }
0x26: {  	_ =	swait.ge [sflag:s12], $0x7D  }
0x27: {  	[sflag:s12] =	ssyncset.done $0x0  }
0x28: {  	[sflag:s12] =	ssyncadd.s32 $0xFFFFFF83  }
0x29: {  	[bflag:$0x0] =	sbarrier.arrive $0xFFFF  }
0x2a: {  	[tilespmem:s11], [sflag:$0x1] =	stream.linear.gather [spmem:s8], $0x140, $0x38;
	[tilespmem:$0x2D80] =	vst v63  }
0x2b: {  	s16 =	sadd.s32 $0x1, s16;
	_ =	swait.ge [sflag:s12], $0x140  }
0x2c: {  	p0 =	sne.s32 s16, s10;
	[sflag:s12] =	ssyncset.done $0x0  }
.Ltmp1:
0x2d: {  	[sflag:s12] =	ssyncadd.s32 $0xFFFFFEC0;
	(pc) =	sbr.rel @p0 .LBB2_1-.Ltmp1, $4  }
0x2e: {  	[hbm4b:s9+s3] =	stream.linear.scatter [tilespmem:s11], [sflag:$0x1], $0x140, $0x38;
	[tilespmem:$0x2D80] =	vst v63  }
0x2f: {  	_ =	swait.ge [sflag:s12], $0x140  }
0x30: {  	[sflag:s12] =	ssyncset.done $0x0  }
0x31: {  	[sflag:s12] =	ssyncadd.s32 $0xFFFFFEC0  }
0x32: {  	_ =	sfence.sel $0x180000  }
0x33: {  	[bflag:$0x0] =	sbarrier.arrive $0xFFFF  }
0x34: {  	p0 =	sne.s32 s1, $0x0;
	_ =	strace $0x90000047  }
0x35: {  	s0 =	sadd.s32 @!p0 $0x100000, s0;
	[bflag:$0x2] =	sbarrier.arrive $0xFFFF  }
0x36: {  	[sflag:s0] =	ssyncadd.tile.s32 @!p0 $0x1;
	_ =	shalt  }
.Lfunc_end2:
_tile_overlayer_lowered:
.L_overlay_start_2:
0x37: {  	(tag) =	ssettag $0x2  }
0x38: {  	s0 =	rddreg [dreg:$0x0];
	s2 =	stileid.u32  }
0x39: {  	s1 =	rddreg [dreg:$0x1];
	p0 =	sne.s32 s2, $0x0  }
0x3a: {  	s3 =	rddreg [dreg:$0x2];
	[bflag:$0x3] =	sbarrier.arrive $0xFFFF;
	s2 =	simm.s32 @!p0 $0x1C01  }
0x3b: {  	[timem:s3], [sflag:s2] =	dma.local @!p0 [hbm:s0], s1  }
0x3c: {  	s0 =	simm.s32 @!p0 $0x1  }
0x3d: {  	_ =	swait.ge @!p0 [sflag:s0], s1  }
0x3e: {  	s1 =	ssub.s32 @!p0 $0x0, s1;
	[sflag:s0] =	ssyncset.done @!p0 $0x0  }
0x3f: {  	[sflag:s0] =	ssyncadd.s32 @!p0 s1  }
0x40: {  	[bflag:$0x3] =	sbarrier.arrive $0xFFFF  }
0x41: {  	_ =	shalt  }

</sc_bundles>
